<compile_context>
chip_gen: v7x
topology: tpu7x:2x2x1
jax: 0.10.2.dev20260603
libtpu: 0.0.44.dev20260713+nightly
codegen_flags: <defaults>
</compile_context>

<pallas_src>
import functools

import jax
import jax.numpy as jnp
from jax import lax
from jax.experimental import pallas as pl
from jax.experimental.pallas import tpu as pltpu
from jax.experimental.pallas import tpu_sc as plsc

N = 10000
E = 320000
D = 128
PRIOR_SIGMA = 0.1

NC = 2
NS = 16
NW = NC * NS
CH = 128
TPC = 80
ECH = NW * TPC
EP = ECH * CH
NP = 10240
RPT = NP // NS
NB_DEG = 4
NB_AGG = 2
G = 8
NST = TPC // G
NSROW = NW * NST

_mesh = plsc.VectorSubcoreMesh(core_axis_name="c", subcore_axis_name="s")


@functools.partial(
    pl.kernel,
    out_type=jax.ShapeDtypeStruct((NC * NP,), jnp.float32),
    mesh=_mesh,
    scratch_types=[
        [pltpu.VMEM((G, CH), jnp.int32) for _ in range(2)],
        [pltpu.SemaphoreType.DMA for _ in range(NB_DEG)],
        pltpu.VMEM((CH,), jnp.float32),
        pltpu.VMEM_SHARED((NP,), jnp.float32),
    ],
)
def _deg_kernel(dst3, zeros1, degp, dst_st, s_sems, ones_v, degacc):
    c = lax.axis_index("c")
    s = lax.axis_index("s")
    wid = s * NC + c
    pltpu.sync_copy(zeros1.at[pl.ds(s * RPT, RPT)],
                    degacc.at[pl.ds(s * RPT, RPT)])
    for i in range(CH // 16):
        ones_v[pl.ds(i * 16, 16)] = jnp.ones((16,), jnp.float32)
    plsc.subcore_barrier()
    sbase = wid * NST

    def pair_body(mm, carry):
        for p in range(2):
            t = mm * 2 + p
            pltpu.sync_copy(dst3.at[sbase + t], dst_st[p])
            for j in range(G):
                b = j % NB_DEG
                if j >= NB_DEG:
                    pltpu.make_async_copy(
                        ones_v, degacc.at[dst_st[p].at[j - NB_DEG]],
                        s_sems[b]).wait()
                else:
                    @pl.when(t >= 1)
                    def _():
                        pltpu.make_async_copy(
                            ones_v,
                            degacc.at[dst_st[1 - p].at[G - NB_DEG + j]],
                            s_sems[b]).wait()
                pltpu.async_copy(ones_v, degacc.at[dst_st[p].at[j]],
                                 s_sems[b], add=True)
        return carry

    lax.fori_loop(0, NST // 2, pair_body, 0)
    for j in range(G - NB_DEG, G):
        pltpu.make_async_copy(ones_v, degacc.at[dst_st[1].at[j]],
                              s_sems[j % NB_DEG]).wait()
    plsc.subcore_barrier()
    pltpu.sync_copy(degacc.at[pl.ds(s * RPT, RPT)],
                    degp.at[pl.ds(c * NP + s * RPT, RPT)])


@functools.partial(
    pl.kernel,
    out_type=jax.ShapeDtypeStruct((NC, NP, D), jnp.float32),
    mesh=_mesh,
    scratch_types=[
        [pltpu.VMEM((G, CH), jnp.int32) for _ in range(2)],
        [pltpu.VMEM((G, CH), jnp.int32) for _ in range(2)],
        [pltpu.VMEM((CH, D), jnp.float32) for _ in range(NB_AGG)],
        [pltpu.SemaphoreType.DMA for _ in range(NB_AGG)],
        [pltpu.SemaphoreType.DMA for _ in range(NB_AGG)],
        pltpu.VMEM_SHARED((NP, D), jnp.float32),
    ],
)
def _agg_kernel(xs, src3, dst3, zeros_nd, accp,
                src_st, dst_st, rows, g_sems, s_sems, acc):
    c = lax.axis_index("c")
    s = lax.axis_index("s")
    wid = s * NC + c
    pltpu.sync_copy(zeros_nd.at[pl.ds(s * RPT, RPT)],
                    acc.at[pl.ds(s * RPT, RPT)])
    plsc.subcore_barrier()
    sbase = wid * NST

    def pair_body(mm, carry):
        for p in range(2):
            t = mm * 2 + p
            q = 1 - p
            pltpu.sync_copy(src3.at[sbase + t], src_st[p])
            pltpu.sync_copy(dst3.at[sbase + t], dst_st[p])
            for j in range(G):
                b = j % NB_AGG
                ob = 1 - b
                if j >= NB_AGG:
                    pltpu.make_async_copy(
                        rows[b], acc.at[dst_st[p].at[j - NB_AGG]],
                        s_sems[b]).wait()
                else:
                    @pl.when(t >= 1)
                    def _():
                        pltpu.make_async_copy(
                            rows[b],
                            acc.at[dst_st[q].at[G - NB_AGG + j]],
                            s_sems[b]).wait()
                pltpu.async_copy(xs.at[src_st[p].at[j]], rows[b], g_sems[b])
                if j >= 1:
                    pltpu.make_async_copy(
                        xs.at[src_st[p].at[j - 1]], rows[ob],
                        g_sems[ob]).wait()
                    pltpu.async_copy(rows[ob], acc.at[dst_st[p].at[j - 1]],
                                     s_sems[ob], add=True)
                else:
                    @pl.when(t >= 1)
                    def _():
                        pltpu.make_async_copy(
                            xs.at[src_st[q].at[G - 1]], rows[ob],
                            g_sems[ob]).wait()
                        pltpu.async_copy(rows[ob],
                                         acc.at[dst_st[q].at[G - 1]],
                                         s_sems[ob], add=True)
        return carry

    lax.fori_loop(0, NST // 2, pair_body, 0)
    pltpu.make_async_copy(xs.at[src_st[1].at[G - 1]], rows[1],
                          g_sems[1]).wait()
    pltpu.async_copy(rows[1], acc.at[dst_st[1].at[G - 1]], s_sems[1],
                     add=True)
    pltpu.make_async_copy(rows[0], acc.at[dst_st[1].at[G - 2]],
                          s_sems[0]).wait()
    pltpu.make_async_copy(rows[1], acc.at[dst_st[1].at[G - 1]],
                          s_sems[1]).wait()
    plsc.subcore_barrier()
    pltpu.sync_copy(acc.at[pl.ds(s * RPT, RPT)],
                    accp.at[c, pl.ds(s * RPT, RPT)])


def _tc1_body(feat_ref, deg_ref, xs_ref):
    norm = lax.rsqrt(jnp.maximum(deg_ref[...], 1.0))
    xs_ref[...] = feat_ref[...] * norm


def _tc2_body(accp_ref, deg_ref, wmu_ref, wrho_ref, bmu_ref, brho_ref,
              eps_ref, out_ref, kl_ref):
    norm = lax.rsqrt(jnp.maximum(deg_ref[...], 1.0))
    h = (accp_ref[0] + accp_ref[1]) * norm
    wmu = wmu_ref[...]
    wsig = jnp.log(1.0 + jnp.exp(wrho_ref[...]))
    bsig = jnp.log(1.0 + jnp.exp(brho_ref[...]))
    dn = (((1,), (1,)), ((), ()))
    act_mu = lax.dot_general(h, wmu, dn,
                             precision=lax.Precision.HIGHEST,
                             preferred_element_type=jnp.float32) + bmu_ref[...]
    act_var = 1e-16 + lax.dot_general(h * h, wsig * wsig, dn,
                                      precision=lax.Precision.HIGHEST,
                                      preferred_element_type=jnp.float32) \
        + bsig * bsig
    out_ref[...] = act_mu + jnp.sqrt(act_var) * eps_ref[...]
    inv_sp = 1.0 / PRIOR_SIGMA
    kl_w = 0.5 * (2.0 * jnp.log(PRIOR_SIGMA / wsig) - 1.0
                  + (wsig * inv_sp) ** 2 + (wmu * inv_sp) ** 2)
    kl_b = 0.5 * (2.0 * jnp.log(PRIOR_SIGMA / bsig) - 1.0
                  + (bsig * inv_sp) ** 2 + (bmu_ref[...] * inv_sp) ** 2)
    kl_ref[...] = (jnp.sum(kl_w) + jnp.sum(kl_b)).reshape(1, 1)


def kernel(feat, edge_index, W_mu, W_rho, bias_mu, bias_rho):
    pad = N + (jnp.arange(EP - E, dtype=jnp.int32) % (NP - N))
    src2 = jnp.concatenate([edge_index[0], pad]).reshape(NSROW, G, CH)
    dst2 = jnp.concatenate([edge_index[1], pad]).reshape(NSROW, G, CH)
    zeros1 = jnp.zeros((NP,), jnp.float32)
    zeros_nd = jnp.zeros((NP, D), jnp.float32)
    feat_p = jnp.pad(feat, ((0, NP - N), (0, 0)))

    degp = _deg_kernel(dst2, zeros1)
    deg_col = (degp[:NP] + degp[NP:]).reshape(NP, 1)

    xs = pl.pallas_call(
        _tc1_body,
        out_shape=jax.ShapeDtypeStruct((NP, D), jnp.float32),
    )(feat_p, deg_col)

    accp = _agg_kernel(xs, src2, dst2, zeros_nd)

    eps = jax.random.normal(jax.random.key(1234), (N, D), jnp.float32)
    eps_p = jnp.pad(eps, ((0, NP - N), (0, 0)))
    out_p, kl = pl.pallas_call(
        _tc2_body,
        out_shape=[
            jax.ShapeDtypeStruct((NP, D), jnp.float32),
            jax.ShapeDtypeStruct((1, 1), jnp.float32),
        ],
        compiler_params=pltpu.CompilerParams(
            vmem_limit_bytes=100 * 1024 * 1024),
    )(accp, deg_col, W_mu, W_rho, bias_mu.reshape(1, D), bias_rho.reshape(1, D),
      eps_p)
    return out_p[:N], kl[0, 0]

# --- scband reference (transcript-rebuilt; emitter-appended) ---
"""Pipeline reference for scband-bbbsgc-618475290840 (READ-ONLY COPY).

The authoritative reference and input builder live on the scoring server;
editing this copy changes nothing except your own understanding.
"""

import jax, jax.numpy as jnp
import numpy as np

N = 10000
E = 320000
D_IN = 128
D_OUT = 128
K = 1
PRIOR_MU = 0.0
PRIOR_SIGMA = 0.1


def setup_inputs(seed: int = 0) -> dict:
    key = jax.random.key(seed)
    ks = jax.random.split(key, 6)
    feat = jax.random.normal(ks[0], (N, D_IN), dtype=jnp.float32)
    # edge_index: random src/dst node ids in [0, N). int32 used to avoid x64 flag;
    # semantics identical to int64 indices for this size.
    edge_index = jax.random.randint(ks[1], (2, E), 0, N, dtype=jnp.int32)
    # Bayesian linear params per reset_parameters(): mu ~ N(0, 0.1), rho ~ N(-3, 0.1)
    W_mu = 0.0 + 0.1 * jax.random.normal(ks[2], (D_OUT, D_IN), dtype=jnp.float32)
    W_rho = -3.0 + 0.1 * jax.random.normal(ks[3], (D_OUT, D_IN), dtype=jnp.float32)
    bias_mu = 0.0 + 0.1 * jax.random.normal(ks[4], (D_OUT,), dtype=jnp.float32)
    bias_rho = -3.0 + 0.1 * jax.random.normal(ks[5], (D_OUT,), dtype=jnp.float32)
    return {
        "feat": feat,
        "edge_index": edge_index,
        "W_mu": W_mu,
        "W_rho": W_rho,
        "bias_mu": bias_mu,
        "bias_rho": bias_rho,
    }


def _kl_div(mu_p, sig_p, mu_q, sig_q):
    return (0.5 * (2.0 * jnp.log(sig_p / sig_q) - 1.0
                   + (sig_q / sig_p) ** 2
                   + ((mu_p - mu_q) / sig_p) ** 2)).sum()


def reference(feat, edge_index, W_mu, W_rho, bias_mu, bias_rho):
    src = edge_index[0]
    dst = edge_index[1]
    # in-degrees (clamped to >= 1, matching allow_zero_in_degree handling)
    deg = jnp.zeros((N,), dtype=jnp.float32).at[dst].add(1.0)
    deg = jnp.clip(deg, 1.0, None)
    norm = jnp.power(deg, -0.5)[:, None]
    h = feat
    for _ in range(K):
        h = h * norm
        # copy_u 'h' -> sum into dst  (SGC propagation)
        h = jax.ops.segment_sum(h[src], dst, num_segments=N)
        h = h * norm
    # lrt (local reparameterization trick) Bayesian linear layer
    W_sigma = jnp.log1p(jnp.exp(W_rho))
    bias_sigma = jnp.log1p(jnp.exp(bias_rho))
    act_mu = h @ W_mu.T + bias_mu
    act_var = 1e-16 + (h ** 2) @ (W_sigma ** 2).T + bias_sigma ** 2
    act_std = jnp.sqrt(act_var)
    eps = jax.random.normal(jax.random.key(1234), act_mu.shape, dtype=act_mu.dtype)
    out = act_mu + act_std * eps
    kl = _kl_div(PRIOR_MU, PRIOR_SIGMA, W_mu, W_sigma) + _kl_div(PRIOR_MU, PRIOR_SIGMA, bias_mu, bias_sigma)
    return (out, kl)

if __name__ == "__main__":
    import jax
    _d = setup_inputs()
    print(jax.jit(kernel)(*tuple(_d.values())))

</pallas_src>

<mosaic_0001>
#map = affine_map<(d0, d1) -> (0, 0, 0)>
#map1 = affine_map<(d0, d1) -> (0)>
module attributes {stable_mosaic.version = 14 : i64} {
  func.func @_deg_kernel(%arg0: i32, %arg1: i32, %arg2: memref<320x8x128xi32, #tpu.memory_space<hbm>>, %arg3: memref<10240xf32, #tpu.memory_space<hbm>>, %arg4: memref<20480xf32, #tpu.memory_space<hbm>>, %arg5: memref<8x128xi32, #tpu.memory_space<vmem>>, %arg6: memref<8x128xi32, #tpu.memory_space<vmem>>, %arg7: memref<!tpu.dma_semaphore, #tpu.memory_space<semaphore_mem>>, %arg8: memref<!tpu.dma_semaphore, #tpu.memory_space<semaphore_mem>>, %arg9: memref<!tpu.dma_semaphore, #tpu.memory_space<semaphore_mem>>, %arg10: memref<!tpu.dma_semaphore, #tpu.memory_space<semaphore_mem>>, %arg11: memref<128xf32, #tpu.memory_space<vmem>>, %arg12: memref<10240xf32, #tpu.memory_space<vmem_shared>>) attributes {dimension_semantics = [#tpu.dimension_semantics<core_parallel>, #tpu.dimension_semantics<subcore_parallel>], iteration_bounds = array<i64: 2, 16>, scalar_prefetch = 0 : i64, scratch_operands = 8 : i64, tpu.core_type = #tpu.core_type<sc_vector_subcore>, window_params = [{transform_indices = #map}, {transform_indices = #map1}, {transform_indices = #map1}]} {
    %mul3A = arith.constant 2 : i32
    %mul3A_0 = arith.muli %arg1, %mul3A : i32
    %add3A = arith.addi %mul3A_0, %arg0 : i32
    %mul3A_1 = arith.constant 640 : i32
    %mul3A_2 = arith.muli %arg1, %mul3A_1 : i32
    %mul3A_3 = arith.constant 640 : i32
    %mul3A_4 = arith.muli %arg1, %mul3A_3 : i32
    "tpu.region"() ({
      %run_scoped3A = tpu.sem_alloc : memref<!tpu.dma_semaphore, #tpu.memory_space<semaphore_mem>>
      %dma_start3A = tpu.memref_slice %arg12[%mul3A_4] : memref<10240xf32, #tpu.memory_space<vmem_shared>> -> memref<640xf32, #tpu.memory_space<vmem_shared>>
      %dma_start3A_89 = tpu.memref_slice %arg3[%mul3A_2] : memref<10240xf32, #tpu.memory_space<hbm>> -> memref<640xf32, #tpu.memory_space<hbm>>
      tpu.enqueue_dma source(%dma_start3A_89 : memref<640xf32, #tpu.memory_space<hbm>>) target(%dma_start3A : memref<640xf32, #tpu.memory_space<vmem_shared>>) target_semaphore(%run_scoped3A : memref<!tpu.dma_semaphore, #tpu.memory_space<semaphore_mem>>)
      %dma_wait3A_90 = tpu.memref_slice %arg12[%mul3A_4] : memref<10240xf32, #tpu.memory_space<vmem_shared>> -> memref<640xf32, #tpu.memory_space<vmem_shared>>
      %dma_wait3A_91 = tpu.memref_slice %arg3[%mul3A_2] : memref<10240xf32, #tpu.memory_space<hbm>> -> memref<640xf32, #tpu.memory_space<hbm>>
      tpu.wait_dma2 semaphore(%run_scoped3A : memref<!tpu.dma_semaphore, #tpu.memory_space<semaphore_mem>>) src(%dma_wait3A_91 : memref<640xf32, #tpu.memory_space<hbm>>) dst(%dma_wait3A_90 : memref<640xf32, #tpu.memory_space<vmem_shared>>)
      tpu.yield
    }) : () -> ()
    %broadcast_in_dim3A = arith.constant 1.000000e+00 : f32
    %broadcast_in_dim3A_5 = vector.broadcast %broadcast_in_dim3A : f32 to vector<16xf32>
    %swap3A = arith.constant 0 : index
    %swap3A_6 = tpu.vector_load %arg11[%swap3A] {strides = array<i32>} : memref<128xf32, #tpu.memory_space<vmem>>, vector<16xf32>,
    %swap3A_7 = vector.shape_cast %swap3A_6 : vector<16xf32> to vector<16xf32>
    %swap3A_8 = vector.shape_cast %broadcast_in_dim3A_5 : vector<16xf32> to vector<16xf32>
    tpu.vector_store %arg11[%swap3A], %swap3A_8 {strides = array<i32>} : memref<128xf32, #tpu.memory_space<vmem>>, vector<16xf32>,
    %broadcast_in_dim3A_9 = arith.constant 1.000000e+00 : f32
    %broadcast_in_dim3A_10 = vector.broadcast %broadcast_in_dim3A_9 : f32 to vector<16xf32>
    %swap3A_11 = arith.constant 16 : index
    %swap3A_12 = tpu.vector_load %arg11[%swap3A_11] {strides = array<i32>} : memref<128xf32, #tpu.memory_space<vmem>>, vector<16xf32>,
    %swap3A_13 = vector.shape_cast %swap3A_12 : vector<16xf32> to vector<16xf32>
    %swap3A_14 = vector.shape_cast %broadcast_in_dim3A_10 : vector<16xf32> to vector<16xf32>
    tpu.vector_store %arg11[%swap3A_11], %swap3A_14 {strides = array<i32>} : memref<128xf32, #tpu.memory_space<vmem>>, vector<16xf32>,
    %broadcast_in_dim3A_15 = arith.constant 1.000000e+00 : f32
    %broadcast_in_dim3A_16 = vector.broadcast %broadcast_in_dim3A_15 : f32 to vector<16xf32>
    %swap3A_17 = arith.constant 32 : index
    %swap3A_18 = tpu.vector_load %arg11[%swap3A_17] {strides = array<i32>} : memref<128xf32, #tpu.memory_space<vmem>>, vector<16xf32>,
    %swap3A_19 = vector.shape_cast %swap3A_18 : vector<16xf32> to vector<16xf32>
    %swap3A_20 = vector.shape_cast %broadcast_in_dim3A_16 : vector<16xf32> to vector<16xf32>
    tpu.vector_store %arg11[%swap3A_17], %swap3A_20 {strides = array<i32>} : memref<128xf32, #tpu.memory_space<vmem>>, vector<16xf32>,
    %broadcast_in_dim3A_21 = arith.constant 1.000000e+00 : f32
    %broadcast_in_dim3A_22 = vector.broadcast %broadcast_in_dim3A_21 : f32 to vector<16xf32>
    %swap3A_23 = arith.constant 48 : index
    %swap3A_24 = tpu.vector_load %arg11[%swap3A_23] {strides = array<i32>} : memref<128xf32, #tpu.memory_space<vmem>>, vector<16xf32>,
    %swap3A_25 = vector.shape_cast %swap3A_24 : vector<16xf32> to vector<16xf32>
    %swap3A_26 = vector.shape_cast %broadcast_in_dim3A_22 : vector<16xf32> to vector<16xf32>
    tpu.vector_store %arg11[%swap3A_23], %swap3A_26 {strides = array<i32>} : memref<128xf32, #tpu.memory_space<vmem>>, vector<16xf32>,
    %broadcast_in_dim3A_27 = arith.constant 1.000000e+00 : f32
    %broadcast_in_dim3A_28 = vector.broadcast %broadcast_in_dim3A_27 : f32 to vector<16xf32>
    %swap3A_29 = arith.constant 64 : index
    %swap3A_30 = tpu.vector_load %arg11[%swap3A_29] {strides = array<i32>} : memref<128xf32, #tpu.memory_space<vmem>>, vector<16xf32>,
    %swap3A_31 = vector.shape_cast %swap3A_30 : vector<16xf32> to vector<16xf32>
    %swap3A_32 = vector.shape_cast %broadcast_in_dim3A_28 : vector<16xf32> to vector<16xf32>
    tpu.vector_store %arg11[%swap3A_29], %swap3A_32 {strides = array<i32>} : memref<128xf32, #tpu.memory_space<vmem>>, vector<16xf32>,
    %broadcast_in_dim3A_33 = arith.constant 1.000000e+00 : f32
    %broadcast_in_dim3A_34 = vector.broadcast %broadcast_in_dim3A_33 : f32 to vector<16xf32>
    %swap3A_35 = arith.constant 80 : index
    %swap3A_36 = tpu.vector_load %arg11[%swap3A_35] {strides = array<i32>} : memref<128xf32, #tpu.memory_space<vmem>>, vector<16xf32>,
    %swap3A_37 = vector.shape_cast %swap3A_36 : vector<16xf32> to vector<16xf32>
    %swap3A_38 = vector.shape_cast %broadcast_in_dim3A_34 : vector<16xf32> to vector<16xf32>
    tpu.vector_store %arg11[%swap3A_35], %swap3A_38 {strides = array<i32>} : memref<128xf32, #tpu.memory_space<vmem>>, vector<16xf32>,
    %broadcast_in_dim3A_39 = arith.constant 1.000000e+00 : f32
    %broadcast_in_dim3A_40 = vector.broadcast %broadcast_in_dim3A_39 : f32 to vector<16xf32>
    %swap3A_41 = arith.constant 96 : index
    %swap3A_42 = tpu.vector_load %arg11[%swap3A_41] {strides = array<i32>} : memref<128xf32, #tpu.memory_space<vmem>>, vector<16xf32>,
    %swap3A_43 = vector.shape_cast %swap3A_42 : vector<16xf32> to vector<16xf32>
    %swap3A_44 = vector.shape_cast %broadcast_in_dim3A_40 : vector<16xf32> to vector<16xf32>
    tpu.vector_store %arg11[%swap3A_41], %swap3A_44 {strides = array<i32>} : memref<128xf32, #tpu.memory_space<vmem>>, vector<16xf32>,
    %broadcast_in_dim3A_45 = arith.constant 1.000000e+00 : f32
    %broadcast_in_dim3A_46 = vector.broadcast %broadcast_in_dim3A_45 : f32 to vector<16xf32>
    %swap3A_47 = arith.constant 112 : index
    %swap3A_48 = tpu.vector_load %arg11[%swap3A_47] {strides = array<i32>} : memref<128xf32, #tpu.memory_space<vmem>>, vector<16xf32>,
    %swap3A_49 = vector.shape_cast %swap3A_48 : vector<16xf32> to vector<16xf32>
    %swap3A_50 = vector.shape_cast %broadcast_in_dim3A_46 : vector<16xf32> to vector<16xf32>
    tpu.vector_store %arg11[%swap3A_47], %swap3A_50 {strides = array<i32>} : memref<128xf32, #tpu.memory_space<vmem>>, vector<16xf32>,
    %barrier3A = arith.constant 0 : index
    tpu.barrier barrier_id(%barrier3A)
    %mul3A_51 = arith.constant 10 : i32
    %mul3A_52 = arith.muli %add3A, %mul3A_51 : i32
    %scan3A = arith.constant 0 : i32
    %scan3A_53 = arith.constant 0 : i32
    %scan3A_54 = arith.constant 5 : i32
    %scan3A_55 = arith.addi %scan3A_53, %scan3A_54 : i32
    %scan3A_56 = arith.constant 1 : i32
    scf.for %scan3A_89 = %scan3A_53 to %scan3A_55 step %scan3A_56  : i32 {
      %mul3A_90 = arith.constant 2 : i32
      %mul3A_91 = arith.muli %scan3A_89, %mul3A_90 : i32
      %add3A_92 = arith.constant 0 : i32
      %add3A_93 = arith.addi %mul3A_91, %add3A_92 : i32
      %add3A_94 = arith.addi %mul3A_52, %add3A_93 : i32
      "tpu.region"() ({
        %run_scoped3A = tpu.sem_alloc : memref<!tpu.dma_semaphore, #tpu.memory_space<semaphore_mem>>
        %dma_start3A_280 = arith.constant 0 : i32
        %dma_start3A_281 = arith.constant 0 : i32
        %dma_start3A_282 = tpu.memref_slice %arg2[%add3A_94, %dma_start3A_280, %dma_start3A_281] : memref<320x8x128xi32, #tpu.memory_space<hbm>> -> memref<1x8x128xi32, #tpu.memory_space<hbm>>
        %dma_start3A_283 = tpu.memref_squeeze %dma_start3A_282 : memref<1x8x128xi32, #tpu.memory_space<hbm>> -> memref<8x128xi32, #tpu.memory_space<hbm>>
        %dma_start3A_284 = arith.constant 0 : i32
        %dma_start3A_285 = arith.constant 0 : i32
        %dma_start3A_286 = tpu.memref_slice %arg2[%add3A_94, %dma_start3A_284, %dma_start3A_285] : memref<320x8x128xi32, #tpu.memory_space<hbm>> -> memref<1x8x128xi32, #tpu.memory_space<hbm>>
        %dma_start3A_287 = tpu.memref_squeeze %dma_start3A_286 : memref<1x8x128xi32, #tpu.memory_space<hbm>> -> memref<8x128xi32, #tpu.memory_space<hbm>>
        tpu.enqueue_dma source(%dma_start3A_287 : memref<8x128xi32, #tpu.memory_space<hbm>>) target(%arg5 : memref<8x128xi32, #tpu.memory_space<vmem>>) target_semaphore(%run_scoped3A : memref<!tpu.dma_semaphore, #tpu.memory_space<semaphore_mem>>)
        %dma_wait3A_288 = arith.constant 0 : i32
        %dma_wait3A_289 = arith.constant 0 : i32
        %dma_wait3A_290 = tpu.memref_slice %arg2[%add3A_94, %dma_wait3A_288, %dma_wait3A_289] : memref<320x8x128xi32, #tpu.memory_space<hbm>> -> memref<1x8x128xi32, #tpu.memory_space<hbm>>
        %dma_wait3A_291 = tpu.memref_squeeze %dma_wait3A_290 : memref<1x8x128xi32, #tpu.memory_space<hbm>> -> memref<8x128xi32, #tpu.memory_space<hbm>>
        %dma_wait3A_292 = arith.constant 0 : i32
        %dma_wait3A_293 = arith.constant 0 : i32
        %dma_wait3A_294 = tpu.memref_slice %arg2[%add3A_94, %dma_wait3A_292, %dma_wait3A_293] : memref<320x8x128xi32, #tpu.memory_space<hbm>> -> memref<1x8x128xi32, #tpu.memory_space<hbm>>
        %dma_wait3A_295 = tpu.memref_squeeze %dma_wait3A_294 : memref<1x8x128xi32, #tpu.memory_space<hbm>> -> memref<8x128xi32, #tpu.memory_space<hbm>>
        tpu.wait_dma2 semaphore(%run_scoped3A : memref<!tpu.dma_semaphore, #tpu.memory_space<semaphore_mem>>) src(%dma_wait3A_295 : memref<8x128xi32, #tpu.memory_space<hbm>>) dst(%arg5 : memref<8x128xi32, #tpu.memory_space<vmem>>)
        tpu.yield
      }) : () -> ()
      %ge3A = arith.constant 1 : i32
      %ge3A_95 = arith.cmpi sge, %add3A_93, %ge3A : i32
      %convert_element_type3A = arith.extui %ge3A_95 : i1 to i32
      %cond3A = arith.constant 0 : i32
      %cond3A_96 = arith.cmpi ne, %convert_element_type3A, %cond3A : i32
      scf.if %cond3A_96 {
        %dma_wait3A_280 = arith.constant 4 : i32
        %dma_wait3A_281 = arith.constant 0 : i32
        %dma_wait3A_282 = tpu.memref_slice %arg6[%dma_wait3A_280, %dma_wait3A_281] : memref<8x128xi32, #tpu.memory_space<vmem>> -> memref<1x128xi32, #tpu.memory_space<vmem>>
        %dma_wait3A_283 = tpu.memref_squeeze %dma_wait3A_282 : memref<1x128xi32, #tpu.memory_space<vmem>> -> memref<128xi32, #tpu.memory_space<vmem>>
        %dma_wait3A_284 = arith.constant 0 : i32
        %dma_wait3A_285 = tpu.memref_slice %arg12[%dma_wait3A_284] : memref<10240xf32, #tpu.memory_space<vmem_shared>> -> memref<10240xf32, #tpu.memory_space<vmem_shared>>
        tpu.wait_indirect_dma semaphore(%arg7 : memref<!tpu.dma_semaphore, #tpu.memory_space<semaphore_mem>>) src(%arg11 : memref<128xf32, #tpu.memory_space<vmem>>) dst(%dma_wait3A_285 : memref<10240xf32, #tpu.memory_space<vmem_shared>>)
      } else {
      }
      %dma_start3A = arith.constant 0 : i32
      %dma_start3A_97 = arith.constant 0 : i32
      %dma_start3A_98 = tpu.memref_slice %arg5[%dma_start3A, %dma_start3A_97] : memref<8x128xi32, #tpu.memory_space<vmem>> -> memref<1x128xi32, #tpu.memory_space<vmem>>
      %dma_start3A_99 = tpu.memref_squeeze %dma_start3A_98 : memref<1x128xi32, #tpu.memory_space<vmem>> -> memref<128xi32, #tpu.memory_space<vmem>>
      %dma_start3A_100 = arith.constant 0 : i32
      %dma_start3A_101 = tpu.memref_slice %arg12[%dma_start3A_100] : memref<10240xf32, #tpu.memory_space<vmem_shared>> -> memref<10240xf32, #tpu.memory_space<vmem_shared>>
      tpu.enqueue_indirect_dma source(%arg11 : memref<128xf32, #tpu.memory_space<vmem>>) target(%dma_start3A_101 : memref<10240xf32, #tpu.memory_space<vmem_shared>>) offsets(%dma_start3A_99 : memref<128xi32, #tpu.memory_space<vmem>>) semaphore(%arg7 : memref<!tpu.dma_semaphore, #tpu.memory_space<semaphore_mem>>) {add = true}
      %ge3A_102 = arith.constant 1 : i32
      %ge3A_103 = arith.cmpi sge, %add3A_93, %ge3A_102 : i32
      %convert_element_type3A_104 = arith.extui %ge3A_103 : i1 to i32
      %cond3A_105 = arith.constant 0 : i32
      %cond3A_106 = arith.cmpi ne, %convert_element_type3A_104, %cond3A_105 : i32
      scf.if %cond3A_106 {
        %dma_wait3A_280 = arith.constant 5 : i32
        %dma_wait3A_281 = arith.constant 0 : i32
        %dma_wait3A_282 = tpu.memref_slice %arg6[%dma_wait3A_280, %dma_wait3A_281] : memref<8x128xi32, #tpu.memory_space<vmem>> -> memref<1x128xi32, #tpu.memory_space<vmem>>
        %dma_wait3A_283 = tpu.memref_squeeze %dma_wait3A_282 : memref<1x128xi32, #tpu.memory_space<vmem>> -> memref<128xi32, #tpu.memory_space<vmem>>
        %dma_wait3A_284 = arith.constant 0 : i32
        %dma_wait3A_285 = tpu.memref_slice %arg12[%dma_wait3A_284] : memref<10240xf32, #tpu.memory_space<vmem_shared>> -> memref<10240xf32, #tpu.memory_space<vmem_shared>>
        tpu.wait_indirect_dma semaphore(%arg8 : memref<!tpu.dma_semaphore, #tpu.memory_space<semaphore_mem>>) src(%arg11 : memref<128xf32, #tpu.memory_space<vmem>>) dst(%dma_wait3A_285 : memref<10240xf32, #tpu.memory_space<vmem_shared>>)
      } else {
      }
      %dma_start3A_107 = arith.constant 1 : i32
      %dma_start3A_108 = arith.constant 0 : i32
      %dma_start3A_109 = tpu.memref_slice %arg5[%dma_start3A_107, %dma_start3A_108] : memref<8x128xi32, #tpu.memory_space<vmem>> -> memref<1x128xi32, #tpu.memory_space<vmem>>
      %dma_start3A_110 = tpu.memref_squeeze %dma_start3A_109 : memref<1x128xi32, #tpu.memory_space<vmem>> -> memref<128xi32, #tpu.memory_space<vmem>>
      %dma_start3A_111 = arith.constant 0 : i32
      %dma_start3A_112 = tpu.memref_slice %arg12[%dma_start3A_111] : memref<10240xf32, #tpu.memory_space<vmem_shared>> -> memref<10240xf32, #tpu.memory_space<vmem_shared>>
      tpu.enqueue_indirect_dma source(%arg11 : memref<128xf32, #tpu.memory_space<vmem>>) target(%dma_start3A_112 : memref<10240xf32, #tpu.memory_space<vmem_shared>>) offsets(%dma_start3A_110 : memref<128xi32, #tpu.memory_space<vmem>>) semaphore(%arg8 : memref<!tpu.dma_semaphore, #tpu.memory_space<semaphore_mem>>) {add = true}
      %ge3A_113 = arith.constant 1 : i32
      %ge3A_114 = arith.cmpi sge, %add3A_93, %ge3A_113 : i32
      %convert_element_type3A_115 = arith.extui %ge3A_114 : i1 to i32
      %cond3A_116 = arith.constant 0 : i32
      %cond3A_117 = arith.cmpi ne, %convert_element_type3A_115, %cond3A_116 : i32
      scf.if %cond3A_117 {
        %dma_wait3A_280 = arith.constant 6 : i32
        %dma_wait3A_281 = arith.constant 0 : i32
        %dma_wait3A_282 = tpu.memref_slice %arg6[%dma_wait3A_280, %dma_wait3A_281] : memref<8x128xi32, #tpu.memory_space<vmem>> -> memref<1x128xi32, #tpu.memory_space<vmem>>
        %dma_wait3A_283 = tpu.memref_squeeze %dma_wait3A_282 : memref<1x128xi32, #tpu.memory_space<vmem>> -> memref<128xi32, #tpu.memory_space<vmem>>
        %dma_wait3A_284 = arith.constant 0 : i32
        %dma_wait3A_285 = tpu.memref_slice %arg12[%dma_wait3A_284] : memref<10240xf32, #tpu.memory_space<vmem_shared>> -> memref<10240xf32, #tpu.memory_space<vmem_shared>>
        tpu.wait_indirect_dma semaphore(%arg9 : memref<!tpu.dma_semaphore, #tpu.memory_space<semaphore_mem>>) src(%arg11 : memref<128xf32, #tpu.memory_space<vmem>>) dst(%dma_wait3A_285 : memref<10240xf32, #tpu.memory_space<vmem_shared>>)
      } else {
      }
      %dma_start3A_118 = arith.constant 2 : i32
      %dma_start3A_119 = arith.constant 0 : i32
      %dma_start3A_120 = tpu.memref_slice %arg5[%dma_start3A_118, %dma_start3A_119] : memref<8x128xi32, #tpu.memory_space<vmem>> -> memref<1x128xi32, #tpu.memory_space<vmem>>
      %dma_start3A_121 = tpu.memref_squeeze %dma_start3A_120 : memref<1x128xi32, #tpu.memory_space<vmem>> -> memref<128xi32, #tpu.memory_space<vmem>>
      %dma_start3A_122 = arith.constant 0 : i32
      %dma_start3A_123 = tpu.memref_slice %arg12[%dma_start3A_122] : memref<10240xf32, #tpu.memory_space<vmem_shared>> -> memref<10240xf32, #tpu.memory_space<vmem_shared>>
      tpu.enqueue_indirect_dma source(%arg11 : memref<128xf32, #tpu.memory_space<vmem>>) target(%dma_start3A_123 : memref<10240xf32, #tpu.memory_space<vmem_shared>>) offsets(%dma_start3A_121 : memref<128xi32, #tpu.memory_space<vmem>>) semaphore(%arg9 : memref<!tpu.dma_semaphore, #tpu.memory_space<semaphore_mem>>) {add = true}
      %ge3A_124 = arith.constant 1 : i32
      %ge3A_125 = arith.cmpi sge, %add3A_93, %ge3A_124 : i32
      %convert_element_type3A_126 = arith.extui %ge3A_125 : i1 to i32
      %cond3A_127 = arith.constant 0 : i32
      %cond3A_128 = arith.cmpi ne, %convert_element_type3A_126, %cond3A_127 : i32
      scf.if %cond3A_128 {
        %dma_wait3A_280 = arith.constant 7 : i32
        %dma_wait3A_281 = arith.constant 0 : i32
        %dma_wait3A_282 = tpu.memref_slice %arg6[%dma_wait3A_280, %dma_wait3A_281] : memref<8x128xi32, #tpu.memory_space<vmem>> -> memref<1x128xi32, #tpu.memory_space<vmem>>
        %dma_wait3A_283 = tpu.memref_squeeze %dma_wait3A_282 : memref<1x128xi32, #tpu.memory_space<vmem>> -> memref<128xi32, #tpu.memory_space<vmem>>
        %dma_wait3A_284 = arith.constant 0 : i32
        %dma_wait3A_285 = tpu.memref_slice %arg12[%dma_wait3A_284] : memref<10240xf32, #tpu.memory_space<vmem_shared>> -> memref<10240xf32, #tpu.memory_space<vmem_shared>>
        tpu.wait_indirect_dma semaphore(%arg10 : memref<!tpu.dma_semaphore, #tpu.memory_space<semaphore_mem>>) src(%arg11 : memref<128xf32, #tpu.memory_space<vmem>>) dst(%dma_wait3A_285 : memref<10240xf32, #tpu.memory_space<vmem_shared>>)
      } else {
      }
      %dma_start3A_129 = arith.constant 3 : i32
      %dma_start3A_130 = arith.constant 0 : i32
      %dma_start3A_131 = tpu.memref_slice %arg5[%dma_start3A_129, %dma_start3A_130] : memref<8x128xi32, #tpu.memory_space<vmem>> -> memref<1x128xi32, #tpu.memory_space<vmem>>
      %dma_start3A_132 = tpu.memref_squeeze %dma_start3A_131 : memref<1x128xi32, #tpu.memory_space<vmem>> -> memref<128xi32, #tpu.memory_space<vmem>>
      %dma_start3A_133 = arith.constant 0 : i32
      %dma_start3A_134 = tpu.memref_slice %arg12[%dma_start3A_133] : memref<10240xf32, #tpu.memory_space<vmem_shared>> -> memref<10240xf32, #tpu.memory_space<vmem_shared>>
      tpu.enqueue_indirect_dma source(%arg11 : memref<128xf32, #tpu.memory_space<vmem>>) target(%dma_start3A_134 : memref<10240xf32, #tpu.memory_space<vmem_shared>>) offsets(%dma_start3A_132 : memref<128xi32, #tpu.memory_space<vmem>>) semaphore(%arg10 : memref<!tpu.dma_semaphore, #tpu.memory_space<semaphore_mem>>) {add = true}
      %dma_wait3A_135 = arith.constant 0 : i32
      %dma_wait3A_136 = arith.constant 0 : i32
      %dma_wait3A_137 = tpu.memref_slice %arg5[%dma_wait3A_135, %dma_wait3A_136] : memref<8x128xi32, #tpu.memory_space<vmem>> -> memref<1x128xi32, #tpu.memory_space<vmem>>
      %dma_wait3A_138 = tpu.memref_squeeze %dma_wait3A_137 : memref<1x128xi32, #tpu.memory_space<vmem>> -> memref<128xi32, #tpu.memory_space<vmem>>
      %dma_wait3A_139 = arith.constant 0 : i32
      %dma_wait3A_140 = tpu.memref_slice %arg12[%dma_wait3A_139] : memref<10240xf32, #tpu.memory_space<vmem_shared>> -> memref<10240xf32, #tpu.memory_space<vmem_shared>>
      tpu.wait_indirect_dma semaphore(%arg7 : memref<!tpu.dma_semaphore, #tpu.memory_space<semaphore_mem>>) src(%arg11 : memref<128xf32, #tpu.memory_space<vmem>>) dst(%dma_wait3A_140 : memref<10240xf32, #tpu.memory_space<vmem_shared>>)
      %dma_start3A_141 = arith.constant 4 : i32
      %dma_start3A_142 = arith.constant 0 : i32
      %dma_start3A_143 = tpu.memref_slice %arg5[%dma_start3A_141, %dma_start3A_142] : memref<8x128xi32, #tpu.memory_space<vmem>> -> memref<1x128xi32, #tpu.memory_space<vmem>>
      %dma_start3A_144 = tpu.memref_squeeze %dma_start3A_143 : memref<1x128xi32, #tpu.memory_space<vmem>> -> memref<128xi32, #tpu.memory_space<vmem>>
      %dma_start3A_145 = arith.constant 0 : i32
      %dma_start3A_146 = tpu.memref_slice %arg12[%dma_start3A_145] : memref<10240xf32, #tpu.memory_space<vmem_shared>> -> memref<10240xf32, #tpu.memory_space<vmem_shared>>
      tpu.enqueue_indirect_dma source(%arg11 : memref<128xf32, #tpu.memory_space<vmem>>) target(%dma_start3A_146 : memref<10240xf32, #tpu.memory_space<vmem_shared>>) offsets(%dma_start3A_144 : memref<128xi32, #tpu.memory_space<vmem>>) semaphore(%arg7 : memref<!tpu.dma_semaphore, #tpu.memory_space<semaphore_mem>>) {add = true}
      %dma_wait3A_147 = arith.constant 1 : i32
      %dma_wait3A_148 = arith.constant 0 : i32
      %dma_wait3A_149 = tpu.memref_slice %arg5[%dma_wait3A_147, %dma_wait3A_148] : memref<8x128xi32, #tpu.memory_space<vmem>> -> memref<1x128xi32, #tpu.memory_space<vmem>>
      %dma_wait3A_150 = tpu.memref_squeeze %dma_wait3A_149 : memref<1x128xi32, #tpu.memory_space<vmem>> -> memref<128xi32, #tpu.memory_space<vmem>>
      %dma_wait3A_151 = arith.constant 0 : i32
      %dma_wait3A_152 = tpu.memref_slice %arg12[%dma_wait3A_151] : memref<10240xf32, #tpu.memory_space<vmem_shared>> -> memref<10240xf32, #tpu.memory_space<vmem_shared>>
      tpu.wait_indirect_dma semaphore(%arg8 : memref<!tpu.dma_semaphore, #tpu.memory_space<semaphore_mem>>) src(%arg11 : memref<128xf32, #tpu.memory_space<vmem>>) dst(%dma_wait3A_152 : memref<10240xf32, #tpu.memory_space<vmem_shared>>)
      %dma_start3A_153 = arith.constant 5 : i32
      %dma_start3A_154 = arith.constant 0 : i32
      %dma_start3A_155 = tpu.memref_slice %arg5[%dma_start3A_153, %dma_start3A_154] : memref<8x128xi32, #tpu.memory_space<vmem>> -> memref<1x128xi32, #tpu.memory_space<vmem>>
      %dma_start3A_156 = tpu.memref_squeeze %dma_start3A_155 : memref<1x128xi32, #tpu.memory_space<vmem>> -> memref<128xi32, #tpu.memory_space<vmem>>
      %dma_start3A_157 = arith.constant 0 : i32
      %dma_start3A_158 = tpu.memref_slice %arg12[%dma_start3A_157] : memref<10240xf32, #tpu.memory_space<vmem_shared>> -> memref<10240xf32, #tpu.memory_space<vmem_shared>>
      tpu.enqueue_indirect_dma source(%arg11 : memref<128xf32, #tpu.memory_space<vmem>>) target(%dma_start3A_158 : memref<10240xf32, #tpu.memory_space<vmem_shared>>) offsets(%dma_start3A_156 : memref<128xi32, #tpu.memory_space<vmem>>) semaphore(%arg8 : memref<!tpu.dma_semaphore, #tpu.memory_space<semaphore_mem>>) {add = true}
      %dma_wait3A_159 = arith.constant 2 : i32
      %dma_wait3A_160 = arith.constant 0 : i32
      %dma_wait3A_161 = tpu.memref_slice %arg5[%dma_wait3A_159, %dma_wait3A_160] : memref<8x128xi32, #tpu.memory_space<vmem>> -> memref<1x128xi32, #tpu.memory_space<vmem>>
      %dma_wait3A_162 = tpu.memref_squeeze %dma_wait3A_161 : memref<1x128xi32, #tpu.memory_space<vmem>> -> memref<128xi32, #tpu.memory_space<vmem>>
      %dma_wait3A_163 = arith.constant 0 : i32
      %dma_wait3A_164 = tpu.memref_slice %arg12[%dma_wait3A_163] : memref<10240xf32, #tpu.memory_space<vmem_shared>> -> memref<10240xf32, #tpu.memory_space<vmem_shared>>
      tpu.wait_indirect_dma semaphore(%arg9 : memref<!tpu.dma_semaphore, #tpu.memory_space<semaphore_mem>>) src(%arg11 : memref<128xf32, #tpu.memory_space<vmem>>) dst(%dma_wait3A_164 : memref<10240xf32, #tpu.memory_space<vmem_shared>>)
      %dma_start3A_165 = arith.constant 6 : i32
      %dma_start3A_166 = arith.constant 0 : i32
      %dma_start3A_167 = tpu.memref_slice %arg5[%dma_start3A_165, %dma_start3A_166] : memref<8x128xi32, #tpu.memory_space<vmem>> -> memref<1x128xi32, #tpu.memory_space<vmem>>
      %dma_start3A_168 = tpu.memref_squeeze %dma_start3A_167 : memref<1x128xi32, #tpu.memory_space<vmem>> -> memref<128xi32, #tpu.memory_space<vmem>>
      %dma_start3A_169 = arith.constant 0 : i32
      %dma_start3A_170 = tpu.memref_slice %arg12[%dma_start3A_169] : memref<10240xf32, #tpu.memory_space<vmem_shared>> -> memref<10240xf32, #tpu.memory_space<vmem_shared>>
      tpu.enqueue_indirect_dma source(%arg11 : memref<128xf32, #tpu.memory_space<vmem>>) target(%dma_start3A_170 : memref<10240xf32, #tpu.memory_space<vmem_shared>>) offsets(%dma_start3A_168 : memref<128xi32, #tpu.memory_space<vmem>>) semaphore(%arg9 : memref<!tpu.dma_semaphore, #tpu.memory_space<semaphore_mem>>) {add = true}
      %dma_wait3A_171 = arith.constant 3 : i32
      %dma_wait3A_172 = arith.constant 0 : i32
      %dma_wait3A_173 = tpu.memref_slice %arg5[%dma_wait3A_171, %dma_wait3A_172] : memref<8x128xi32, #tpu.memory_space<vmem>> -> memref<1x128xi32, #tpu.memory_space<vmem>>
      %dma_wait3A_174 = tpu.memref_squeeze %dma_wait3A_173 : memref<1x128xi32, #tpu.memory_space<vmem>> -> memref<128xi32, #tpu.memory_space<vmem>>
      %dma_wait3A_175 = arith.constant 0 : i32
      %dma_wait3A_176 = tpu.memref_slice %arg12[%dma_wait3A_175] : memref<10240xf32, #tpu.memory_space<vmem_shared>> -> memref<10240xf32, #tpu.memory_space<vmem_shared>>
      tpu.wait_indirect_dma semaphore(%arg10 : memref<!tpu.dma_semaphore, #tpu.memory_space<semaphore_mem>>) src(%arg11 : memref<128xf32, #tpu.memory_space<vmem>>) dst(%dma_wait3A_176 : memref<10240xf32, #tpu.memory_space<vmem_shared>>)
      %dma_start3A_177 = arith.constant 7 : i32
      %dma_start3A_178 = arith.constant 0 : i32
      %dma_start3A_179 = tpu.memref_slice %arg5[%dma_start3A_177, %dma_start3A_178] : memref<8x128xi32, #tpu.memory_space<vmem>> -> memref<1x128xi32, #tpu.memory_space<vmem>>
      %dma_start3A_180 = tpu.memref_squeeze %dma_start3A_179 : memref<1x128xi32, #tpu.memory_space<vmem>> -> memref<128xi32, #tpu.memory_space<vmem>>
      %dma_start3A_181 = arith.constant 0 : i32
      %dma_start3A_182 = tpu.memref_slice %arg12[%dma_start3A_181] : memref<10240xf32, #tpu.memory_space<vmem_shared>> -> memref<10240xf32, #tpu.memory_space<vmem_shared>>
      tpu.enqueue_indirect_dma source(%arg11 : memref<128xf32, #tpu.memory_space<vmem>>) target(%dma_start3A_182 : memref<10240xf32, #tpu.memory_space<vmem_shared>>) offsets(%dma_start3A_180 : memref<128xi32, #tpu.memory_space<vmem>>) semaphore(%arg10 : memref<!tpu.dma_semaphore, #tpu.memory_space<semaphore_mem>>) {add = true}
      %mul3A_183 = arith.constant 2 : i32
      %mul3A_184 = arith.muli %scan3A_89, %mul3A_183 : i32
      %add3A_185 = arith.constant 1 : i32
      %add3A_186 = arith.addi %mul3A_184, %add3A_185 : i32
      %add3A_187 = arith.addi %mul3A_52, %add3A_186 : i32
      "tpu.region"() ({
        %run_scoped3A = tpu.sem_alloc : memref<!tpu.dma_semaphore, #tpu.memory_space<semaphore_mem>>
        %dma_start3A_280 = arith.constant 0 : i32
        %dma_start3A_281 = arith.constant 0 : i32
        %dma_start3A_282 = tpu.memref_slice %arg2[%add3A_187, %dma_start3A_280, %dma_start3A_281] : memref<320x8x128xi32, #tpu.memory_space<hbm>> -> memref<1x8x128xi32, #tpu.memory_space<hbm>>
        %dma_start3A_283 = tpu.memref_squeeze %dma_start3A_282 : memref<1x8x128xi32, #tpu.memory_space<hbm>> -> memref<8x128xi32, #tpu.memory_space<hbm>>
        %dma_start3A_284 = arith.constant 0 : i32
        %dma_start3A_285 = arith.constant 0 : i32
        %dma_start3A_286 = tpu.memref_slice %arg2[%add3A_187, %dma_start3A_284, %dma_start3A_285] : memref<320x8x128xi32, #tpu.memory_space<hbm>> -> memref<1x8x128xi32, #tpu.memory_space<hbm>>
        %dma_start3A_287 = tpu.memref_squeeze %dma_start3A_286 : memref<1x8x128xi32, #tpu.memory_space<hbm>> -> memref<8x128xi32, #tpu.memory_space<hbm>>
        tpu.enqueue_dma source(%dma_start3A_287 : memref<8x128xi32, #tpu.memory_space<hbm>>) target(%arg6 : memref<8x128xi32, #tpu.memory_space<vmem>>) target_semaphore(%run_scoped3A : memref<!tpu.dma_semaphore, #tpu.memory_space<semaphore_mem>>)
        %dma_wait3A_288 = arith.constant 0 : i32
        %dma_wait3A_289 = arith.constant 0 : i32
        %dma_wait3A_290 = tpu.memref_slice %arg2[%add3A_187, %dma_wait3A_288, %dma_wait3A_289] : memref<320x8x128xi32, #tpu.memory_space<hbm>> -> memref<1x8x128xi32, #tpu.memory_space<hbm>>
        %dma_wait3A_291 = tpu.memref_squeeze %dma_wait3A_290 : memref<1x8x128xi32, #tpu.memory_space<hbm>> -> memref<8x128xi32, #tpu.memory_space<hbm>>
        %dma_wait3A_292 = arith.constant 0 : i32
        %dma_wait3A_293 = arith.constant 0 : i32
        %dma_wait3A_294 = tpu.memref_slice %arg2[%add3A_187, %dma_wait3A_292, %dma_wait3A_293] : memref<320x8x128xi32, #tpu.memory_space<hbm>> -> memref<1x8x128xi32, #tpu.memory_space<hbm>>
        %dma_wait3A_295 = tpu.memref_squeeze %dma_wait3A_294 : memref<1x8x128xi32, #tpu.memory_space<hbm>> -> memref<8x128xi32, #tpu.memory_space<hbm>>
        tpu.wait_dma2 semaphore(%run_scoped3A : memref<!tpu.dma_semaphore, #tpu.memory_space<semaphore_mem>>) src(%dma_wait3A_295 : memref<8x128xi32, #tpu.memory_space<hbm>>) dst(%arg6 : memref<8x128xi32, #tpu.memory_space<vmem>>)
        tpu.yield
      }) : () -> ()
      %ge3A_188 = arith.constant 1 : i32
      %ge3A_189 = arith.cmpi sge, %add3A_186, %ge3A_188 : i32
      %convert_element_type3A_190 = arith.extui %ge3A_189 : i1 to i32
      %cond3A_191 = arith.constant 0 : i32
      %cond3A_192 = arith.cmpi ne, %convert_element_type3A_190, %cond3A_191 : i32
      scf.if %cond3A_192 {
        %dma_wait3A_280 = arith.constant 4 : i32
        %dma_wait3A_281 = arith.constant 0 : i32
        %dma_wait3A_282 = tpu.memref_slice %arg5[%dma_wait3A_280, %dma_wait3A_281] : memref<8x128xi32, #tpu.memory_space<vmem>> -> memref<1x128xi32, #tpu.memory_space<vmem>>
        %dma_wait3A_283 = tpu.memref_squeeze %dma_wait3A_282 : memref<1x128xi32, #tpu.memory_space<vmem>> -> memref<128xi32, #tpu.memory_space<vmem>>
        %dma_wait3A_284 = arith.constant 0 : i32
        %dma_wait3A_285 = tpu.memref_slice %arg12[%dma_wait3A_284] : memref<10240xf32, #tpu.memory_space<vmem_shared>> -> memref<10240xf32, #tpu.memory_space<vmem_shared>>
        tpu.wait_indirect_dma semaphore(%arg7 : memref<!tpu.dma_semaphore, #tpu.memory_space<semaphore_mem>>) src(%arg11 : memref<128xf32, #tpu.memory_space<vmem>>) dst(%dma_wait3A_285 : memref<10240xf32, #tpu.memory_space<vmem_shared>>)
      } else {
      }
      %dma_start3A_193 = arith.constant 0 : i32
      %dma_start3A_194 = arith.constant 0 : i32
      %dma_start3A_195 = tpu.memref_slice %arg6[%dma_start3A_193, %dma_start3A_194] : memref<8x128xi32, #tpu.memory_space<vmem>> -> memref<1x128xi32, #tpu.memory_space<vmem>>
      %dma_start3A_196 = tpu.memref_squeeze %dma_start3A_195 : memref<1x128xi32, #tpu.memory_space<vmem>> -> memref<128xi32, #tpu.memory_space<vmem>>
      %dma_start3A_197 = arith.constant 0 : i32
      %dma_start3A_198 = tpu.memref_slice %arg12[%dma_start3A_197] : memref<10240xf32, #tpu.memory_space<vmem_shared>> -> memref<10240xf32, #tpu.memory_space<vmem_shared>>
      tpu.enqueue_indirect_dma source(%arg11 : memref<128xf32, #tpu.memory_space<vmem>>) target(%dma_start3A_198 : memref<10240xf32, #tpu.memory_space<vmem_shared>>) offsets(%dma_start3A_196 : memref<128xi32, #tpu.memory_space<vmem>>) semaphore(%arg7 : memref<!tpu.dma_semaphore, #tpu.memory_space<semaphore_mem>>) {add = true}
      %ge3A_199 = arith.constant 1 : i32
      %ge3A_200 = arith.cmpi sge, %add3A_186, %ge3A_199 : i32
      %convert_element_type3A_201 = arith.extui %ge3A_200 : i1 to i32
      %cond3A_202 = arith.constant 0 : i32
      %cond3A_203 = arith.cmpi ne, %convert_element_type3A_201, %cond3A_202 : i32
      scf.if %cond3A_203 {
        %dma_wait3A_280 = arith.constant 5 : i32
        %dma_wait3A_281 = arith.constant 0 : i32
        %dma_wait3A_282 = tpu.memref_slice %arg5[%dma_wait3A_280, %dma_wait3A_281] : memref<8x128xi32, #tpu.memory_space<vmem>> -> memref<1x128xi32, #tpu.memory_space<vmem>>
        %dma_wait3A_283 = tpu.memref_squeeze %dma_wait3A_282 : memref<1x128xi32, #tpu.memory_space<vmem>> -> memref<128xi32, #tpu.memory_space<vmem>>
        %dma_wait3A_284 = arith.constant 0 : i32
        %dma_wait3A_285 = tpu.memref_slice %arg12[%dma_wait3A_284] : memref<10240xf32, #tpu.memory_space<vmem_shared>> -> memref<10240xf32, #tpu.memory_space<vmem_shared>>
        tpu.wait_indirect_dma semaphore(%arg8 : memref<!tpu.dma_semaphore, #tpu.memory_space<semaphore_mem>>) src(%arg11 : memref<128xf32, #tpu.memory_space<vmem>>) dst(%dma_wait3A_285 : memref<10240xf32, #tpu.memory_space<vmem_shared>>)
      } else {
      }
      %dma_start3A_204 = arith.constant 1 : i32
      %dma_start3A_205 = arith.constant 0 : i32
      %dma_start3A_206 = tpu.memref_slice %arg6[%dma_start3A_204, %dma_start3A_205] : memref<8x128xi32, #tpu.memory_space<vmem>> -> memref<1x128xi32, #tpu.memory_space<vmem>>
      %dma_start3A_207 = tpu.memref_squeeze %dma_start3A_206 : memref<1x128xi32, #tpu.memory_space<vmem>> -> memref<128xi32, #tpu.memory_space<vmem>>
      %dma_start3A_208 = arith.constant 0 : i32
      %dma_start3A_209 = tpu.memref_slice %arg12[%dma_start3A_208] : memref<10240xf32, #tpu.memory_space<vmem_shared>> -> memref<10240xf32, #tpu.memory_space<vmem_shared>>
      tpu.enqueue_indirect_dma source(%arg11 : memref<128xf32, #tpu.memory_space<vmem>>) target(%dma_start3A_209 : memref<10240xf32, #tpu.memory_space<vmem_shared>>) offsets(%dma_start3A_207 : memref<128xi32, #tpu.memory_space<vmem>>) semaphore(%arg8 : memref<!tpu.dma_semaphore, #tpu.memory_space<semaphore_mem>>) {add = true}
      %ge3A_210 = arith.constant 1 : i32
      %ge3A_211 = arith.cmpi sge, %add3A_186, %ge3A_210 : i32
      %convert_element_type3A_212 = arith.extui %ge3A_211 : i1 to i32
      %cond3A_213 = arith.constant 0 : i32
      %cond3A_214 = arith.cmpi ne, %convert_element_type3A_212, %cond3A_213 : i32
      scf.if %cond3A_214 {
        %dma_wait3A_280 = arith.constant 6 : i32
        %dma_wait3A_281 = arith.constant 0 : i32
        %dma_wait3A_282 = tpu.memref_slice %arg5[%dma_wait3A_280, %dma_wait3A_281] : memref<8x128xi32, #tpu.memory_space<vmem>> -> memref<1x128xi32, #tpu.memory_space<vmem>>
        %dma_wait3A_283 = tpu.memref_squeeze %dma_wait3A_282 : memref<1x128xi32, #tpu.memory_space<vmem>> -> memref<128xi32, #tpu.memory_space<vmem>>
        %dma_wait3A_284 = arith.constant 0 : i32
        %dma_wait3A_285 = tpu.memref_slice %arg12[%dma_wait3A_284] : memref<10240xf32, #tpu.memory_space<vmem_shared>> -> memref<10240xf32, #tpu.memory_space<vmem_shared>>
        tpu.wait_indirect_dma semaphore(%arg9 : memref<!tpu.dma_semaphore, #tpu.memory_space<semaphore_mem>>) src(%arg11 : memref<128xf32, #tpu.memory_space<vmem>>) dst(%dma_wait3A_285 : memref<10240xf32, #tpu.memory_space<vmem_shared>>)
      } else {
      }
      %dma_start3A_215 = arith.constant 2 : i32
      %dma_start3A_216 = arith.constant 0 : i32
      %dma_start3A_217 = tpu.memref_slice %arg6[%dma_start3A_215, %dma_start3A_216] : memref<8x128xi32, #tpu.memory_space<vmem>> -> memref<1x128xi32, #tpu.memory_space<vmem>>
      %dma_start3A_218 = tpu.memref_squeeze %dma_start3A_217 : memref<1x128xi32, #tpu.memory_space<vmem>> -> memref<128xi32, #tpu.memory_space<vmem>>
      %dma_start3A_219 = arith.constant 0 : i32
      %dma_start3A_220 = tpu.memref_slice %arg12[%dma_start3A_219] : memref<10240xf32, #tpu.memory_space<vmem_shared>> -> memref<10240xf32, #tpu.memory_space<vmem_shared>>
      tpu.enqueue_indirect_dma source(%arg11 : memref<128xf32, #tpu.memory_space<vmem>>) target(%dma_start3A_220 : memref<10240xf32, #tpu.memory_space<vmem_shared>>) offsets(%dma_start3A_218 : memref<128xi32, #tpu.memory_space<vmem>>) semaphore(%arg9 : memref<!tpu.dma_semaphore, #tpu.memory_space<semaphore_mem>>) {add = true}
      %ge3A_221 = arith.constant 1 : i32
      %ge3A_222 = arith.cmpi sge, %add3A_186, %ge3A_221 : i32
      %convert_element_type3A_223 = arith.extui %ge3A_222 : i1 to i32
      %cond3A_224 = arith.constant 0 : i32
      %cond3A_225 = arith.cmpi ne, %convert_element_type3A_223, %cond3A_224 : i32
      scf.if %cond3A_225 {
        %dma_wait3A_280 = arith.constant 7 : i32
        %dma_wait3A_281 = arith.constant 0 : i32
        %dma_wait3A_282 = tpu.memref_slice %arg5[%dma_wait3A_280, %dma_wait3A_281] : memref<8x128xi32, #tpu.memory_space<vmem>> -> memref<1x128xi32, #tpu.memory_space<vmem>>
        %dma_wait3A_283 = tpu.memref_squeeze %dma_wait3A_282 : memref<1x128xi32, #tpu.memory_space<vmem>> -> memref<128xi32, #tpu.memory_space<vmem>>
        %dma_wait3A_284 = arith.constant 0 : i32
        %dma_wait3A_285 = tpu.memref_slice %arg12[%dma_wait3A_284] : memref<10240xf32, #tpu.memory_space<vmem_shared>> -> memref<10240xf32, #tpu.memory_space<vmem_shared>>
        tpu.wait_indirect_dma semaphore(%arg10 : memref<!tpu.dma_semaphore, #tpu.memory_space<semaphore_mem>>) src(%arg11 : memref<128xf32, #tpu.memory_space<vmem>>) dst(%dma_wait3A_285 : memref<10240xf32, #tpu.memory_space<vmem_shared>>)
      } else {
      }
      %dma_start3A_226 = arith.constant 3 : i32
      %dma_start3A_227 = arith.constant 0 : i32
      %dma_start3A_228 = tpu.memref_slice %arg6[%dma_start3A_226, %dma_start3A_227] : memref<8x128xi32, #tpu.memory_space<vmem>> -> memref<1x128xi32, #tpu.memory_space<vmem>>
      %dma_start3A_229 = tpu.memref_squeeze %dma_start3A_228 : memref<1x128xi32, #tpu.memory_space<vmem>> -> memref<128xi32, #tpu.memory_space<vmem>>
      %dma_start3A_230 = arith.constant 0 : i32
      %dma_start3A_231 = tpu.memref_slice %arg12[%dma_start3A_230] : memref<10240xf32, #tpu.memory_space<vmem_shared>> -> memref<10240xf32, #tpu.memory_space<vmem_shared>>
      tpu.enqueue_indirect_dma source(%arg11 : memref<128xf32, #tpu.memory_space<vmem>>) target(%dma_start3A_231 : memref<10240xf32, #tpu.memory_space<vmem_shared>>) offsets(%dma_start3A_229 : memref<128xi32, #tpu.memory_space<vmem>>) semaphore(%arg10 : memref<!tpu.dma_semaphore, #tpu.memory_space<semaphore_mem>>) {add = true}
      %dma_wait3A_232 = arith.constant 0 : i32
      %dma_wait3A_233 = arith.constant 0 : i32
      %dma_wait3A_234 = tpu.memref_slice %arg6[%dma_wait3A_232, %dma_wait3A_233] : memref<8x128xi32, #tpu.memory_space<vmem>> -> memref<1x128xi32, #tpu.memory_space<vmem>>
      %dma_wait3A_235 = tpu.memref_squeeze %dma_wait3A_234 : memref<1x128xi32, #tpu.memory_space<vmem>> -> memref<128xi32, #tpu.memory_space<vmem>>
      %dma_wait3A_236 = arith.constant 0 : i32
      %dma_wait3A_237 = tpu.memref_slice %arg12[%dma_wait3A_236] : memref<10240xf32, #tpu.memory_space<vmem_shared>> -> memref<10240xf32, #tpu.memory_space<vmem_shared>>
      tpu.wait_indirect_dma semaphore(%arg7 : memref<!tpu.dma_semaphore, #tpu.memory_space<semaphore_mem>>) src(%arg11 : memref<128xf32, #tpu.memory_space<vmem>>) dst(%dma_wait3A_237 : memref<10240xf32, #tpu.memory_space<vmem_shared>>)
      %dma_start3A_238 = arith.constant 4 : i32
      %dma_start3A_239 = arith.constant 0 : i32
      %dma_start3A_240 = tpu.memref_slice %arg6[%dma_start3A_238, %dma_start3A_239] : memref<8x128xi32, #tpu.memory_space<vmem>> -> memref<1x128xi32, #tpu.memory_space<vmem>>
      %dma_start3A_241 = tpu.memref_squeeze %dma_start3A_240 : memref<1x128xi32, #tpu.memory_space<vmem>> -> memref<128xi32, #tpu.memory_space<vmem>>
      %dma_start3A_242 = arith.constant 0 : i32
      %dma_start3A_243 = tpu.memref_slice %arg12[%dma_start3A_242] : memref<10240xf32, #tpu.memory_space<vmem_shared>> -> memref<10240xf32, #tpu.memory_space<vmem_shared>>
      tpu.enqueue_indirect_dma source(%arg11 : memref<128xf32, #tpu.memory_space<vmem>>) target(%dma_start3A_243 : memref<10240xf32, #tpu.memory_space<vmem_shared>>) offsets(%dma_start3A_241 : memref<128xi32, #tpu.memory_space<vmem>>) semaphore(%arg7 : memref<!tpu.dma_semaphore, #tpu.memory_space<semaphore_mem>>) {add = true}
      %dma_wait3A_244 = arith.constant 1 : i32
      %dma_wait3A_245 = arith.constant 0 : i32
      %dma_wait3A_246 = tpu.memref_slice %arg6[%dma_wait3A_244, %dma_wait3A_245] : memref<8x128xi32, #tpu.memory_space<vmem>> -> memref<1x128xi32, #tpu.memory_space<vmem>>
      %dma_wait3A_247 = tpu.memref_squeeze %dma_wait3A_246 : memref<1x128xi32, #tpu.memory_space<vmem>> -> memref<128xi32, #tpu.memory_space<vmem>>
      %dma_wait3A_248 = arith.constant 0 : i32
      %dma_wait3A_249 = tpu.memref_slice %arg12[%dma_wait3A_248] : memref<10240xf32, #tpu.memory_space<vmem_shared>> -> memref<10240xf32, #tpu.memory_space<vmem_shared>>
      tpu.wait_indirect_dma semaphore(%arg8 : memref<!tpu.dma_semaphore, #tpu.memory_space<semaphore_mem>>) src(%arg11 : memref<128xf32, #tpu.memory_space<vmem>>) dst(%dma_wait3A_249 : memref<10240xf32, #tpu.memory_space<vmem_shared>>)
      %dma_start3A_250 = arith.constant 5 : i32
      %dma_start3A_251 = arith.constant 0 : i32
      %dma_start3A_252 = tpu.memref_slice %arg6[%dma_start3A_250, %dma_start3A_251] : memref<8x128xi32, #tpu.memory_space<vmem>> -> memref<1x128xi32, #tpu.memory_space<vmem>>
      %dma_start3A_253 = tpu.memref_squeeze %dma_start3A_252 : memref<1x128xi32, #tpu.memory_space<vmem>> -> memref<128xi32, #tpu.memory_space<vmem>>
      %dma_start3A_254 = arith.constant 0 : i32
      %dma_start3A_255 = tpu.memref_slice %arg12[%dma_start3A_254] : memref<10240xf32, #tpu.memory_space<vmem_shared>> -> memref<10240xf32, #tpu.memory_space<vmem_shared>>
      tpu.enqueue_indirect_dma source(%arg11 : memref<128xf32, #tpu.memory_space<vmem>>) target(%dma_start3A_255 : memref<10240xf32, #tpu.memory_space<vmem_shared>>) offsets(%dma_start3A_253 : memref<128xi32, #tpu.memory_space<vmem>>) semaphore(%arg8 : memref<!tpu.dma_semaphore, #tpu.memory_space<semaphore_mem>>) {add = true}
      %dma_wait3A_256 = arith.constant 2 : i32
      %dma_wait3A_257 = arith.constant 0 : i32
      %dma_wait3A_258 = tpu.memref_slice %arg6[%dma_wait3A_256, %dma_wait3A_257] : memref<8x128xi32, #tpu.memory_space<vmem>> -> memref<1x128xi32, #tpu.memory_space<vmem>>
      %dma_wait3A_259 = tpu.memref_squeeze %dma_wait3A_258 : memref<1x128xi32, #tpu.memory_space<vmem>> -> memref<128xi32, #tpu.memory_space<vmem>>
      %dma_wait3A_260 = arith.constant 0 : i32
      %dma_wait3A_261 = tpu.memref_slice %arg12[%dma_wait3A_260] : memref<10240xf32, #tpu.memory_space<vmem_shared>> -> memref<10240xf32, #tpu.memory_space<vmem_shared>>
      tpu.wait_indirect_dma semaphore(%arg9 : memref<!tpu.dma_semaphore, #tpu.memory_space<semaphore_mem>>) src(%arg11 : memref<128xf32, #tpu.memory_space<vmem>>) dst(%dma_wait3A_261 : memref<10240xf32, #tpu.memory_space<vmem_shared>>)
      %dma_start3A_262 = arith.constant 6 : i32
      %dma_start3A_263 = arith.constant 0 : i32
      %dma_start3A_264 = tpu.memref_slice %arg6[%dma_start3A_262, %dma_start3A_263] : memref<8x128xi32, #tpu.memory_space<vmem>> -> memref<1x128xi32, #tpu.memory_space<vmem>>
      %dma_start3A_265 = tpu.memref_squeeze %dma_start3A_264 : memref<1x128xi32, #tpu.memory_space<vmem>> -> memref<128xi32, #tpu.memory_space<vmem>>
      %dma_start3A_266 = arith.constant 0 : i32
      %dma_start3A_267 = tpu.memref_slice %arg12[%dma_start3A_266] : memref<10240xf32, #tpu.memory_space<vmem_shared>> -> memref<10240xf32, #tpu.memory_space<vmem_shared>>
      tpu.enqueue_indirect_dma source(%arg11 : memref<128xf32, #tpu.memory_space<vmem>>) target(%dma_start3A_267 : memref<10240xf32, #tpu.memory_space<vmem_shared>>) offsets(%dma_start3A_265 : memref<128xi32, #tpu.memory_space<vmem>>) semaphore(%arg9 : memref<!tpu.dma_semaphore, #tpu.memory_space<semaphore_mem>>) {add = true}
      %dma_wait3A_268 = arith.constant 3 : i32
      %dma_wait3A_269 = arith.constant 0 : i32
      %dma_wait3A_270 = tpu.memref_slice %arg6[%dma_wait3A_268, %dma_wait3A_269] : memref<8x128xi32, #tpu.memory_space<vmem>> -> memref<1x128xi32, #tpu.memory_space<vmem>>
      %dma_wait3A_271 = tpu.memref_squeeze %dma_wait3A_270 : memref<1x128xi32, #tpu.memory_space<vmem>> -> memref<128xi32, #tpu.memory_space<vmem>>
      %dma_wait3A_272 = arith.constant 0 : i32
      %dma_wait3A_273 = tpu.memref_slice %arg12[%dma_wait3A_272] : memref<10240xf32, #tpu.memory_space<vmem_shared>> -> memref<10240xf32, #tpu.memory_space<vmem_shared>>
      tpu.wait_indirect_dma semaphore(%arg10 : memref<!tpu.dma_semaphore, #tpu.memory_space<semaphore_mem>>) src(%arg11 : memref<128xf32, #tpu.memory_space<vmem>>) dst(%dma_wait3A_273 : memref<10240xf32, #tpu.memory_space<vmem_shared>>)
      %dma_start3A_274 = arith.constant 7 : i32
      %dma_start3A_275 = arith.constant 0 : i32
      %dma_start3A_276 = tpu.memref_slice %arg6[%dma_start3A_274, %dma_start3A_275] : memref<8x128xi32, #tpu.memory_space<vmem>> -> memref<1x128xi32, #tpu.memory_space<vmem>>
      %dma_start3A_277 = tpu.memref_squeeze %dma_start3A_276 : memref<1x128xi32, #tpu.memory_space<vmem>> -> memref<128xi32, #tpu.memory_space<vmem>>
      %dma_start3A_278 = arith.constant 0 : i32
      %dma_start3A_279 = tpu.memref_slice %arg12[%dma_start3A_278] : memref<10240xf32, #tpu.memory_space<vmem_shared>> -> memref<10240xf32, #tpu.memory_space<vmem_shared>>
      tpu.enqueue_indirect_dma source(%arg11 : memref<128xf32, #tpu.memory_space<vmem>>) target(%dma_start3A_279 : memref<10240xf32, #tpu.memory_space<vmem_shared>>) offsets(%dma_start3A_277 : memref<128xi32, #tpu.memory_space<vmem>>) semaphore(%arg10 : memref<!tpu.dma_semaphore, #tpu.memory_space<semaphore_mem>>) {add = true}
    }
    %scan3A_57 = arith.constant 5 : i32
    %dma_wait3A = arith.constant 4 : i32
    %dma_wait3A_58 = arith.constant 0 : i32
    %dma_wait3A_59 = tpu.memref_slice %arg6[%dma_wait3A, %dma_wait3A_58] : memref<8x128xi32, #tpu.memory_space<vmem>> -> memref<1x128xi32, #tpu.memory_space<vmem>>
    %dma_wait3A_60 = tpu.memref_squeeze %dma_wait3A_59 : memref<1x128xi32, #tpu.memory_space<vmem>> -> memref<128xi32, #tpu.memory_space<vmem>>
    %dma_wait3A_61 = arith.constant 0 : i32
    %dma_wait3A_62 = tpu.memref_slice %arg12[%dma_wait3A_61] : memref<10240xf32, #tpu.memory_space<vmem_shared>> -> memref<10240xf32, #tpu.memory_space<vmem_shared>>
    tpu.wait_indirect_dma semaphore(%arg7 : memref<!tpu.dma_semaphore, #tpu.memory_space<semaphore_mem>>) src(%arg11 : memref<128xf32, #tpu.memory_space<vmem>>) dst(%dma_wait3A_62 : memref<10240xf32, #tpu.memory_space<vmem_shared>>)
    %dma_wait3A_63 = arith.constant 5 : i32
    %dma_wait3A_64 = arith.constant 0 : i32
    %dma_wait3A_65 = tpu.memref_slice %arg6[%dma_wait3A_63, %dma_wait3A_64] : memref<8x128xi32, #tpu.memory_space<vmem>> -> memref<1x128xi32, #tpu.memory_space<vmem>>
    %dma_wait3A_66 = tpu.memref_squeeze %dma_wait3A_65 : memref<1x128xi32, #tpu.memory_space<vmem>> -> memref<128xi32, #tpu.memory_space<vmem>>
    %dma_wait3A_67 = arith.constant 0 : i32
    %dma_wait3A_68 = tpu.memref_slice %arg12[%dma_wait3A_67] : memref<10240xf32, #tpu.memory_space<vmem_shared>> -> memref<10240xf32, #tpu.memory_space<vmem_shared>>
    tpu.wait_indirect_dma semaphore(%arg8 : memref<!tpu.dma_semaphore, #tpu.memory_space<semaphore_mem>>) src(%arg11 : memref<128xf32, #tpu.memory_space<vmem>>) dst(%dma_wait3A_68 : memref<10240xf32, #tpu.memory_space<vmem_shared>>)
    %dma_wait3A_69 = arith.constant 6 : i32
    %dma_wait3A_70 = arith.constant 0 : i32
    %dma_wait3A_71 = tpu.memref_slice %arg6[%dma_wait3A_69, %dma_wait3A_70] : memref<8x128xi32, #tpu.memory_space<vmem>> -> memref<1x128xi32, #tpu.memory_space<vmem>>
    %dma_wait3A_72 = tpu.memref_squeeze %dma_wait3A_71 : memref<1x128xi32, #tpu.memory_space<vmem>> -> memref<128xi32, #tpu.memory_space<vmem>>
    %dma_wait3A_73 = arith.constant 0 : i32
    %dma_wait3A_74 = tpu.memref_slice %arg12[%dma_wait3A_73] : memref<10240xf32, #tpu.memory_space<vmem_shared>> -> memref<10240xf32, #tpu.memory_space<vmem_shared>>
    tpu.wait_indirect_dma semaphore(%arg9 : memref<!tpu.dma_semaphore, #tpu.memory_space<semaphore_mem>>) src(%arg11 : memref<128xf32, #tpu.memory_space<vmem>>) dst(%dma_wait3A_74 : memref<10240xf32, #tpu.memory_space<vmem_shared>>)
    %dma_wait3A_75 = arith.constant 7 : i32
    %dma_wait3A_76 = arith.constant 0 : i32
    %dma_wait3A_77 = tpu.memref_slice %arg6[%dma_wait3A_75, %dma_wait3A_76] : memref<8x128xi32, #tpu.memory_space<vmem>> -> memref<1x128xi32, #tpu.memory_space<vmem>>
    %dma_wait3A_78 = tpu.memref_squeeze %dma_wait3A_77 : memref<1x128xi32, #tpu.memory_space<vmem>> -> memref<128xi32, #tpu.memory_space<vmem>>
    %dma_wait3A_79 = arith.constant 0 : i32
    %dma_wait3A_80 = tpu.memref_slice %arg12[%dma_wait3A_79] : memref<10240xf32, #tpu.memory_space<vmem_shared>> -> memref<10240xf32, #tpu.memory_space<vmem_shared>>
    tpu.wait_indirect_dma semaphore(%arg10 : memref<!tpu.dma_semaphore, #tpu.memory_space<semaphore_mem>>) src(%arg11 : memref<128xf32, #tpu.memory_space<vmem>>) dst(%dma_wait3A_80 : memref<10240xf32, #tpu.memory_space<vmem_shared>>)
    %barrier3A_81 = arith.constant 0 : index
    tpu.barrier barrier_id(%barrier3A_81)
    %mul3A_82 = arith.constant 640 : i32
    %mul3A_83 = arith.muli %arg1, %mul3A_82 : i32
    %mul3A_84 = arith.constant 10240 : i32
    %mul3A_85 = arith.muli %arg0, %mul3A_84 : i32
    %mul3A_86 = arith.constant 640 : i32
    %mul3A_87 = arith.muli %arg1, %mul3A_86 : i32
    %add3A_88 = arith.addi %mul3A_85, %mul3A_87 : i32
    "tpu.region"() ({
      %run_scoped3A = tpu.sem_alloc : memref<!tpu.dma_semaphore, #tpu.memory_space<semaphore_mem>>
      %dma_start3A = tpu.memref_slice %arg4[%add3A_88] : memref<20480xf32, #tpu.memory_space<hbm>> -> memref<640xf32, #tpu.memory_space<hbm>>
      %dma_start3A_89 = tpu.memref_slice %arg12[%mul3A_83] : memref<10240xf32, #tpu.memory_space<vmem_shared>> -> memref<640xf32, #tpu.memory_space<vmem_shared>>
      tpu.enqueue_dma source(%dma_start3A_89 : memref<640xf32, #tpu.memory_space<vmem_shared>>) target(%dma_start3A : memref<640xf32, #tpu.memory_space<hbm>>) target_semaphore(%run_scoped3A : memref<!tpu.dma_semaphore, #tpu.memory_space<semaphore_mem>>)
      %dma_wait3A_90 = tpu.memref_slice %arg4[%add3A_88] : memref<20480xf32, #tpu.memory_space<hbm>> -> memref<640xf32, #tpu.memory_space<hbm>>
      %dma_wait3A_91 = tpu.memref_slice %arg12[%mul3A_83] : memref<10240xf32, #tpu.memory_space<vmem_shared>> -> memref<640xf32, #tpu.memory_space<vmem_shared>>
      tpu.wait_dma2 semaphore(%run_scoped3A : memref<!tpu.dma_semaphore, #tpu.memory_space<semaphore_mem>>) src(%dma_wait3A_91 : memref<640xf32, #tpu.memory_space<vmem_shared>>) dst(%dma_wait3A_90 : memref<640xf32, #tpu.memory_space<hbm>>)
      tpu.yield
    }) : () -> ()
    return
  }
}

#map = affine_map<(d0, d1) -> (0, 0)>
#map1 = affine_map<(d0, d1) -> (0, 0, 0)>
module attributes {stable_mosaic.version = 14 : i64} {
  func.func @_agg_kernel(%arg0: i32, %arg1: i32, %arg2: memref<10240x128xf32, #tpu.memory_space<hbm>>, %arg3: memref<320x8x128xi32, #tpu.memory_space<hbm>>, %arg4: memref<320x8x128xi32, #tpu.memory_space<hbm>>, %arg5: memref<10240x128xf32, #tpu.memory_space<hbm>>, %arg6: memref<2x10240x128xf32, #tpu.memory_space<hbm>>, %arg7: memref<8x128xi32, #tpu.memory_space<vmem>>, %arg8: memref<8x128xi32, #tpu.memory_space<vmem>>, %arg9: memref<8x128xi32, #tpu.memory_space<vmem>>, %arg10: memref<8x128xi32, #tpu.memory_space<vmem>>, %arg11: memref<128x128xf32, #tpu.memory_space<vmem>>, %arg12: memref<128x128xf32, #tpu.memory_space<vmem>>, %arg13: memref<!tpu.dma_semaphore, #tpu.memory_space<semaphore_mem>>, %arg14: memref<!tpu.dma_semaphore, #tpu.memory_space<semaphore_mem>>, %arg15: memref<!tpu.dma_semaphore, #tpu.memory_space<semaphore_mem>>, %arg16: memref<!tpu.dma_semaphore, #tpu.memory_space<semaphore_mem>>, %arg17: memref<10240x128xf32, #tpu.memory_space<vmem_shared>>) attributes {dimension_semantics = [#tpu.dimension_semantics<core_parallel>, #tpu.dimension_semantics<subcore_parallel>], iteration_bounds = array<i64: 2, 16>, scalar_prefetch = 0 : i64, scratch_operands = 11 : i64, tpu.core_type = #tpu.core_type<sc_vector_subcore>, window_params = [{transform_indices = #map}, {transform_indices = #map1}, {transform_indices = #map1}, {transform_indices = #map}, {transform_indices = #map1}]} {
    %mul3A = arith.constant 2 : i32
    %mul3A_0 = arith.muli %arg1, %mul3A : i32
    %add3A = arith.addi %mul3A_0, %arg0 : i32
    %mul3A_1 = arith.constant 640 : i32
    %mul3A_2 = arith.muli %arg1, %mul3A_1 : i32
    %mul3A_3 = arith.constant 640 : i32
    %mul3A_4 = arith.muli %arg1, %mul3A_3 : i32
    "tpu.region"() ({
      %run_scoped3A = tpu.sem_alloc : memref<!tpu.dma_semaphore, #tpu.memory_space<semaphore_mem>>
      %dma_start3A_43 = arith.constant 0 : i32
      %dma_start3A_44 = tpu.memref_slice %arg17[%mul3A_4, %dma_start3A_43] : memref<10240x128xf32, #tpu.memory_space<vmem_shared>> -> memref<640x128xf32, #tpu.memory_space<vmem_shared>>
      %dma_start3A_45 = arith.constant 0 : i32
      %dma_start3A_46 = tpu.memref_slice %arg5[%mul3A_2, %dma_start3A_45] : memref<10240x128xf32, #tpu.memory_space<hbm>> -> memref<640x128xf32, #tpu.memory_space<hbm>>
      tpu.enqueue_dma source(%dma_start3A_46 : memref<640x128xf32, #tpu.memory_space<hbm>>) target(%dma_start3A_44 : memref<640x128xf32, #tpu.memory_space<vmem_shared>>) target_semaphore(%run_scoped3A : memref<!tpu.dma_semaphore, #tpu.memory_space<semaphore_mem>>)
      %dma_wait3A_47 = arith.constant 0 : i32
      %dma_wait3A_48 = tpu.memref_slice %arg17[%mul3A_4, %dma_wait3A_47] : memref<10240x128xf32, #tpu.memory_space<vmem_shared>> -> memref<640x128xf32, #tpu.memory_space<vmem_shared>>
      %dma_wait3A_49 = arith.constant 0 : i32
      %dma_wait3A_50 = tpu.memref_slice %arg5[%mul3A_2, %dma_wait3A_49] : memref<10240x128xf32, #tpu.memory_space<hbm>> -> memref<640x128xf32, #tpu.memory_space<hbm>>
      tpu.wait_dma2 semaphore(%run_scoped3A : memref<!tpu.dma_semaphore, #tpu.memory_space<semaphore_mem>>) src(%dma_wait3A_50 : memref<640x128xf32, #tpu.memory_space<hbm>>) dst(%dma_wait3A_48 : memref<640x128xf32, #tpu.memory_space<vmem_shared>>)
      tpu.yield
    }) : () -> ()
    %barrier3A = arith.constant 0 : index
    tpu.barrier barrier_id(%barrier3A)
    %mul3A_5 = arith.constant 10 : i32
    %mul3A_6 = arith.muli %add3A, %mul3A_5 : i32
    %scan3A = arith.constant 0 : i32
    %scan3A_7 = arith.constant 0 : i32
    %scan3A_8 = arith.constant 5 : i32
    %scan3A_9 = arith.addi %scan3A_7, %scan3A_8 : i32
    %scan3A_10 = arith.constant 1 : i32
    scf.for %scan3A_43 = %scan3A_7 to %scan3A_9 step %scan3A_10  : i32 {
      %mul3A_44 = arith.constant 2 : i32
      %mul3A_45 = arith.muli %scan3A_43, %mul3A_44 : i32
      %add3A_46 = arith.constant 0 : i32
      %add3A_47 = arith.addi %mul3A_45, %add3A_46 : i32
      %add3A_48 = arith.addi %mul3A_6, %add3A_47 : i32
      "tpu.region"() ({
        %run_scoped3A = tpu.sem_alloc : memref<!tpu.dma_semaphore, #tpu.memory_space<semaphore_mem>>
        %dma_start3A_475 = arith.constant 0 : i32
        %dma_start3A_476 = arith.constant 0 : i32
        %dma_start3A_477 = tpu.memref_slice %arg3[%add3A_48, %dma_start3A_475, %dma_start3A_476] : memref<320x8x128xi32, #tpu.memory_space<hbm>> -> memref<1x8x128xi32, #tpu.memory_space<hbm>>
        %dma_start3A_478 = tpu.memref_squeeze %dma_start3A_477 : memref<1x8x128xi32, #tpu.memory_space<hbm>> -> memref<8x128xi32, #tpu.memory_space<hbm>>
        %dma_start3A_479 = arith.constant 0 : i32
        %dma_start3A_480 = arith.constant 0 : i32
        %dma_start3A_481 = tpu.memref_slice %arg3[%add3A_48, %dma_start3A_479, %dma_start3A_480] : memref<320x8x128xi32, #tpu.memory_space<hbm>> -> memref<1x8x128xi32, #tpu.memory_space<hbm>>
        %dma_start3A_482 = tpu.memref_squeeze %dma_start3A_481 : memref<1x8x128xi32, #tpu.memory_space<hbm>> -> memref<8x128xi32, #tpu.memory_space<hbm>>
        tpu.enqueue_dma source(%dma_start3A_482 : memref<8x128xi32, #tpu.memory_space<hbm>>) target(%arg7 : memref<8x128xi32, #tpu.memory_space<vmem>>) target_semaphore(%run_scoped3A : memref<!tpu.dma_semaphore, #tpu.memory_space<semaphore_mem>>)
        %dma_wait3A_483 = arith.constant 0 : i32
        %dma_wait3A_484 = arith.constant 0 : i32
        %dma_wait3A_485 = tpu.memref_slice %arg3[%add3A_48, %dma_wait3A_483, %dma_wait3A_484] : memref<320x8x128xi32, #tpu.memory_space<hbm>> -> memref<1x8x128xi32, #tpu.memory_space<hbm>>
        %dma_wait3A_486 = tpu.memref_squeeze %dma_wait3A_485 : memref<1x8x128xi32, #tpu.memory_space<hbm>> -> memref<8x128xi32, #tpu.memory_space<hbm>>
        %dma_wait3A_487 = arith.constant 0 : i32
        %dma_wait3A_488 = arith.constant 0 : i32
        %dma_wait3A_489 = tpu.memref_slice %arg3[%add3A_48, %dma_wait3A_487, %dma_wait3A_488] : memref<320x8x128xi32, #tpu.memory_space<hbm>> -> memref<1x8x128xi32, #tpu.memory_space<hbm>>
        %dma_wait3A_490 = tpu.memref_squeeze %dma_wait3A_489 : memref<1x8x128xi32, #tpu.memory_space<hbm>> -> memref<8x128xi32, #tpu.memory_space<hbm>>
        tpu.wait_dma2 semaphore(%run_scoped3A : memref<!tpu.dma_semaphore, #tpu.memory_space<semaphore_mem>>) src(%dma_wait3A_490 : memref<8x128xi32, #tpu.memory_space<hbm>>) dst(%arg7 : memref<8x128xi32, #tpu.memory_space<vmem>>)
        tpu.yield
      }) : () -> ()
      %add3A_49 = arith.addi %mul3A_6, %add3A_47 : i32
      "tpu.region"() ({
        %run_scoped3A = tpu.sem_alloc : memref<!tpu.dma_semaphore, #tpu.memory_space<semaphore_mem>>
        %dma_start3A_475 = arith.constant 0 : i32
        %dma_start3A_476 = arith.constant 0 : i32
        %dma_start3A_477 = tpu.memref_slice %arg4[%add3A_49, %dma_start3A_475, %dma_start3A_476] : memref<320x8x128xi32, #tpu.memory_space<hbm>> -> memref<1x8x128xi32, #tpu.memory_space<hbm>>
        %dma_start3A_478 = tpu.memref_squeeze %dma_start3A_477 : memref<1x8x128xi32, #tpu.memory_space<hbm>> -> memref<8x128xi32, #tpu.memory_space<hbm>>
        %dma_start3A_479 = arith.constant 0 : i32
        %dma_start3A_480 = arith.constant 0 : i32
        %dma_start3A_481 = tpu.memref_slice %arg4[%add3A_49, %dma_start3A_479, %dma_start3A_480] : memref<320x8x128xi32, #tpu.memory_space<hbm>> -> memref<1x8x128xi32, #tpu.memory_space<hbm>>
        %dma_start3A_482 = tpu.memref_squeeze %dma_start3A_481 : memref<1x8x128xi32, #tpu.memory_space<hbm>> -> memref<8x128xi32, #tpu.memory_space<hbm>>
        tpu.enqueue_dma source(%dma_start3A_482 : memref<8x128xi32, #tpu.memory_space<hbm>>) target(%arg9 : memref<8x128xi32, #tpu.memory_space<vmem>>) target_semaphore(%run_scoped3A : memref<!tpu.dma_semaphore, #tpu.memory_space<semaphore_mem>>)
        %dma_wait3A_483 = arith.constant 0 : i32
        %dma_wait3A_484 = arith.constant 0 : i32
        %dma_wait3A_485 = tpu.memref_slice %arg4[%add3A_49, %dma_wait3A_483, %dma_wait3A_484] : memref<320x8x128xi32, #tpu.memory_space<hbm>> -> memref<1x8x128xi32, #tpu.memory_space<hbm>>
        %dma_wait3A_486 = tpu.memref_squeeze %dma_wait3A_485 : memref<1x8x128xi32, #tpu.memory_space<hbm>> -> memref<8x128xi32, #tpu.memory_space<hbm>>
        %dma_wait3A_487 = arith.constant 0 : i32
        %dma_wait3A_488 = arith.constant 0 : i32
        %dma_wait3A_489 = tpu.memref_slice %arg4[%add3A_49, %dma_wait3A_487, %dma_wait3A_488] : memref<320x8x128xi32, #tpu.memory_space<hbm>> -> memref<1x8x128xi32, #tpu.memory_space<hbm>>
        %dma_wait3A_490 = tpu.memref_squeeze %dma_wait3A_489 : memref<1x8x128xi32, #tpu.memory_space<hbm>> -> memref<8x128xi32, #tpu.memory_space<hbm>>
        tpu.wait_dma2 semaphore(%run_scoped3A : memref<!tpu.dma_semaphore, #tpu.memory_space<semaphore_mem>>) src(%dma_wait3A_490 : memref<8x128xi32, #tpu.memory_space<hbm>>) dst(%arg9 : memref<8x128xi32, #tpu.memory_space<vmem>>)
        tpu.yield
      }) : () -> ()
      %ge3A = arith.constant 1 : i32
      %ge3A_50 = arith.cmpi sge, %add3A_47, %ge3A : i32
      %convert_element_type3A = arith.extui %ge3A_50 : i1 to i32
      %cond3A = arith.constant 0 : i32
      %cond3A_51 = arith.cmpi ne, %convert_element_type3A, %cond3A : i32
      scf.if %cond3A_51 {
        %dma_wait3A_475 = arith.constant 6 : i32
        %dma_wait3A_476 = arith.constant 0 : i32
        %dma_wait3A_477 = tpu.memref_slice %arg10[%dma_wait3A_475, %dma_wait3A_476] : memref<8x128xi32, #tpu.memory_space<vmem>> -> memref<1x128xi32, #tpu.memory_space<vmem>>
        %dma_wait3A_478 = tpu.memref_squeeze %dma_wait3A_477 : memref<1x128xi32, #tpu.memory_space<vmem>> -> memref<128xi32, #tpu.memory_space<vmem>>
        %dma_wait3A_479 = arith.constant 0 : i32
        %dma_wait3A_480 = arith.constant 0 : i32
        %dma_wait3A_481 = tpu.memref_slice %arg17[%dma_wait3A_479, %dma_wait3A_480] : memref<10240x128xf32, #tpu.memory_space<vmem_shared>> -> memref<10240x128xf32, #tpu.memory_space<vmem_shared>>
        tpu.wait_indirect_dma semaphore(%arg15 : memref<!tpu.dma_semaphore, #tpu.memory_space<semaphore_mem>>) src(%arg11 : memref<128x128xf32, #tpu.memory_space<vmem>>) dst(%dma_wait3A_481 : memref<10240x128xf32, #tpu.memory_space<vmem_shared>>)
      } else {
      }
      %dma_start3A_52 = arith.constant 0 : i32
      %dma_start3A_53 = arith.constant 0 : i32
      %dma_start3A_54 = tpu.memref_slice %arg7[%dma_start3A_52, %dma_start3A_53] : memref<8x128xi32, #tpu.memory_space<vmem>> -> memref<1x128xi32, #tpu.memory_space<vmem>>
      %dma_start3A_55 = tpu.memref_squeeze %dma_start3A_54 : memref<1x128xi32, #tpu.memory_space<vmem>> -> memref<128xi32, #tpu.memory_space<vmem>>
      %dma_start3A_56 = arith.constant 0 : i32
      %dma_start3A_57 = arith.constant 0 : i32
      %dma_start3A_58 = tpu.memref_slice %arg2[%dma_start3A_56, %dma_start3A_57] : memref<10240x128xf32, #tpu.memory_space<hbm>> -> memref<10240x128xf32, #tpu.memory_space<hbm>>
      tpu.enqueue_indirect_dma source(%dma_start3A_58 : memref<10240x128xf32, #tpu.memory_space<hbm>>) target(%arg11 : memref<128x128xf32, #tpu.memory_space<vmem>>) offsets(%dma_start3A_55 : memref<128xi32, #tpu.memory_space<vmem>>) semaphore(%arg13 : memref<!tpu.dma_semaphore, #tpu.memory_space<semaphore_mem>>)
      %ge3A_59 = arith.constant 1 : i32
      %ge3A_60 = arith.cmpi sge, %add3A_47, %ge3A_59 : i32
      %convert_element_type3A_61 = arith.extui %ge3A_60 : i1 to i32
      %cond3A_62 = arith.constant 0 : i32
      %cond3A_63 = arith.cmpi ne, %convert_element_type3A_61, %cond3A_62 : i32
      scf.if %cond3A_63 {
        %dma_wait3A_475 = arith.constant 7 : i32
        %dma_wait3A_476 = arith.constant 0 : i32
        %dma_wait3A_477 = tpu.memref_slice %arg8[%dma_wait3A_475, %dma_wait3A_476] : memref<8x128xi32, #tpu.memory_space<vmem>> -> memref<1x128xi32, #tpu.memory_space<vmem>>
        %dma_wait3A_478 = tpu.memref_squeeze %dma_wait3A_477 : memref<1x128xi32, #tpu.memory_space<vmem>> -> memref<128xi32, #tpu.memory_space<vmem>>
        %dma_wait3A_479 = arith.constant 0 : i32
        %dma_wait3A_480 = arith.constant 0 : i32
        %dma_wait3A_481 = tpu.memref_slice %arg2[%dma_wait3A_479, %dma_wait3A_480] : memref<10240x128xf32, #tpu.memory_space<hbm>> -> memref<10240x128xf32, #tpu.memory_space<hbm>>
        tpu.wait_indirect_dma semaphore(%arg14 : memref<!tpu.dma_semaphore, #tpu.memory_space<semaphore_mem>>) src(%dma_wait3A_481 : memref<10240x128xf32, #tpu.memory_space<hbm>>) dst(%arg12 : memref<128x128xf32, #tpu.memory_space<vmem>>)
        %dma_start3A_482 = arith.constant 7 : i32
        %dma_start3A_483 = arith.constant 0 : i32
        %dma_start3A_484 = tpu.memref_slice %arg10[%dma_start3A_482, %dma_start3A_483] : memref<8x128xi32, #tpu.memory_space<vmem>> -> memref<1x128xi32, #tpu.memory_space<vmem>>
        %dma_start3A_485 = tpu.memref_squeeze %dma_start3A_484 : memref<1x128xi32, #tpu.memory_space<vmem>> -> memref<128xi32, #tpu.memory_space<vmem>>
        %dma_start3A_486 = arith.constant 0 : i32
        %dma_start3A_487 = arith.constant 0 : i32
        %dma_start3A_488 = tpu.memref_slice %arg17[%dma_start3A_486, %dma_start3A_487] : memref<10240x128xf32, #tpu.memory_space<vmem_shared>> -> memref<10240x128xf32, #tpu.memory_space<vmem_shared>>
        tpu.enqueue_indirect_dma source(%arg12 : memref<128x128xf32, #tpu.memory_space<vmem>>) target(%dma_start3A_488 : memref<10240x128xf32, #tpu.memory_space<vmem_shared>>) offsets(%dma_start3A_485 : memref<128xi32, #tpu.memory_space<vmem>>) semaphore(%arg16 : memref<!tpu.dma_semaphore, #tpu.memory_space<semaphore_mem>>) {add = true}
      } else {
      }
      %ge3A_64 = arith.constant 1 : i32
      %ge3A_65 = arith.cmpi sge, %add3A_47, %ge3A_64 : i32
      %convert_element_type3A_66 = arith.extui %ge3A_65 : i1 to i32
      %cond3A_67 = arith.constant 0 : i32
      %cond3A_68 = arith.cmpi ne, %convert_element_type3A_66, %cond3A_67 : i32
      scf.if %cond3A_68 {
        %dma_wait3A_475 = arith.constant 7 : i32
        %dma_wait3A_476 = arith.constant 0 : i32
        %dma_wait3A_477 = tpu.memref_slice %arg10[%dma_wait3A_475, %dma_wait3A_476] : memref<8x128xi32, #tpu.memory_space<vmem>> -> memref<1x128xi32, #tpu.memory_space<vmem>>
        %dma_wait3A_478 = tpu.memref_squeeze %dma_wait3A_477 : memref<1x128xi32, #tpu.memory_space<vmem>> -> memref<128xi32, #tpu.memory_space<vmem>>
        %dma_wait3A_479 = arith.constant 0 : i32
        %dma_wait3A_480 = arith.constant 0 : i32
        %dma_wait3A_481 = tpu.memref_slice %arg17[%dma_wait3A_479, %dma_wait3A_480] : memref<10240x128xf32, #tpu.memory_space<vmem_shared>> -> memref<10240x128xf32, #tpu.memory_space<vmem_shared>>
        tpu.wait_indirect_dma semaphore(%arg16 : memref<!tpu.dma_semaphore, #tpu.memory_space<semaphore_mem>>) src(%arg12 : memref<128x128xf32, #tpu.memory_space<vmem>>) dst(%dma_wait3A_481 : memref<10240x128xf32, #tpu.memory_space<vmem_shared>>)
      } else {
      }
      %dma_start3A_69 = arith.constant 1 : i32
      %dma_start3A_70 = arith.constant 0 : i32
      %dma_start3A_71 = tpu.memref_slice %arg7[%dma_start3A_69, %dma_start3A_70] : memref<8x128xi32, #tpu.memory_space<vmem>> -> memref<1x128xi32, #tpu.memory_space<vmem>>
      %dma_start3A_72 = tpu.memref_squeeze %dma_start3A_71 : memref<1x128xi32, #tpu.memory_space<vmem>> -> memref<128xi32, #tpu.memory_space<vmem>>
      %dma_start3A_73 = arith.constant 0 : i32
      %dma_start3A_74 = arith.constant 0 : i32
      %dma_start3A_75 = tpu.memref_slice %arg2[%dma_start3A_73, %dma_start3A_74] : memref<10240x128xf32, #tpu.memory_space<hbm>> -> memref<10240x128xf32, #tpu.memory_space<hbm>>
      tpu.enqueue_indirect_dma source(%dma_start3A_75 : memref<10240x128xf32, #tpu.memory_space<hbm>>) target(%arg12 : memref<128x128xf32, #tpu.memory_space<vmem>>) offsets(%dma_start3A_72 : memref<128xi32, #tpu.memory_space<vmem>>) semaphore(%arg14 : memref<!tpu.dma_semaphore, #tpu.memory_space<semaphore_mem>>)
      %dma_wait3A_76 = arith.constant 0 : i32
      %dma_wait3A_77 = arith.constant 0 : i32
      %dma_wait3A_78 = tpu.memref_slice %arg7[%dma_wait3A_76, %dma_wait3A_77] : memref<8x128xi32, #tpu.memory_space<vmem>> -> memref<1x128xi32, #tpu.memory_space<vmem>>
      %dma_wait3A_79 = tpu.memref_squeeze %dma_wait3A_78 : memref<1x128xi32, #tpu.memory_space<vmem>> -> memref<128xi32, #tpu.memory_space<vmem>>
      %dma_wait3A_80 = arith.constant 0 : i32
      %dma_wait3A_81 = arith.constant 0 : i32
      %dma_wait3A_82 = tpu.memref_slice %arg2[%dma_wait3A_80, %dma_wait3A_81] : memref<10240x128xf32, #tpu.memory_space<hbm>> -> memref<10240x128xf32, #tpu.memory_space<hbm>>
      tpu.wait_indirect_dma semaphore(%arg13 : memref<!tpu.dma_semaphore, #tpu.memory_space<semaphore_mem>>) src(%dma_wait3A_82 : memref<10240x128xf32, #tpu.memory_space<hbm>>) dst(%arg11 : memref<128x128xf32, #tpu.memory_space<vmem>>)
      %dma_start3A_83 = arith.constant 0 : i32
      %dma_start3A_84 = arith.constant 0 : i32
      %dma_start3A_85 = tpu.memref_slice %arg9[%dma_start3A_83, %dma_start3A_84] : memref<8x128xi32, #tpu.memory_space<vmem>> -> memref<1x128xi32, #tpu.memory_space<vmem>>
      %dma_start3A_86 = tpu.memref_squeeze %dma_start3A_85 : memref<1x128xi32, #tpu.memory_space<vmem>> -> memref<128xi32, #tpu.memory_space<vmem>>
      %dma_start3A_87 = arith.constant 0 : i32
      %dma_start3A_88 = arith.constant 0 : i32
      %dma_start3A_89 = tpu.memref_slice %arg17[%dma_start3A_87, %dma_start3A_88] : memref<10240x128xf32, #tpu.memory_space<vmem_shared>> -> memref<10240x128xf32, #tpu.memory_space<vmem_shared>>
      tpu.enqueue_indirect_dma source(%arg11 : memref<128x128xf32, #tpu.memory_space<vmem>>) target(%dma_start3A_89 : memref<10240x128xf32, #tpu.memory_space<vmem_shared>>) offsets(%dma_start3A_86 : memref<128xi32, #tpu.memory_space<vmem>>) semaphore(%arg15 : memref<!tpu.dma_semaphore, #tpu.memory_space<semaphore_mem>>) {add = true}
      %dma_wait3A_90 = arith.constant 0 : i32
      %dma_wait3A_91 = arith.constant 0 : i32
      %dma_wait3A_92 = tpu.memref_slice %arg9[%dma_wait3A_90, %dma_wait3A_91] : memref<8x128xi32, #tpu.memory_space<vmem>> -> memref<1x128xi32, #tpu.memory_space<vmem>>
      %dma_wait3A_93 = tpu.memref_squeeze %dma_wait3A_92 : memref<1x128xi32, #tpu.memory_space<vmem>> -> memref<128xi32, #tpu.memory_space<vmem>>
      %dma_wait3A_94 = arith.constant 0 : i32
      %dma_wait3A_95 = arith.constant 0 : i32
      %dma_wait3A_96 = tpu.memref_slice %arg17[%dma_wait3A_94, %dma_wait3A_95] : memref<10240x128xf32, #tpu.memory_space<vmem_shared>> -> memref<10240x128xf32, #tpu.memory_space<vmem_shared>>
      tpu.wait_indirect_dma semaphore(%arg15 : memref<!tpu.dma_semaphore, #tpu.memory_space<semaphore_mem>>) src(%arg11 : memref<128x128xf32, #tpu.memory_space<vmem>>) dst(%dma_wait3A_96 : memref<10240x128xf32, #tpu.memory_space<vmem_shared>>)
      %dma_start3A_97 = arith.constant 2 : i32
      %dma_start3A_98 = arith.constant 0 : i32
      %dma_start3A_99 = tpu.memref_slice %arg7[%dma_start3A_97, %dma_start3A_98] : memref<8x128xi32, #tpu.memory_space<vmem>> -> memref<1x128xi32, #tpu.memory_space<vmem>>
      %dma_start3A_100 = tpu.memref_squeeze %dma_start3A_99 : memref<1x128xi32, #tpu.memory_space<vmem>> -> memref<128xi32, #tpu.memory_space<vmem>>
      %dma_start3A_101 = arith.constant 0 : i32
      %dma_start3A_102 = arith.constant 0 : i32
      %dma_start3A_103 = tpu.memref_slice %arg2[%dma_start3A_101, %dma_start3A_102] : memref<10240x128xf32, #tpu.memory_space<hbm>> -> memref<10240x128xf32, #tpu.memory_space<hbm>>
      tpu.enqueue_indirect_dma source(%dma_start3A_103 : memref<10240x128xf32, #tpu.memory_space<hbm>>) target(%arg11 : memref<128x128xf32, #tpu.memory_space<vmem>>) offsets(%dma_start3A_100 : memref<128xi32, #tpu.memory_space<vmem>>) semaphore(%arg13 : memref<!tpu.dma_semaphore, #tpu.memory_space<semaphore_mem>>)
      %dma_wait3A_104 = arith.constant 1 : i32
      %dma_wait3A_105 = arith.constant 0 : i32
      %dma_wait3A_106 = tpu.memref_slice %arg7[%dma_wait3A_104, %dma_wait3A_105] : memref<8x128xi32, #tpu.memory_space<vmem>> -> memref<1x128xi32, #tpu.memory_space<vmem>>
      %dma_wait3A_107 = tpu.memref_squeeze %dma_wait3A_106 : memref<1x128xi32, #tpu.memory_space<vmem>> -> memref<128xi32, #tpu.memory_space<vmem>>
      %dma_wait3A_108 = arith.constant 0 : i32
      %dma_wait3A_109 = arith.constant 0 : i32
      %dma_wait3A_110 = tpu.memref_slice %arg2[%dma_wait3A_108, %dma_wait3A_109] : memref<10240x128xf32, #tpu.memory_space<hbm>> -> memref<10240x128xf32, #tpu.memory_space<hbm>>
      tpu.wait_indirect_dma semaphore(%arg14 : memref<!tpu.dma_semaphore, #tpu.memory_space<semaphore_mem>>) src(%dma_wait3A_110 : memref<10240x128xf32, #tpu.memory_space<hbm>>) dst(%arg12 : memref<128x128xf32, #tpu.memory_space<vmem>>)
      %dma_start3A_111 = arith.constant 1 : i32
      %dma_start3A_112 = arith.constant 0 : i32
      %dma_start3A_113 = tpu.memref_slice %arg9[%dma_start3A_111, %dma_start3A_112] : memref<8x128xi32, #tpu.memory_space<vmem>> -> memref<1x128xi32, #tpu.memory_space<vmem>>
      %dma_start3A_114 = tpu.memref_squeeze %dma_start3A_113 : memref<1x128xi32, #tpu.memory_space<vmem>> -> memref<128xi32, #tpu.memory_space<vmem>>
      %dma_start3A_115 = arith.constant 0 : i32
      %dma_start3A_116 = arith.constant 0 : i32
      %dma_start3A_117 = tpu.memref_slice %arg17[%dma_start3A_115, %dma_start3A_116] : memref<10240x128xf32, #tpu.memory_space<vmem_shared>> -> memref<10240x128xf32, #tpu.memory_space<vmem_shared>>
      tpu.enqueue_indirect_dma source(%arg12 : memref<128x128xf32, #tpu.memory_space<vmem>>) target(%dma_start3A_117 : memref<10240x128xf32, #tpu.memory_space<vmem_shared>>) offsets(%dma_start3A_114 : memref<128xi32, #tpu.memory_space<vmem>>) semaphore(%arg16 : memref<!tpu.dma_semaphore, #tpu.memory_space<semaphore_mem>>) {add = true}
      %dma_wait3A_118 = arith.constant 1 : i32
      %dma_wait3A_119 = arith.constant 0 : i32
      %dma_wait3A_120 = tpu.memref_slice %arg9[%dma_wait3A_118, %dma_wait3A_119] : memref<8x128xi32, #tpu.memory_space<vmem>> -> memref<1x128xi32, #tpu.memory_space<vmem>>
      %dma_wait3A_121 = tpu.memref_squeeze %dma_wait3A_120 : memref<1x128xi32, #tpu.memory_space<vmem>> -> memref<128xi32, #tpu.memory_space<vmem>>
      %dma_wait3A_122 = arith.constant 0 : i32
      %dma_wait3A_123 = arith.constant 0 : i32
      %dma_wait3A_124 = tpu.memref_slice %arg17[%dma_wait3A_122, %dma_wait3A_123] : memref<10240x128xf32, #tpu.memory_space<vmem_shared>> -> memref<10240x128xf32, #tpu.memory_space<vmem_shared>>
      tpu.wait_indirect_dma semaphore(%arg16 : memref<!tpu.dma_semaphore, #tpu.memory_space<semaphore_mem>>) src(%arg12 : memref<128x128xf32, #tpu.memory_space<vmem>>) dst(%dma_wait3A_124 : memref<10240x128xf32, #tpu.memory_space<vmem_shared>>)
      %dma_start3A_125 = arith.constant 3 : i32
      %dma_start3A_126 = arith.constant 0 : i32
      %dma_start3A_127 = tpu.memref_slice %arg7[%dma_start3A_125, %dma_start3A_126] : memref<8x128xi32, #tpu.memory_space<vmem>> -> memref<1x128xi32, #tpu.memory_space<vmem>>
      %dma_start3A_128 = tpu.memref_squeeze %dma_start3A_127 : memref<1x128xi32, #tpu.memory_space<vmem>> -> memref<128xi32, #tpu.memory_space<vmem>>
      %dma_start3A_129 = arith.constant 0 : i32
      %dma_start3A_130 = arith.constant 0 : i32
      %dma_start3A_131 = tpu.memref_slice %arg2[%dma_start3A_129, %dma_start3A_130] : memref<10240x128xf32, #tpu.memory_space<hbm>> -> memref<10240x128xf32, #tpu.memory_space<hbm>>
      tpu.enqueue_indirect_dma source(%dma_start3A_131 : memref<10240x128xf32, #tpu.memory_space<hbm>>) target(%arg12 : memref<128x128xf32, #tpu.memory_space<vmem>>) offsets(%dma_start3A_128 : memref<128xi32, #tpu.memory_space<vmem>>) semaphore(%arg14 : memref<!tpu.dma_semaphore, #tpu.memory_space<semaphore_mem>>)
      %dma_wait3A_132 = arith.constant 2 : i32
      %dma_wait3A_133 = arith.constant 0 : i32
      %dma_wait3A_134 = tpu.memref_slice %arg7[%dma_wait3A_132, %dma_wait3A_133] : memref<8x128xi32, #tpu.memory_space<vmem>> -> memref<1x128xi32, #tpu.memory_space<vmem>>
      %dma_wait3A_135 = tpu.memref_squeeze %dma_wait3A_134 : memref<1x128xi32, #tpu.memory_space<vmem>> -> memref<128xi32, #tpu.memory_space<vmem>>
      %dma_wait3A_136 = arith.constant 0 : i32
      %dma_wait3A_137 = arith.constant 0 : i32
      %dma_wait3A_138 = tpu.memref_slice %arg2[%dma_wait3A_136, %dma_wait3A_137] : memref<10240x128xf32, #tpu.memory_space<hbm>> -> memref<10240x128xf32, #tpu.memory_space<hbm>>
      tpu.wait_indirect_dma semaphore(%arg13 : memref<!tpu.dma_semaphore, #tpu.memory_space<semaphore_mem>>) src(%dma_wait3A_138 : memref<10240x128xf32, #tpu.memory_space<hbm>>) dst(%arg11 : memref<128x128xf32, #tpu.memory_space<vmem>>)
      %dma_start3A_139 = arith.constant 2 : i32
      %dma_start3A_140 = arith.constant 0 : i32
      %dma_start3A_141 = tpu.memref_slice %arg9[%dma_start3A_139, %dma_start3A_140] : memref<8x128xi32, #tpu.memory_space<vmem>> -> memref<1x128xi32, #tpu.memory_space<vmem>>
      %dma_start3A_142 = tpu.memref_squeeze %dma_start3A_141 : memref<1x128xi32, #tpu.memory_space<vmem>> -> memref<128xi32, #tpu.memory_space<vmem>>
      %dma_start3A_143 = arith.constant 0 : i32
      %dma_start3A_144 = arith.constant 0 : i32
      %dma_start3A_145 = tpu.memref_slice %arg17[%dma_start3A_143, %dma_start3A_144] : memref<10240x128xf32, #tpu.memory_space<vmem_shared>> -> memref<10240x128xf32, #tpu.memory_space<vmem_shared>>
      tpu.enqueue_indirect_dma source(%arg11 : memref<128x128xf32, #tpu.memory_space<vmem>>) target(%dma_start3A_145 : memref<10240x128xf32, #tpu.memory_space<vmem_shared>>) offsets(%dma_start3A_142 : memref<128xi32, #tpu.memory_space<vmem>>) semaphore(%arg15 : memref<!tpu.dma_semaphore, #tpu.memory_space<semaphore_mem>>) {add = true}
      %dma_wait3A_146 = arith.constant 2 : i32
      %dma_wait3A_147 = arith.constant 0 : i32
      %dma_wait3A_148 = tpu.memref_slice %arg9[%dma_wait3A_146, %dma_wait3A_147] : memref<8x128xi32, #tpu.memory_space<vmem>> -> memref<1x128xi32, #tpu.memory_space<vmem>>
      %dma_wait3A_149 = tpu.memref_squeeze %dma_wait3A_148 : memref<1x128xi32, #tpu.memory_space<vmem>> -> memref<128xi32, #tpu.memory_space<vmem>>
      %dma_wait3A_150 = arith.constant 0 : i32
      %dma_wait3A_151 = arith.constant 0 : i32
      %dma_wait3A_152 = tpu.memref_slice %arg17[%dma_wait3A_150, %dma_wait3A_151] : memref<10240x128xf32, #tpu.memory_space<vmem_shared>> -> memref<10240x128xf32, #tpu.memory_space<vmem_shared>>
      tpu.wait_indirect_dma semaphore(%arg15 : memref<!tpu.dma_semaphore, #tpu.memory_space<semaphore_mem>>) src(%arg11 : memref<128x128xf32, #tpu.memory_space<vmem>>) dst(%dma_wait3A_152 : memref<10240x128xf32, #tpu.memory_space<vmem_shared>>)
      %dma_start3A_153 = arith.constant 4 : i32
      %dma_start3A_154 = arith.constant 0 : i32
      %dma_start3A_155 = tpu.memref_slice %arg7[%dma_start3A_153, %dma_start3A_154] : memref<8x128xi32, #tpu.memory_space<vmem>> -> memref<1x128xi32, #tpu.memory_space<vmem>>
      %dma_start3A_156 = tpu.memref_squeeze %dma_start3A_155 : memref<1x128xi32, #tpu.memory_space<vmem>> -> memref<128xi32, #tpu.memory_space<vmem>>
      %dma_start3A_157 = arith.constant 0 : i32
      %dma_start3A_158 = arith.constant 0 : i32
      %dma_start3A_159 = tpu.memref_slice %arg2[%dma_start3A_157, %dma_start3A_158] : memref<10240x128xf32, #tpu.memory_space<hbm>> -> memref<10240x128xf32, #tpu.memory_space<hbm>>
      tpu.enqueue_indirect_dma source(%dma_start3A_159 : memref<10240x128xf32, #tpu.memory_space<hbm>>) target(%arg11 : memref<128x128xf32, #tpu.memory_space<vmem>>) offsets(%dma_start3A_156 : memref<128xi32, #tpu.memory_space<vmem>>) semaphore(%arg13 : memref<!tpu.dma_semaphore, #tpu.memory_space<semaphore_mem>>)
      %dma_wait3A_160 = arith.constant 3 : i32
      %dma_wait3A_161 = arith.constant 0 : i32
      %dma_wait3A_162 = tpu.memref_slice %arg7[%dma_wait3A_160, %dma_wait3A_161] : memref<8x128xi32, #tpu.memory_space<vmem>> -> memref<1x128xi32, #tpu.memory_space<vmem>>
      %dma_wait3A_163 = tpu.memref_squeeze %dma_wait3A_162 : memref<1x128xi32, #tpu.memory_space<vmem>> -> memref<128xi32, #tpu.memory_space<vmem>>
      %dma_wait3A_164 = arith.constant 0 : i32
      %dma_wait3A_165 = arith.constant 0 : i32
      %dma_wait3A_166 = tpu.memref_slice %arg2[%dma_wait3A_164, %dma_wait3A_165] : memref<10240x128xf32, #tpu.memory_space<hbm>> -> memref<10240x128xf32, #tpu.memory_space<hbm>>
      tpu.wait_indirect_dma semaphore(%arg14 : memref<!tpu.dma_semaphore, #tpu.memory_space<semaphore_mem>>) src(%dma_wait3A_166 : memref<10240x128xf32, #tpu.memory_space<hbm>>) dst(%arg12 : memref<128x128xf32, #tpu.memory_space<vmem>>)
      %dma_start3A_167 = arith.constant 3 : i32
      %dma_start3A_168 = arith.constant 0 : i32
      %dma_start3A_169 = tpu.memref_slice %arg9[%dma_start3A_167, %dma_start3A_168] : memref<8x128xi32, #tpu.memory_space<vmem>> -> memref<1x128xi32, #tpu.memory_space<vmem>>
      %dma_start3A_170 = tpu.memref_squeeze %dma_start3A_169 : memref<1x128xi32, #tpu.memory_space<vmem>> -> memref<128xi32, #tpu.memory_space<vmem>>
      %dma_start3A_171 = arith.constant 0 : i32
      %dma_start3A_172 = arith.constant 0 : i32
      %dma_start3A_173 = tpu.memref_slice %arg17[%dma_start3A_171, %dma_start3A_172] : memref<10240x128xf32, #tpu.memory_space<vmem_shared>> -> memref<10240x128xf32, #tpu.memory_space<vmem_shared>>
      tpu.enqueue_indirect_dma source(%arg12 : memref<128x128xf32, #tpu.memory_space<vmem>>) target(%dma_start3A_173 : memref<10240x128xf32, #tpu.memory_space<vmem_shared>>) offsets(%dma_start3A_170 : memref<128xi32, #tpu.memory_space<vmem>>) semaphore(%arg16 : memref<!tpu.dma_semaphore, #tpu.memory_space<semaphore_mem>>) {add = true}
      %dma_wait3A_174 = arith.constant 3 : i32
      %dma_wait3A_175 = arith.constant 0 : i32
      %dma_wait3A_176 = tpu.memref_slice %arg9[%dma_wait3A_174, %dma_wait3A_175] : memref<8x128xi32, #tpu.memory_space<vmem>> -> memref<1x128xi32, #tpu.memory_space<vmem>>
      %dma_wait3A_177 = tpu.memref_squeeze %dma_wait3A_176 : memref<1x128xi32, #tpu.memory_space<vmem>> -> memref<128xi32, #tpu.memory_space<vmem>>
      %dma_wait3A_178 = arith.constant 0 : i32
      %dma_wait3A_179 = arith.constant 0 : i32
      %dma_wait3A_180 = tpu.memref_slice %arg17[%dma_wait3A_178, %dma_wait3A_179] : memref<10240x128xf32, #tpu.memory_space<vmem_shared>> -> memref<10240x128xf32, #tpu.memory_space<vmem_shared>>
      tpu.wait_indirect_dma semaphore(%arg16 : memref<!tpu.dma_semaphore, #tpu.memory_space<semaphore_mem>>) src(%arg12 : memref<128x128xf32, #tpu.memory_space<vmem>>) dst(%dma_wait3A_180 : memref<10240x128xf32, #tpu.memory_space<vmem_shared>>)
      %dma_start3A_181 = arith.constant 5 : i32
      %dma_start3A_182 = arith.constant 0 : i32
      %dma_start3A_183 = tpu.memref_slice %arg7[%dma_start3A_181, %dma_start3A_182] : memref<8x128xi32, #tpu.memory_space<vmem>> -> memref<1x128xi32, #tpu.memory_space<vmem>>
      %dma_start3A_184 = tpu.memref_squeeze %dma_start3A_183 : memref<1x128xi32, #tpu.memory_space<vmem>> -> memref<128xi32, #tpu.memory_space<vmem>>
      %dma_start3A_185 = arith.constant 0 : i32
      %dma_start3A_186 = arith.constant 0 : i32
      %dma_start3A_187 = tpu.memref_slice %arg2[%dma_start3A_185, %dma_start3A_186] : memref<10240x128xf32, #tpu.memory_space<hbm>> -> memref<10240x128xf32, #tpu.memory_space<hbm>>
      tpu.enqueue_indirect_dma source(%dma_start3A_187 : memref<10240x128xf32, #tpu.memory_space<hbm>>) target(%arg12 : memref<128x128xf32, #tpu.memory_space<vmem>>) offsets(%dma_start3A_184 : memref<128xi32, #tpu.memory_space<vmem>>) semaphore(%arg14 : memref<!tpu.dma_semaphore, #tpu.memory_space<semaphore_mem>>)
      %dma_wait3A_188 = arith.constant 4 : i32
      %dma_wait3A_189 = arith.constant 0 : i32
      %dma_wait3A_190 = tpu.memref_slice %arg7[%dma_wait3A_188, %dma_wait3A_189] : memref<8x128xi32, #tpu.memory_space<vmem>> -> memref<1x128xi32, #tpu.memory_space<vmem>>
      %dma_wait3A_191 = tpu.memref_squeeze %dma_wait3A_190 : memref<1x128xi32, #tpu.memory_space<vmem>> -> memref<128xi32, #tpu.memory_space<vmem>>
      %dma_wait3A_192 = arith.constant 0 : i32
      %dma_wait3A_193 = arith.constant 0 : i32
      %dma_wait3A_194 = tpu.memref_slice %arg2[%dma_wait3A_192, %dma_wait3A_193] : memref<10240x128xf32, #tpu.memory_space<hbm>> -> memref<10240x128xf32, #tpu.memory_space<hbm>>
      tpu.wait_indirect_dma semaphore(%arg13 : memref<!tpu.dma_semaphore, #tpu.memory_space<semaphore_mem>>) src(%dma_wait3A_194 : memref<10240x128xf32, #tpu.memory_space<hbm>>) dst(%arg11 : memref<128x128xf32, #tpu.memory_space<vmem>>)
      %dma_start3A_195 = arith.constant 4 : i32
      %dma_start3A_196 = arith.constant 0 : i32
      %dma_start3A_197 = tpu.memref_slice %arg9[%dma_start3A_195, %dma_start3A_196] : memref<8x128xi32, #tpu.memory_space<vmem>> -> memref<1x128xi32, #tpu.memory_space<vmem>>
      %dma_start3A_198 = tpu.memref_squeeze %dma_start3A_197 : memref<1x128xi32, #tpu.memory_space<vmem>> -> memref<128xi32, #tpu.memory_space<vmem>>
      %dma_start3A_199 = arith.constant 0 : i32
      %dma_start3A_200 = arith.constant 0 : i32
      %dma_start3A_201 = tpu.memref_slice %arg17[%dma_start3A_199, %dma_start3A_200] : memref<10240x128xf32, #tpu.memory_space<vmem_shared>> -> memref<10240x128xf32, #tpu.memory_space<vmem_shared>>
      tpu.enqueue_indirect_dma source(%arg11 : memref<128x128xf32, #tpu.memory_space<vmem>>) target(%dma_start3A_201 : memref<10240x128xf32, #tpu.memory_space<vmem_shared>>) offsets(%dma_start3A_198 : memref<128xi32, #tpu.memory_space<vmem>>) semaphore(%arg15 : memref<!tpu.dma_semaphore, #tpu.memory_space<semaphore_mem>>) {add = true}
      %dma_wait3A_202 = arith.constant 4 : i32
      %dma_wait3A_203 = arith.constant 0 : i32
      %dma_wait3A_204 = tpu.memref_slice %arg9[%dma_wait3A_202, %dma_wait3A_203] : memref<8x128xi32, #tpu.memory_space<vmem>> -> memref<1x128xi32, #tpu.memory_space<vmem>>
      %dma_wait3A_205 = tpu.memref_squeeze %dma_wait3A_204 : memref<1x128xi32, #tpu.memory_space<vmem>> -> memref<128xi32, #tpu.memory_space<vmem>>
      %dma_wait3A_206 = arith.constant 0 : i32
      %dma_wait3A_207 = arith.constant 0 : i32
      %dma_wait3A_208 = tpu.memref_slice %arg17[%dma_wait3A_206, %dma_wait3A_207] : memref<10240x128xf32, #tpu.memory_space<vmem_shared>> -> memref<10240x128xf32, #tpu.memory_space<vmem_shared>>
      tpu.wait_indirect_dma semaphore(%arg15 : memref<!tpu.dma_semaphore, #tpu.memory_space<semaphore_mem>>) src(%arg11 : memref<128x128xf32, #tpu.memory_space<vmem>>) dst(%dma_wait3A_208 : memref<10240x128xf32, #tpu.memory_space<vmem_shared>>)
      %dma_start3A_209 = arith.constant 6 : i32
      %dma_start3A_210 = arith.constant 0 : i32
      %dma_start3A_211 = tpu.memref_slice %arg7[%dma_start3A_209, %dma_start3A_210] : memref<8x128xi32, #tpu.memory_space<vmem>> -> memref<1x128xi32, #tpu.memory_space<vmem>>
      %dma_start3A_212 = tpu.memref_squeeze %dma_start3A_211 : memref<1x128xi32, #tpu.memory_space<vmem>> -> memref<128xi32, #tpu.memory_space<vmem>>
      %dma_start3A_213 = arith.constant 0 : i32
      %dma_start3A_214 = arith.constant 0 : i32
      %dma_start3A_215 = tpu.memref_slice %arg2[%dma_start3A_213, %dma_start3A_214] : memref<10240x128xf32, #tpu.memory_space<hbm>> -> memref<10240x128xf32, #tpu.memory_space<hbm>>
      tpu.enqueue_indirect_dma source(%dma_start3A_215 : memref<10240x128xf32, #tpu.memory_space<hbm>>) target(%arg11 : memref<128x128xf32, #tpu.memory_space<vmem>>) offsets(%dma_start3A_212 : memref<128xi32, #tpu.memory_space<vmem>>) semaphore(%arg13 : memref<!tpu.dma_semaphore, #tpu.memory_space<semaphore_mem>>)
      %dma_wait3A_216 = arith.constant 5 : i32
      %dma_wait3A_217 = arith.constant 0 : i32
      %dma_wait3A_218 = tpu.memref_slice %arg7[%dma_wait3A_216, %dma_wait3A_217] : memref<8x128xi32, #tpu.memory_space<vmem>> -> memref<1x128xi32, #tpu.memory_space<vmem>>
      %dma_wait3A_219 = tpu.memref_squeeze %dma_wait3A_218 : memref<1x128xi32, #tpu.memory_space<vmem>> -> memref<128xi32, #tpu.memory_space<vmem>>
      %dma_wait3A_220 = arith.constant 0 : i32
      %dma_wait3A_221 = arith.constant 0 : i32
      %dma_wait3A_222 = tpu.memref_slice %arg2[%dma_wait3A_220, %dma_wait3A_221] : memref<10240x128xf32, #tpu.memory_space<hbm>> -> memref<10240x128xf32, #tpu.memory_space<hbm>>
      tpu.wait_indirect_dma semaphore(%arg14 : memref<!tpu.dma_semaphore, #tpu.memory_space<semaphore_mem>>) src(%dma_wait3A_222 : memref<10240x128xf32, #tpu.memory_space<hbm>>) dst(%arg12 : memref<128x128xf32, #tpu.memory_space<vmem>>)
      %dma_start3A_223 = arith.constant 5 : i32
      %dma_start3A_224 = arith.constant 0 : i32
      %dma_start3A_225 = tpu.memref_slice %arg9[%dma_start3A_223, %dma_start3A_224] : memref<8x128xi32, #tpu.memory_space<vmem>> -> memref<1x128xi32, #tpu.memory_space<vmem>>
      %dma_start3A_226 = tpu.memref_squeeze %dma_start3A_225 : memref<1x128xi32, #tpu.memory_space<vmem>> -> memref<128xi32, #tpu.memory_space<vmem>>
      %dma_start3A_227 = arith.constant 0 : i32
      %dma_start3A_228 = arith.constant 0 : i32
      %dma_start3A_229 = tpu.memref_slice %arg17[%dma_start3A_227, %dma_start3A_228] : memref<10240x128xf32, #tpu.memory_space<vmem_shared>> -> memref<10240x128xf32, #tpu.memory_space<vmem_shared>>
      tpu.enqueue_indirect_dma source(%arg12 : memref<128x128xf32, #tpu.memory_space<vmem>>) target(%dma_start3A_229 : memref<10240x128xf32, #tpu.memory_space<vmem_shared>>) offsets(%dma_start3A_226 : memref<128xi32, #tpu.memory_space<vmem>>) semaphore(%arg16 : memref<!tpu.dma_semaphore, #tpu.memory_space<semaphore_mem>>) {add = true}
      %dma_wait3A_230 = arith.constant 5 : i32
      %dma_wait3A_231 = arith.constant 0 : i32
      %dma_wait3A_232 = tpu.memref_slice %arg9[%dma_wait3A_230, %dma_wait3A_231] : memref<8x128xi32, #tpu.memory_space<vmem>> -> memref<1x128xi32, #tpu.memory_space<vmem>>
      %dma_wait3A_233 = tpu.memref_squeeze %dma_wait3A_232 : memref<1x128xi32, #tpu.memory_space<vmem>> -> memref<128xi32, #tpu.memory_space<vmem>>
      %dma_wait3A_234 = arith.constant 0 : i32
      %dma_wait3A_235 = arith.constant 0 : i32
      %dma_wait3A_236 = tpu.memref_slice %arg17[%dma_wait3A_234, %dma_wait3A_235] : memref<10240x128xf32, #tpu.memory_space<vmem_shared>> -> memref<10240x128xf32, #tpu.memory_space<vmem_shared>>
      tpu.wait_indirect_dma semaphore(%arg16 : memref<!tpu.dma_semaphore, #tpu.memory_space<semaphore_mem>>) src(%arg12 : memref<128x128xf32, #tpu.memory_space<vmem>>) dst(%dma_wait3A_236 : memref<10240x128xf32, #tpu.memory_space<vmem_shared>>)
      %dma_start3A_237 = arith.constant 7 : i32
      %dma_start3A_238 = arith.constant 0 : i32
      %dma_start3A_239 = tpu.memref_slice %arg7[%dma_start3A_237, %dma_start3A_238] : memref<8x128xi32, #tpu.memory_space<vmem>> -> memref<1x128xi32, #tpu.memory_space<vmem>>
      %dma_start3A_240 = tpu.memref_squeeze %dma_start3A_239 : memref<1x128xi32, #tpu.memory_space<vmem>> -> memref<128xi32, #tpu.memory_space<vmem>>
      %dma_start3A_241 = arith.constant 0 : i32
      %dma_start3A_242 = arith.constant 0 : i32
      %dma_start3A_243 = tpu.memref_slice %arg2[%dma_start3A_241, %dma_start3A_242] : memref<10240x128xf32, #tpu.memory_space<hbm>> -> memref<10240x128xf32, #tpu.memory_space<hbm>>
      tpu.enqueue_indirect_dma source(%dma_start3A_243 : memref<10240x128xf32, #tpu.memory_space<hbm>>) target(%arg12 : memref<128x128xf32, #tpu.memory_space<vmem>>) offsets(%dma_start3A_240 : memref<128xi32, #tpu.memory_space<vmem>>) semaphore(%arg14 : memref<!tpu.dma_semaphore, #tpu.memory_space<semaphore_mem>>)
      %dma_wait3A_244 = arith.constant 6 : i32
      %dma_wait3A_245 = arith.constant 0 : i32
      %dma_wait3A_246 = tpu.memref_slice %arg7[%dma_wait3A_244, %dma_wait3A_245] : memref<8x128xi32, #tpu.memory_space<vmem>> -> memref<1x128xi32, #tpu.memory_space<vmem>>
      %dma_wait3A_247 = tpu.memref_squeeze %dma_wait3A_246 : memref<1x128xi32, #tpu.memory_space<vmem>> -> memref<128xi32, #tpu.memory_space<vmem>>
      %dma_wait3A_248 = arith.constant 0 : i32
      %dma_wait3A_249 = arith.constant 0 : i32
      %dma_wait3A_250 = tpu.memref_slice %arg2[%dma_wait3A_248, %dma_wait3A_249] : memref<10240x128xf32, #tpu.memory_space<hbm>> -> memref<10240x128xf32, #tpu.memory_space<hbm>>
      tpu.wait_indirect_dma semaphore(%arg13 : memref<!tpu.dma_semaphore, #tpu.memory_space<semaphore_mem>>) src(%dma_wait3A_250 : memref<10240x128xf32, #tpu.memory_space<hbm>>) dst(%arg11 : memref<128x128xf32, #tpu.memory_space<vmem>>)
      %dma_start3A_251 = arith.constant 6 : i32
      %dma_start3A_252 = arith.constant 0 : i32
      %dma_start3A_253 = tpu.memref_slice %arg9[%dma_start3A_251, %dma_start3A_252] : memref<8x128xi32, #tpu.memory_space<vmem>> -> memref<1x128xi32, #tpu.memory_space<vmem>>
      %dma_start3A_254 = tpu.memref_squeeze %dma_start3A_253 : memref<1x128xi32, #tpu.memory_space<vmem>> -> memref<128xi32, #tpu.memory_space<vmem>>
      %dma_start3A_255 = arith.constant 0 : i32
      %dma_start3A_256 = arith.constant 0 : i32
      %dma_start3A_257 = tpu.memref_slice %arg17[%dma_start3A_255, %dma_start3A_256] : memref<10240x128xf32, #tpu.memory_space<vmem_shared>> -> memref<10240x128xf32, #tpu.memory_space<vmem_shared>>
      tpu.enqueue_indirect_dma source(%arg11 : memref<128x128xf32, #tpu.memory_space<vmem>>) target(%dma_start3A_257 : memref<10240x128xf32, #tpu.memory_space<vmem_shared>>) offsets(%dma_start3A_254 : memref<128xi32, #tpu.memory_space<vmem>>) semaphore(%arg15 : memref<!tpu.dma_semaphore, #tpu.memory_space<semaphore_mem>>) {add = true}
      %mul3A_258 = arith.constant 2 : i32
      %mul3A_259 = arith.muli %scan3A_43, %mul3A_258 : i32
      %add3A_260 = arith.constant 1 : i32
      %add3A_261 = arith.addi %mul3A_259, %add3A_260 : i32
      %add3A_262 = arith.addi %mul3A_6, %add3A_261 : i32
      "tpu.region"() ({
        %run_scoped3A = tpu.sem_alloc : memref<!tpu.dma_semaphore, #tpu.memory_space<semaphore_mem>>
        %dma_start3A_475 = arith.constant 0 : i32
        %dma_start3A_476 = arith.constant 0 : i32
        %dma_start3A_477 = tpu.memref_slice %arg3[%add3A_262, %dma_start3A_475, %dma_start3A_476] : memref<320x8x128xi32, #tpu.memory_space<hbm>> -> memref<1x8x128xi32, #tpu.memory_space<hbm>>
        %dma_start3A_478 = tpu.memref_squeeze %dma_start3A_477 : memref<1x8x128xi32, #tpu.memory_space<hbm>> -> memref<8x128xi32, #tpu.memory_space<hbm>>
        %dma_start3A_479 = arith.constant 0 : i32
        %dma_start3A_480 = arith.constant 0 : i32
        %dma_start3A_481 = tpu.memref_slice %arg3[%add3A_262, %dma_start3A_479, %dma_start3A_480] : memref<320x8x128xi32, #tpu.memory_space<hbm>> -> memref<1x8x128xi32, #tpu.memory_space<hbm>>
        %dma_start3A_482 = tpu.memref_squeeze %dma_start3A_481 : memref<1x8x128xi32, #tpu.memory_space<hbm>> -> memref<8x128xi32, #tpu.memory_space<hbm>>
        tpu.enqueue_dma source(%dma_start3A_482 : memref<8x128xi32, #tpu.memory_space<hbm>>) target(%arg8 : memref<8x128xi32, #tpu.memory_space<vmem>>) target_semaphore(%run_scoped3A : memref<!tpu.dma_semaphore, #tpu.memory_space<semaphore_mem>>)
        %dma_wait3A_483 = arith.constant 0 : i32
        %dma_wait3A_484 = arith.constant 0 : i32
        %dma_wait3A_485 = tpu.memref_slice %arg3[%add3A_262, %dma_wait3A_483, %dma_wait3A_484] : memref<320x8x128xi32, #tpu.memory_space<hbm>> -> memref<1x8x128xi32, #tpu.memory_space<hbm>>
        %dma_wait3A_486 = tpu.memref_squeeze %dma_wait3A_485 : memref<1x8x128xi32, #tpu.memory_space<hbm>> -> memref<8x128xi32, #tpu.memory_space<hbm>>
        %dma_wait3A_487 = arith.constant 0 : i32
        %dma_wait3A_488 = arith.constant 0 : i32
        %dma_wait3A_489 = tpu.memref_slice %arg3[%add3A_262, %dma_wait3A_487, %dma_wait3A_488] : memref<320x8x128xi32, #tpu.memory_space<hbm>> -> memref<1x8x128xi32, #tpu.memory_space<hbm>>
        %dma_wait3A_490 = tpu.memref_squeeze %dma_wait3A_489 : memref<1x8x128xi32, #tpu.memory_space<hbm>> -> memref<8x128xi32, #tpu.memory_space<hbm>>
        tpu.wait_dma2 semaphore(%run_scoped3A : memref<!tpu.dma_semaphore, #tpu.memory_space<semaphore_mem>>) src(%dma_wait3A_490 : memref<8x128xi32, #tpu.memory_space<hbm>>) dst(%arg8 : memref<8x128xi32, #tpu.memory_space<vmem>>)
        tpu.yield
      }) : () -> ()
      %add3A_263 = arith.addi %mul3A_6, %add3A_261 : i32
      "tpu.region"() ({
        %run_scoped3A = tpu.sem_alloc : memref<!tpu.dma_semaphore, #tpu.memory_space<semaphore_mem>>
        %dma_start3A_475 = arith.constant 0 : i32
        %dma_start3A_476 = arith.constant 0 : i32
        %dma_start3A_477 = tpu.memref_slice %arg4[%add3A_263, %dma_start3A_475, %dma_start3A_476] : memref<320x8x128xi32, #tpu.memory_space<hbm>> -> memref<1x8x128xi32, #tpu.memory_space<hbm>>
        %dma_start3A_478 = tpu.memref_squeeze %dma_start3A_477 : memref<1x8x128xi32, #tpu.memory_space<hbm>> -> memref<8x128xi32, #tpu.memory_space<hbm>>
        %dma_start3A_479 = arith.constant 0 : i32
        %dma_start3A_480 = arith.constant 0 : i32
        %dma_start3A_481 = tpu.memref_slice %arg4[%add3A_263, %dma_start3A_479, %dma_start3A_480] : memref<320x8x128xi32, #tpu.memory_space<hbm>> -> memref<1x8x128xi32, #tpu.memory_space<hbm>>
        %dma_start3A_482 = tpu.memref_squeeze %dma_start3A_481 : memref<1x8x128xi32, #tpu.memory_space<hbm>> -> memref<8x128xi32, #tpu.memory_space<hbm>>
        tpu.enqueue_dma source(%dma_start3A_482 : memref<8x128xi32, #tpu.memory_space<hbm>>) target(%arg10 : memref<8x128xi32, #tpu.memory_space<vmem>>) target_semaphore(%run_scoped3A : memref<!tpu.dma_semaphore, #tpu.memory_space<semaphore_mem>>)
        %dma_wait3A_483 = arith.constant 0 : i32
        %dma_wait3A_484 = arith.constant 0 : i32
        %dma_wait3A_485 = tpu.memref_slice %arg4[%add3A_263, %dma_wait3A_483, %dma_wait3A_484] : memref<320x8x128xi32, #tpu.memory_space<hbm>> -> memref<1x8x128xi32, #tpu.memory_space<hbm>>
        %dma_wait3A_486 = tpu.memref_squeeze %dma_wait3A_485 : memref<1x8x128xi32, #tpu.memory_space<hbm>> -> memref<8x128xi32, #tpu.memory_space<hbm>>
        %dma_wait3A_487 = arith.constant 0 : i32
        %dma_wait3A_488 = arith.constant 0 : i32
        %dma_wait3A_489 = tpu.memref_slice %arg4[%add3A_263, %dma_wait3A_487, %dma_wait3A_488] : memref<320x8x128xi32, #tpu.memory_space<hbm>> -> memref<1x8x128xi32, #tpu.memory_space<hbm>>
        %dma_wait3A_490 = tpu.memref_squeeze %dma_wait3A_489 : memref<1x8x128xi32, #tpu.memory_space<hbm>> -> memref<8x128xi32, #tpu.memory_space<hbm>>
        tpu.wait_dma2 semaphore(%run_scoped3A : memref<!tpu.dma_semaphore, #tpu.memory_space<semaphore_mem>>) src(%dma_wait3A_490 : memref<8x128xi32, #tpu.memory_space<hbm>>) dst(%arg10 : memref<8x128xi32, #tpu.memory_space<vmem>>)
        tpu.yield
      }) : () -> ()
      %ge3A_264 = arith.constant 1 : i32
      %ge3A_265 = arith.cmpi sge, %add3A_261, %ge3A_264 : i32
      %convert_element_type3A_266 = arith.extui %ge3A_265 : i1 to i32
      %cond3A_267 = arith.constant 0 : i32
      %cond3A_268 = arith.cmpi ne, %convert_element_type3A_266, %cond3A_267 : i32
      scf.if %cond3A_268 {
        %dma_wait3A_475 = arith.constant 6 : i32
        %dma_wait3A_476 = arith.constant 0 : i32
        %dma_wait3A_477 = tpu.memref_slice %arg9[%dma_wait3A_475, %dma_wait3A_476] : memref<8x128xi32, #tpu.memory_space<vmem>> -> memref<1x128xi32, #tpu.memory_space<vmem>>
        %dma_wait3A_478 = tpu.memref_squeeze %dma_wait3A_477 : memref<1x128xi32, #tpu.memory_space<vmem>> -> memref<128xi32, #tpu.memory_space<vmem>>
        %dma_wait3A_479 = arith.constant 0 : i32
        %dma_wait3A_480 = arith.constant 0 : i32
        %dma_wait3A_481 = tpu.memref_slice %arg17[%dma_wait3A_479, %dma_wait3A_480] : memref<10240x128xf32, #tpu.memory_space<vmem_shared>> -> memref<10240x128xf32, #tpu.memory_space<vmem_shared>>
        tpu.wait_indirect_dma semaphore(%arg15 : memref<!tpu.dma_semaphore, #tpu.memory_space<semaphore_mem>>) src(%arg11 : memref<128x128xf32, #tpu.memory_space<vmem>>) dst(%dma_wait3A_481 : memref<10240x128xf32, #tpu.memory_space<vmem_shared>>)
      } else {
      }
      %dma_start3A_269 = arith.constant 0 : i32
      %dma_start3A_270 = arith.constant 0 : i32
      %dma_start3A_271 = tpu.memref_slice %arg8[%dma_start3A_269, %dma_start3A_270] : memref<8x128xi32, #tpu.memory_space<vmem>> -> memref<1x128xi32, #tpu.memory_space<vmem>>
      %dma_start3A_272 = tpu.memref_squeeze %dma_start3A_271 : memref<1x128xi32, #tpu.memory_space<vmem>> -> memref<128xi32, #tpu.memory_space<vmem>>
      %dma_start3A_273 = arith.constant 0 : i32
      %dma_start3A_274 = arith.constant 0 : i32
      %dma_start3A_275 = tpu.memref_slice %arg2[%dma_start3A_273, %dma_start3A_274] : memref<10240x128xf32, #tpu.memory_space<hbm>> -> memref<10240x128xf32, #tpu.memory_space<hbm>>
      tpu.enqueue_indirect_dma source(%dma_start3A_275 : memref<10240x128xf32, #tpu.memory_space<hbm>>) target(%arg11 : memref<128x128xf32, #tpu.memory_space<vmem>>) offsets(%dma_start3A_272 : memref<128xi32, #tpu.memory_space<vmem>>) semaphore(%arg13 : memref<!tpu.dma_semaphore, #tpu.memory_space<semaphore_mem>>)
      %ge3A_276 = arith.constant 1 : i32
      %ge3A_277 = arith.cmpi sge, %add3A_261, %ge3A_276 : i32
      %convert_element_type3A_278 = arith.extui %ge3A_277 : i1 to i32
      %cond3A_279 = arith.constant 0 : i32
      %cond3A_280 = arith.cmpi ne, %convert_element_type3A_278, %cond3A_279 : i32
      scf.if %cond3A_280 {
        %dma_wait3A_475 = arith.constant 7 : i32
        %dma_wait3A_476 = arith.constant 0 : i32
        %dma_wait3A_477 = tpu.memref_slice %arg7[%dma_wait3A_475, %dma_wait3A_476] : memref<8x128xi32, #tpu.memory_space<vmem>> -> memref<1x128xi32, #tpu.memory_space<vmem>>
        %dma_wait3A_478 = tpu.memref_squeeze %dma_wait3A_477 : memref<1x128xi32, #tpu.memory_space<vmem>> -> memref<128xi32, #tpu.memory_space<vmem>>
        %dma_wait3A_479 = arith.constant 0 : i32
        %dma_wait3A_480 = arith.constant 0 : i32
        %dma_wait3A_481 = tpu.memref_slice %arg2[%dma_wait3A_479, %dma_wait3A_480] : memref<10240x128xf32, #tpu.memory_space<hbm>> -> memref<10240x128xf32, #tpu.memory_space<hbm>>
        tpu.wait_indirect_dma semaphore(%arg14 : memref<!tpu.dma_semaphore, #tpu.memory_space<semaphore_mem>>) src(%dma_wait3A_481 : memref<10240x128xf32, #tpu.memory_space<hbm>>) dst(%arg12 : memref<128x128xf32, #tpu.memory_space<vmem>>)
        %dma_start3A_482 = arith.constant 7 : i32
        %dma_start3A_483 = arith.constant 0 : i32
        %dma_start3A_484 = tpu.memref_slice %arg9[%dma_start3A_482, %dma_start3A_483] : memref<8x128xi32, #tpu.memory_space<vmem>> -> memref<1x128xi32, #tpu.memory_space<vmem>>
        %dma_start3A_485 = tpu.memref_squeeze %dma_start3A_484 : memref<1x128xi32, #tpu.memory_space<vmem>> -> memref<128xi32, #tpu.memory_space<vmem>>
        %dma_start3A_486 = arith.constant 0 : i32
        %dma_start3A_487 = arith.constant 0 : i32
        %dma_start3A_488 = tpu.memref_slice %arg17[%dma_start3A_486, %dma_start3A_487] : memref<10240x128xf32, #tpu.memory_space<vmem_shared>> -> memref<10240x128xf32, #tpu.memory_space<vmem_shared>>
        tpu.enqueue_indirect_dma source(%arg12 : memref<128x128xf32, #tpu.memory_space<vmem>>) target(%dma_start3A_488 : memref<10240x128xf32, #tpu.memory_space<vmem_shared>>) offsets(%dma_start3A_485 : memref<128xi32, #tpu.memory_space<vmem>>) semaphore(%arg16 : memref<!tpu.dma_semaphore, #tpu.memory_space<semaphore_mem>>) {add = true}
      } else {
      }
      %ge3A_281 = arith.constant 1 : i32
      %ge3A_282 = arith.cmpi sge, %add3A_261, %ge3A_281 : i32
      %convert_element_type3A_283 = arith.extui %ge3A_282 : i1 to i32
      %cond3A_284 = arith.constant 0 : i32
      %cond3A_285 = arith.cmpi ne, %convert_element_type3A_283, %cond3A_284 : i32
      scf.if %cond3A_285 {
        %dma_wait3A_475 = arith.constant 7 : i32
        %dma_wait3A_476 = arith.constant 0 : i32
        %dma_wait3A_477 = tpu.memref_slice %arg9[%dma_wait3A_475, %dma_wait3A_476] : memref<8x128xi32, #tpu.memory_space<vmem>> -> memref<1x128xi32, #tpu.memory_space<vmem>>
        %dma_wait3A_478 = tpu.memref_squeeze %dma_wait3A_477 : memref<1x128xi32, #tpu.memory_space<vmem>> -> memref<128xi32, #tpu.memory_space<vmem>>
        %dma_wait3A_479 = arith.constant 0 : i32
        %dma_wait3A_480 = arith.constant 0 : i32
        %dma_wait3A_481 = tpu.memref_slice %arg17[%dma_wait3A_479, %dma_wait3A_480] : memref<10240x128xf32, #tpu.memory_space<vmem_shared>> -> memref<10240x128xf32, #tpu.memory_space<vmem_shared>>
        tpu.wait_indirect_dma semaphore(%arg16 : memref<!tpu.dma_semaphore, #tpu.memory_space<semaphore_mem>>) src(%arg12 : memref<128x128xf32, #tpu.memory_space<vmem>>) dst(%dma_wait3A_481 : memref<10240x128xf32, #tpu.memory_space<vmem_shared>>)
      } else {
      }
      %dma_start3A_286 = arith.constant 1 : i32
      %dma_start3A_287 = arith.constant 0 : i32
      %dma_start3A_288 = tpu.memref_slice %arg8[%dma_start3A_286, %dma_start3A_287] : memref<8x128xi32, #tpu.memory_space<vmem>> -> memref<1x128xi32, #tpu.memory_space<vmem>>
      %dma_start3A_289 = tpu.memref_squeeze %dma_start3A_288 : memref<1x128xi32, #tpu.memory_space<vmem>> -> memref<128xi32, #tpu.memory_space<vmem>>
      %dma_start3A_290 = arith.constant 0 : i32
      %dma_start3A_291 = arith.constant 0 : i32
      %dma_start3A_292 = tpu.memref_slice %arg2[%dma_start3A_290, %dma_start3A_291] : memref<10240x128xf32, #tpu.memory_space<hbm>> -> memref<10240x128xf32, #tpu.memory_space<hbm>>
      tpu.enqueue_indirect_dma source(%dma_start3A_292 : memref<10240x128xf32, #tpu.memory_space<hbm>>) target(%arg12 : memref<128x128xf32, #tpu.memory_space<vmem>>) offsets(%dma_start3A_289 : memref<128xi32, #tpu.memory_space<vmem>>) semaphore(%arg14 : memref<!tpu.dma_semaphore, #tpu.memory_space<semaphore_mem>>)
      %dma_wait3A_293 = arith.constant 0 : i32
      %dma_wait3A_294 = arith.constant 0 : i32
      %dma_wait3A_295 = tpu.memref_slice %arg8[%dma_wait3A_293, %dma_wait3A_294] : memref<8x128xi32, #tpu.memory_space<vmem>> -> memref<1x128xi32, #tpu.memory_space<vmem>>
      %dma_wait3A_296 = tpu.memref_squeeze %dma_wait3A_295 : memref<1x128xi32, #tpu.memory_space<vmem>> -> memref<128xi32, #tpu.memory_space<vmem>>
      %dma_wait3A_297 = arith.constant 0 : i32
      %dma_wait3A_298 = arith.constant 0 : i32
      %dma_wait3A_299 = tpu.memref_slice %arg2[%dma_wait3A_297, %dma_wait3A_298] : memref<10240x128xf32, #tpu.memory_space<hbm>> -> memref<10240x128xf32, #tpu.memory_space<hbm>>
      tpu.wait_indirect_dma semaphore(%arg13 : memref<!tpu.dma_semaphore, #tpu.memory_space<semaphore_mem>>) src(%dma_wait3A_299 : memref<10240x128xf32, #tpu.memory_space<hbm>>) dst(%arg11 : memref<128x128xf32, #tpu.memory_space<vmem>>)
      %dma_start3A_300 = arith.constant 0 : i32
      %dma_start3A_301 = arith.constant 0 : i32
      %dma_start3A_302 = tpu.memref_slice %arg10[%dma_start3A_300, %dma_start3A_301] : memref<8x128xi32, #tpu.memory_space<vmem>> -> memref<1x128xi32, #tpu.memory_space<vmem>>
      %dma_start3A_303 = tpu.memref_squeeze %dma_start3A_302 : memref<1x128xi32, #tpu.memory_space<vmem>> -> memref<128xi32, #tpu.memory_space<vmem>>
      %dma_start3A_304 = arith.constant 0 : i32
      %dma_start3A_305 = arith.constant 0 : i32
      %dma_start3A_306 = tpu.memref_slice %arg17[%dma_start3A_304, %dma_start3A_305] : memref<10240x128xf32, #tpu.memory_space<vmem_shared>> -> memref<10240x128xf32, #tpu.memory_space<vmem_shared>>
      tpu.enqueue_indirect_dma source(%arg11 : memref<128x128xf32, #tpu.memory_space<vmem>>) target(%dma_start3A_306 : memref<10240x128xf32, #tpu.memory_space<vmem_shared>>) offsets(%dma_start3A_303 : memref<128xi32, #tpu.memory_space<vmem>>) semaphore(%arg15 : memref<!tpu.dma_semaphore, #tpu.memory_space<semaphore_mem>>) {add = true}
      %dma_wait3A_307 = arith.constant 0 : i32
      %dma_wait3A_308 = arith.constant 0 : i32
      %dma_wait3A_309 = tpu.memref_slice %arg10[%dma_wait3A_307, %dma_wait3A_308] : memref<8x128xi32, #tpu.memory_space<vmem>> -> memref<1x128xi32, #tpu.memory_space<vmem>>
      %dma_wait3A_310 = tpu.memref_squeeze %dma_wait3A_309 : memref<1x128xi32, #tpu.memory_space<vmem>> -> memref<128xi32, #tpu.memory_space<vmem>>
      %dma_wait3A_311 = arith.constant 0 : i32
      %dma_wait3A_312 = arith.constant 0 : i32
      %dma_wait3A_313 = tpu.memref_slice %arg17[%dma_wait3A_311, %dma_wait3A_312] : memref<10240x128xf32, #tpu.memory_space<vmem_shared>> -> memref<10240x128xf32, #tpu.memory_space<vmem_shared>>
      tpu.wait_indirect_dma semaphore(%arg15 : memref<!tpu.dma_semaphore, #tpu.memory_space<semaphore_mem>>) src(%arg11 : memref<128x128xf32, #tpu.memory_space<vmem>>) dst(%dma_wait3A_313 : memref<10240x128xf32, #tpu.memory_space<vmem_shared>>)
      %dma_start3A_314 = arith.constant 2 : i32
      %dma_start3A_315 = arith.constant 0 : i32
      %dma_start3A_316 = tpu.memref_slice %arg8[%dma_start3A_314, %dma_start3A_315] : memref<8x128xi32, #tpu.memory_space<vmem>> -> memref<1x128xi32, #tpu.memory_space<vmem>>
      %dma_start3A_317 = tpu.memref_squeeze %dma_start3A_316 : memref<1x128xi32, #tpu.memory_space<vmem>> -> memref<128xi32, #tpu.memory_space<vmem>>
      %dma_start3A_318 = arith.constant 0 : i32
      %dma_start3A_319 = arith.constant 0 : i32
      %dma_start3A_320 = tpu.memref_slice %arg2[%dma_start3A_318, %dma_start3A_319] : memref<10240x128xf32, #tpu.memory_space<hbm>> -> memref<10240x128xf32, #tpu.memory_space<hbm>>
      tpu.enqueue_indirect_dma source(%dma_start3A_320 : memref<10240x128xf32, #tpu.memory_space<hbm>>) target(%arg11 : memref<128x128xf32, #tpu.memory_space<vmem>>) offsets(%dma_start3A_317 : memref<128xi32, #tpu.memory_space<vmem>>) semaphore(%arg13 : memref<!tpu.dma_semaphore, #tpu.memory_space<semaphore_mem>>)
      %dma_wait3A_321 = arith.constant 1 : i32
      %dma_wait3A_322 = arith.constant 0 : i32
      %dma_wait3A_323 = tpu.memref_slice %arg8[%dma_wait3A_321, %dma_wait3A_322] : memref<8x128xi32, #tpu.memory_space<vmem>> -> memref<1x128xi32, #tpu.memory_space<vmem>>
      %dma_wait3A_324 = tpu.memref_squeeze %dma_wait3A_323 : memref<1x128xi32, #tpu.memory_space<vmem>> -> memref<128xi32, #tpu.memory_space<vmem>>
      %dma_wait3A_325 = arith.constant 0 : i32
      %dma_wait3A_326 = arith.constant 0 : i32
      %dma_wait3A_327 = tpu.memref_slice %arg2[%dma_wait3A_325, %dma_wait3A_326] : memref<10240x128xf32, #tpu.memory_space<hbm>> -> memref<10240x128xf32, #tpu.memory_space<hbm>>
      tpu.wait_indirect_dma semaphore(%arg14 : memref<!tpu.dma_semaphore, #tpu.memory_space<semaphore_mem>>) src(%dma_wait3A_327 : memref<10240x128xf32, #tpu.memory_space<hbm>>) dst(%arg12 : memref<128x128xf32, #tpu.memory_space<vmem>>)
      %dma_start3A_328 = arith.constant 1 : i32
      %dma_start3A_329 = arith.constant 0 : i32
      %dma_start3A_330 = tpu.memref_slice %arg10[%dma_start3A_328, %dma_start3A_329] : memref<8x128xi32, #tpu.memory_space<vmem>> -> memref<1x128xi32, #tpu.memory_space<vmem>>
      %dma_start3A_331 = tpu.memref_squeeze %dma_start3A_330 : memref<1x128xi32, #tpu.memory_space<vmem>> -> memref<128xi32, #tpu.memory_space<vmem>>
      %dma_start3A_332 = arith.constant 0 : i32
      %dma_start3A_333 = arith.constant 0 : i32
      %dma_start3A_334 = tpu.memref_slice %arg17[%dma_start3A_332, %dma_start3A_333] : memref<10240x128xf32, #tpu.memory_space<vmem_shared>> -> memref<10240x128xf32, #tpu.memory_space<vmem_shared>>
      tpu.enqueue_indirect_dma source(%arg12 : memref<128x128xf32, #tpu.memory_space<vmem>>) target(%dma_start3A_334 : memref<10240x128xf32, #tpu.memory_space<vmem_shared>>) offsets(%dma_start3A_331 : memref<128xi32, #tpu.memory_space<vmem>>) semaphore(%arg16 : memref<!tpu.dma_semaphore, #tpu.memory_space<semaphore_mem>>) {add = true}
      %dma_wait3A_335 = arith.constant 1 : i32
      %dma_wait3A_336 = arith.constant 0 : i32
      %dma_wait3A_337 = tpu.memref_slice %arg10[%dma_wait3A_335, %dma_wait3A_336] : memref<8x128xi32, #tpu.memory_space<vmem>> -> memref<1x128xi32, #tpu.memory_space<vmem>>
      %dma_wait3A_338 = tpu.memref_squeeze %dma_wait3A_337 : memref<1x128xi32, #tpu.memory_space<vmem>> -> memref<128xi32, #tpu.memory_space<vmem>>
      %dma_wait3A_339 = arith.constant 0 : i32
      %dma_wait3A_340 = arith.constant 0 : i32
      %dma_wait3A_341 = tpu.memref_slice %arg17[%dma_wait3A_339, %dma_wait3A_340] : memref<10240x128xf32, #tpu.memory_space<vmem_shared>> -> memref<10240x128xf32, #tpu.memory_space<vmem_shared>>
      tpu.wait_indirect_dma semaphore(%arg16 : memref<!tpu.dma_semaphore, #tpu.memory_space<semaphore_mem>>) src(%arg12 : memref<128x128xf32, #tpu.memory_space<vmem>>) dst(%dma_wait3A_341 : memref<10240x128xf32, #tpu.memory_space<vmem_shared>>)
      %dma_start3A_342 = arith.constant 3 : i32
      %dma_start3A_343 = arith.constant 0 : i32
      %dma_start3A_344 = tpu.memref_slice %arg8[%dma_start3A_342, %dma_start3A_343] : memref<8x128xi32, #tpu.memory_space<vmem>> -> memref<1x128xi32, #tpu.memory_space<vmem>>
      %dma_start3A_345 = tpu.memref_squeeze %dma_start3A_344 : memref<1x128xi32, #tpu.memory_space<vmem>> -> memref<128xi32, #tpu.memory_space<vmem>>
      %dma_start3A_346 = arith.constant 0 : i32
      %dma_start3A_347 = arith.constant 0 : i32
      %dma_start3A_348 = tpu.memref_slice %arg2[%dma_start3A_346, %dma_start3A_347] : memref<10240x128xf32, #tpu.memory_space<hbm>> -> memref<10240x128xf32, #tpu.memory_space<hbm>>
      tpu.enqueue_indirect_dma source(%dma_start3A_348 : memref<10240x128xf32, #tpu.memory_space<hbm>>) target(%arg12 : memref<128x128xf32, #tpu.memory_space<vmem>>) offsets(%dma_start3A_345 : memref<128xi32, #tpu.memory_space<vmem>>) semaphore(%arg14 : memref<!tpu.dma_semaphore, #tpu.memory_space<semaphore_mem>>)
      %dma_wait3A_349 = arith.constant 2 : i32
      %dma_wait3A_350 = arith.constant 0 : i32
      %dma_wait3A_351 = tpu.memref_slice %arg8[%dma_wait3A_349, %dma_wait3A_350] : memref<8x128xi32, #tpu.memory_space<vmem>> -> memref<1x128xi32, #tpu.memory_space<vmem>>
      %dma_wait3A_352 = tpu.memref_squeeze %dma_wait3A_351 : memref<1x128xi32, #tpu.memory_space<vmem>> -> memref<128xi32, #tpu.memory_space<vmem>>
      %dma_wait3A_353 = arith.constant 0 : i32
      %dma_wait3A_354 = arith.constant 0 : i32
      %dma_wait3A_355 = tpu.memref_slice %arg2[%dma_wait3A_353, %dma_wait3A_354] : memref<10240x128xf32, #tpu.memory_space<hbm>> -> memref<10240x128xf32, #tpu.memory_space<hbm>>
      tpu.wait_indirect_dma semaphore(%arg13 : memref<!tpu.dma_semaphore, #tpu.memory_space<semaphore_mem>>) src(%dma_wait3A_355 : memref<10240x128xf32, #tpu.memory_space<hbm>>) dst(%arg11 : memref<128x128xf32, #tpu.memory_space<vmem>>)
      %dma_start3A_356 = arith.constant 2 : i32
      %dma_start3A_357 = arith.constant 0 : i32
      %dma_start3A_358 = tpu.memref_slice %arg10[%dma_start3A_356, %dma_start3A_357] : memref<8x128xi32, #tpu.memory_space<vmem>> -> memref<1x128xi32, #tpu.memory_space<vmem>>
      %dma_start3A_359 = tpu.memref_squeeze %dma_start3A_358 : memref<1x128xi32, #tpu.memory_space<vmem>> -> memref<128xi32, #tpu.memory_space<vmem>>
      %dma_start3A_360 = arith.constant 0 : i32
      %dma_start3A_361 = arith.constant 0 : i32
      %dma_start3A_362 = tpu.memref_slice %arg17[%dma_start3A_360, %dma_start3A_361] : memref<10240x128xf32, #tpu.memory_space<vmem_shared>> -> memref<10240x128xf32, #tpu.memory_space<vmem_shared>>
      tpu.enqueue_indirect_dma source(%arg11 : memref<128x128xf32, #tpu.memory_space<vmem>>) target(%dma_start3A_362 : memref<10240x128xf32, #tpu.memory_space<vmem_shared>>) offsets(%dma_start3A_359 : memref<128xi32, #tpu.memory_space<vmem>>) semaphore(%arg15 : memref<!tpu.dma_semaphore, #tpu.memory_space<semaphore_mem>>) {add = true}
      %dma_wait3A_363 = arith.constant 2 : i32
      %dma_wait3A_364 = arith.constant 0 : i32
      %dma_wait3A_365 = tpu.memref_slice %arg10[%dma_wait3A_363, %dma_wait3A_364] : memref<8x128xi32, #tpu.memory_space<vmem>> -> memref<1x128xi32, #tpu.memory_space<vmem>>
      %dma_wait3A_366 = tpu.memref_squeeze %dma_wait3A_365 : memref<1x128xi32, #tpu.memory_space<vmem>> -> memref<128xi32, #tpu.memory_space<vmem>>
      %dma_wait3A_367 = arith.constant 0 : i32
      %dma_wait3A_368 = arith.constant 0 : i32
      %dma_wait3A_369 = tpu.memref_slice %arg17[%dma_wait3A_367, %dma_wait3A_368] : memref<10240x128xf32, #tpu.memory_space<vmem_shared>> -> memref<10240x128xf32, #tpu.memory_space<vmem_shared>>
      tpu.wait_indirect_dma semaphore(%arg15 : memref<!tpu.dma_semaphore, #tpu.memory_space<semaphore_mem>>) src(%arg11 : memref<128x128xf32, #tpu.memory_space<vmem>>) dst(%dma_wait3A_369 : memref<10240x128xf32, #tpu.memory_space<vmem_shared>>)
      %dma_start3A_370 = arith.constant 4 : i32
      %dma_start3A_371 = arith.constant 0 : i32
      %dma_start3A_372 = tpu.memref_slice %arg8[%dma_start3A_370, %dma_start3A_371] : memref<8x128xi32, #tpu.memory_space<vmem>> -> memref<1x128xi32, #tpu.memory_space<vmem>>
      %dma_start3A_373 = tpu.memref_squeeze %dma_start3A_372 : memref<1x128xi32, #tpu.memory_space<vmem>> -> memref<128xi32, #tpu.memory_space<vmem>>
      %dma_start3A_374 = arith.constant 0 : i32
      %dma_start3A_375 = arith.constant 0 : i32
      %dma_start3A_376 = tpu.memref_slice %arg2[%dma_start3A_374, %dma_start3A_375] : memref<10240x128xf32, #tpu.memory_space<hbm>> -> memref<10240x128xf32, #tpu.memory_space<hbm>>
      tpu.enqueue_indirect_dma source(%dma_start3A_376 : memref<10240x128xf32, #tpu.memory_space<hbm>>) target(%arg11 : memref<128x128xf32, #tpu.memory_space<vmem>>) offsets(%dma_start3A_373 : memref<128xi32, #tpu.memory_space<vmem>>) semaphore(%arg13 : memref<!tpu.dma_semaphore, #tpu.memory_space<semaphore_mem>>)
      %dma_wait3A_377 = arith.constant 3 : i32
      %dma_wait3A_378 = arith.constant 0 : i32
      %dma_wait3A_379 = tpu.memref_slice %arg8[%dma_wait3A_377, %dma_wait3A_378] : memref<8x128xi32, #tpu.memory_space<vmem>> -> memref<1x128xi32, #tpu.memory_space<vmem>>
      %dma_wait3A_380 = tpu.memref_squeeze %dma_wait3A_379 : memref<1x128xi32, #tpu.memory_space<vmem>> -> memref<128xi32, #tpu.memory_space<vmem>>
      %dma_wait3A_381 = arith.constant 0 : i32
      %dma_wait3A_382 = arith.constant 0 : i32
      %dma_wait3A_383 = tpu.memref_slice %arg2[%dma_wait3A_381, %dma_wait3A_382] : memref<10240x128xf32, #tpu.memory_space<hbm>> -> memref<10240x128xf32, #tpu.memory_space<hbm>>
      tpu.wait_indirect_dma semaphore(%arg14 : memref<!tpu.dma_semaphore, #tpu.memory_space<semaphore_mem>>) src(%dma_wait3A_383 : memref<10240x128xf32, #tpu.memory_space<hbm>>) dst(%arg12 : memref<128x128xf32, #tpu.memory_space<vmem>>)
      %dma_start3A_384 = arith.constant 3 : i32
      %dma_start3A_385 = arith.constant 0 : i32
      %dma_start3A_386 = tpu.memref_slice %arg10[%dma_start3A_384, %dma_start3A_385] : memref<8x128xi32, #tpu.memory_space<vmem>> -> memref<1x128xi32, #tpu.memory_space<vmem>>
      %dma_start3A_387 = tpu.memref_squeeze %dma_start3A_386 : memref<1x128xi32, #tpu.memory_space<vmem>> -> memref<128xi32, #tpu.memory_space<vmem>>
      %dma_start3A_388 = arith.constant 0 : i32
      %dma_start3A_389 = arith.constant 0 : i32
      %dma_start3A_390 = tpu.memref_slice %arg17[%dma_start3A_388, %dma_start3A_389] : memref<10240x128xf32, #tpu.memory_space<vmem_shared>> -> memref<10240x128xf32, #tpu.memory_space<vmem_shared>>
      tpu.enqueue_indirect_dma source(%arg12 : memref<128x128xf32, #tpu.memory_space<vmem>>) target(%dma_start3A_390 : memref<10240x128xf32, #tpu.memory_space<vmem_shared>>) offsets(%dma_start3A_387 : memref<128xi32, #tpu.memory_space<vmem>>) semaphore(%arg16 : memref<!tpu.dma_semaphore, #tpu.memory_space<semaphore_mem>>) {add = true}
      %dma_wait3A_391 = arith.constant 3 : i32
      %dma_wait3A_392 = arith.constant 0 : i32
      %dma_wait3A_393 = tpu.memref_slice %arg10[%dma_wait3A_391, %dma_wait3A_392] : memref<8x128xi32, #tpu.memory_space<vmem>> -> memref<1x128xi32, #tpu.memory_space<vmem>>
      %dma_wait3A_394 = tpu.memref_squeeze %dma_wait3A_393 : memref<1x128xi32, #tpu.memory_space<vmem>> -> memref<128xi32, #tpu.memory_space<vmem>>
      %dma_wait3A_395 = arith.constant 0 : i32
      %dma_wait3A_396 = arith.constant 0 : i32
      %dma_wait3A_397 = tpu.memref_slice %arg17[%dma_wait3A_395, %dma_wait3A_396] : memref<10240x128xf32, #tpu.memory_space<vmem_shared>> -> memref<10240x128xf32, #tpu.memory_space<vmem_shared>>
      tpu.wait_indirect_dma semaphore(%arg16 : memref<!tpu.dma_semaphore, #tpu.memory_space<semaphore_mem>>) src(%arg12 : memref<128x128xf32, #tpu.memory_space<vmem>>) dst(%dma_wait3A_397 : memref<10240x128xf32, #tpu.memory_space<vmem_shared>>)
      %dma_start3A_398 = arith.constant 5 : i32
      %dma_start3A_399 = arith.constant 0 : i32
      %dma_start3A_400 = tpu.memref_slice %arg8[%dma_start3A_398, %dma_start3A_399] : memref<8x128xi32, #tpu.memory_space<vmem>> -> memref<1x128xi32, #tpu.memory_space<vmem>>
      %dma_start3A_401 = tpu.memref_squeeze %dma_start3A_400 : memref<1x128xi32, #tpu.memory_space<vmem>> -> memref<128xi32, #tpu.memory_space<vmem>>
      %dma_start3A_402 = arith.constant 0 : i32
      %dma_start3A_403 = arith.constant 0 : i32
      %dma_start3A_404 = tpu.memref_slice %arg2[%dma_start3A_402, %dma_start3A_403] : memref<10240x128xf32, #tpu.memory_space<hbm>> -> memref<10240x128xf32, #tpu.memory_space<hbm>>
      tpu.enqueue_indirect_dma source(%dma_start3A_404 : memref<10240x128xf32, #tpu.memory_space<hbm>>) target(%arg12 : memref<128x128xf32, #tpu.memory_space<vmem>>) offsets(%dma_start3A_401 : memref<128xi32, #tpu.memory_space<vmem>>) semaphore(%arg14 : memref<!tpu.dma_semaphore, #tpu.memory_space<semaphore_mem>>)
      %dma_wait3A_405 = arith.constant 4 : i32
      %dma_wait3A_406 = arith.constant 0 : i32
      %dma_wait3A_407 = tpu.memref_slice %arg8[%dma_wait3A_405, %dma_wait3A_406] : memref<8x128xi32, #tpu.memory_space<vmem>> -> memref<1x128xi32, #tpu.memory_space<vmem>>
      %dma_wait3A_408 = tpu.memref_squeeze %dma_wait3A_407 : memref<1x128xi32, #tpu.memory_space<vmem>> -> memref<128xi32, #tpu.memory_space<vmem>>
      %dma_wait3A_409 = arith.constant 0 : i32
      %dma_wait3A_410 = arith.constant 0 : i32
      %dma_wait3A_411 = tpu.memref_slice %arg2[%dma_wait3A_409, %dma_wait3A_410] : memref<10240x128xf32, #tpu.memory_space<hbm>> -> memref<10240x128xf32, #tpu.memory_space<hbm>>
      tpu.wait_indirect_dma semaphore(%arg13 : memref<!tpu.dma_semaphore, #tpu.memory_space<semaphore_mem>>) src(%dma_wait3A_411 : memref<10240x128xf32, #tpu.memory_space<hbm>>) dst(%arg11 : memref<128x128xf32, #tpu.memory_space<vmem>>)
      %dma_start3A_412 = arith.constant 4 : i32
      %dma_start3A_413 = arith.constant 0 : i32
      %dma_start3A_414 = tpu.memref_slice %arg10[%dma_start3A_412, %dma_start3A_413] : memref<8x128xi32, #tpu.memory_space<vmem>> -> memref<1x128xi32, #tpu.memory_space<vmem>>
      %dma_start3A_415 = tpu.memref_squeeze %dma_start3A_414 : memref<1x128xi32, #tpu.memory_space<vmem>> -> memref<128xi32, #tpu.memory_space<vmem>>
      %dma_start3A_416 = arith.constant 0 : i32
      %dma_start3A_417 = arith.constant 0 : i32
      %dma_start3A_418 = tpu.memref_slice %arg17[%dma_start3A_416, %dma_start3A_417] : memref<10240x128xf32, #tpu.memory_space<vmem_shared>> -> memref<10240x128xf32, #tpu.memory_space<vmem_shared>>
      tpu.enqueue_indirect_dma source(%arg11 : memref<128x128xf32, #tpu.memory_space<vmem>>) target(%dma_start3A_418 : memref<10240x128xf32, #tpu.memory_space<vmem_shared>>) offsets(%dma_start3A_415 : memref<128xi32, #tpu.memory_space<vmem>>) semaphore(%arg15 : memref<!tpu.dma_semaphore, #tpu.memory_space<semaphore_mem>>) {add = true}
      %dma_wait3A_419 = arith.constant 4 : i32
      %dma_wait3A_420 = arith.constant 0 : i32
      %dma_wait3A_421 = tpu.memref_slice %arg10[%dma_wait3A_419, %dma_wait3A_420] : memref<8x128xi32, #tpu.memory_space<vmem>> -> memref<1x128xi32, #tpu.memory_space<vmem>>
      %dma_wait3A_422 = tpu.memref_squeeze %dma_wait3A_421 : memref<1x128xi32, #tpu.memory_space<vmem>> -> memref<128xi32, #tpu.memory_space<vmem>>
      %dma_wait3A_423 = arith.constant 0 : i32
      %dma_wait3A_424 = arith.constant 0 : i32
      %dma_wait3A_425 = tpu.memref_slice %arg17[%dma_wait3A_423, %dma_wait3A_424] : memref<10240x128xf32, #tpu.memory_space<vmem_shared>> -> memref<10240x128xf32, #tpu.memory_space<vmem_shared>>
      tpu.wait_indirect_dma semaphore(%arg15 : memref<!tpu.dma_semaphore, #tpu.memory_space<semaphore_mem>>) src(%arg11 : memref<128x128xf32, #tpu.memory_space<vmem>>) dst(%dma_wait3A_425 : memref<10240x128xf32, #tpu.memory_space<vmem_shared>>)
      %dma_start3A_426 = arith.constant 6 : i32
      %dma_start3A_427 = arith.constant 0 : i32
      %dma_start3A_428 = tpu.memref_slice %arg8[%dma_start3A_426, %dma_start3A_427] : memref<8x128xi32, #tpu.memory_space<vmem>> -> memref<1x128xi32, #tpu.memory_space<vmem>>
      %dma_start3A_429 = tpu.memref_squeeze %dma_start3A_428 : memref<1x128xi32, #tpu.memory_space<vmem>> -> memref<128xi32, #tpu.memory_space<vmem>>
      %dma_start3A_430 = arith.constant 0 : i32
      %dma_start3A_431 = arith.constant 0 : i32
      %dma_start3A_432 = tpu.memref_slice %arg2[%dma_start3A_430, %dma_start3A_431] : memref<10240x128xf32, #tpu.memory_space<hbm>> -> memref<10240x128xf32, #tpu.memory_space<hbm>>
      tpu.enqueue_indirect_dma source(%dma_start3A_432 : memref<10240x128xf32, #tpu.memory_space<hbm>>) target(%arg11 : memref<128x128xf32, #tpu.memory_space<vmem>>) offsets(%dma_start3A_429 : memref<128xi32, #tpu.memory_space<vmem>>) semaphore(%arg13 : memref<!tpu.dma_semaphore, #tpu.memory_space<semaphore_mem>>)
      %dma_wait3A_433 = arith.constant 5 : i32
      %dma_wait3A_434 = arith.constant 0 : i32
      %dma_wait3A_435 = tpu.memref_slice %arg8[%dma_wait3A_433, %dma_wait3A_434] : memref<8x128xi32, #tpu.memory_space<vmem>> -> memref<1x128xi32, #tpu.memory_space<vmem>>
      %dma_wait3A_436 = tpu.memref_squeeze %dma_wait3A_435 : memref<1x128xi32, #tpu.memory_space<vmem>> -> memref<128xi32, #tpu.memory_space<vmem>>
      %dma_wait3A_437 = arith.constant 0 : i32
      %dma_wait3A_438 = arith.constant 0 : i32
      %dma_wait3A_439 = tpu.memref_slice %arg2[%dma_wait3A_437, %dma_wait3A_438] : memref<10240x128xf32, #tpu.memory_space<hbm>> -> memref<10240x128xf32, #tpu.memory_space<hbm>>
      tpu.wait_indirect_dma semaphore(%arg14 : memref<!tpu.dma_semaphore, #tpu.memory_space<semaphore_mem>>) src(%dma_wait3A_439 : memref<10240x128xf32, #tpu.memory_space<hbm>>) dst(%arg12 : memref<128x128xf32, #tpu.memory_space<vmem>>)
      %dma_start3A_440 = arith.constant 5 : i32
      %dma_start3A_441 = arith.constant 0 : i32
      %dma_start3A_442 = tpu.memref_slice %arg10[%dma_start3A_440, %dma_start3A_441] : memref<8x128xi32, #tpu.memory_space<vmem>> -> memref<1x128xi32, #tpu.memory_space<vmem>>
      %dma_start3A_443 = tpu.memref_squeeze %dma_start3A_442 : memref<1x128xi32, #tpu.memory_space<vmem>> -> memref<128xi32, #tpu.memory_space<vmem>>
      %dma_start3A_444 = arith.constant 0 : i32
      %dma_start3A_445 = arith.constant 0 : i32
      %dma_start3A_446 = tpu.memref_slice %arg17[%dma_start3A_444, %dma_start3A_445] : memref<10240x128xf32, #tpu.memory_space<vmem_shared>> -> memref<10240x128xf32, #tpu.memory_space<vmem_shared>>
      tpu.enqueue_indirect_dma source(%arg12 : memref<128x128xf32, #tpu.memory_space<vmem>>) target(%dma_start3A_446 : memref<10240x128xf32, #tpu.memory_space<vmem_shared>>) offsets(%dma_start3A_443 : memref<128xi32, #tpu.memory_space<vmem>>) semaphore(%arg16 : memref<!tpu.dma_semaphore, #tpu.memory_space<semaphore_mem>>) {add = true}
      %dma_wait3A_447 = arith.constant 5 : i32
      %dma_wait3A_448 = arith.constant 0 : i32
      %dma_wait3A_449 = tpu.memref_slice %arg10[%dma_wait3A_447, %dma_wait3A_448] : memref<8x128xi32, #tpu.memory_space<vmem>> -> memref<1x128xi32, #tpu.memory_space<vmem>>
      %dma_wait3A_450 = tpu.memref_squeeze %dma_wait3A_449 : memref<1x128xi32, #tpu.memory_space<vmem>> -> memref<128xi32, #tpu.memory_space<vmem>>
      %dma_wait3A_451 = arith.constant 0 : i32
      %dma_wait3A_452 = arith.constant 0 : i32
      %dma_wait3A_453 = tpu.memref_slice %arg17[%dma_wait3A_451, %dma_wait3A_452] : memref<10240x128xf32, #tpu.memory_space<vmem_shared>> -> memref<10240x128xf32, #tpu.memory_space<vmem_shared>>
      tpu.wait_indirect_dma semaphore(%arg16 : memref<!tpu.dma_semaphore, #tpu.memory_space<semaphore_mem>>) src(%arg12 : memref<128x128xf32, #tpu.memory_space<vmem>>) dst(%dma_wait3A_453 : memref<10240x128xf32, #tpu.memory_space<vmem_shared>>)
      %dma_start3A_454 = arith.constant 7 : i32
      %dma_start3A_455 = arith.constant 0 : i32
      %dma_start3A_456 = tpu.memref_slice %arg8[%dma_start3A_454, %dma_start3A_455] : memref<8x128xi32, #tpu.memory_space<vmem>> -> memref<1x128xi32, #tpu.memory_space<vmem>>
      %dma_start3A_457 = tpu.memref_squeeze %dma_start3A_456 : memref<1x128xi32, #tpu.memory_space<vmem>> -> memref<128xi32, #tpu.memory_space<vmem>>
      %dma_start3A_458 = arith.constant 0 : i32
      %dma_start3A_459 = arith.constant 0 : i32
      %dma_start3A_460 = tpu.memref_slice %arg2[%dma_start3A_458, %dma_start3A_459] : memref<10240x128xf32, #tpu.memory_space<hbm>> -> memref<10240x128xf32, #tpu.memory_space<hbm>>
      tpu.enqueue_indirect_dma source(%dma_start3A_460 : memref<10240x128xf32, #tpu.memory_space<hbm>>) target(%arg12 : memref<128x128xf32, #tpu.memory_space<vmem>>) offsets(%dma_start3A_457 : memref<128xi32, #tpu.memory_space<vmem>>) semaphore(%arg14 : memref<!tpu.dma_semaphore, #tpu.memory_space<semaphore_mem>>)
      %dma_wait3A_461 = arith.constant 6 : i32
      %dma_wait3A_462 = arith.constant 0 : i32
      %dma_wait3A_463 = tpu.memref_slice %arg8[%dma_wait3A_461, %dma_wait3A_462] : memref<8x128xi32, #tpu.memory_space<vmem>> -> memref<1x128xi32, #tpu.memory_space<vmem>>
      %dma_wait3A_464 = tpu.memref_squeeze %dma_wait3A_463 : memref<1x128xi32, #tpu.memory_space<vmem>> -> memref<128xi32, #tpu.memory_space<vmem>>
      %dma_wait3A_465 = arith.constant 0 : i32
      %dma_wait3A_466 = arith.constant 0 : i32
      %dma_wait3A_467 = tpu.memref_slice %arg2[%dma_wait3A_465, %dma_wait3A_466] : memref<10240x128xf32, #tpu.memory_space<hbm>> -> memref<10240x128xf32, #tpu.memory_space<hbm>>
      tpu.wait_indirect_dma semaphore(%arg13 : memref<!tpu.dma_semaphore, #tpu.memory_space<semaphore_mem>>) src(%dma_wait3A_467 : memref<10240x128xf32, #tpu.memory_space<hbm>>) dst(%arg11 : memref<128x128xf32, #tpu.memory_space<vmem>>)
      %dma_start3A_468 = arith.constant 6 : i32
      %dma_start3A_469 = arith.constant 0 : i32
      %dma_start3A_470 = tpu.memref_slice %arg10[%dma_start3A_468, %dma_start3A_469] : memref<8x128xi32, #tpu.memory_space<vmem>> -> memref<1x128xi32, #tpu.memory_space<vmem>>
      %dma_start3A_471 = tpu.memref_squeeze %dma_start3A_470 : memref<1x128xi32, #tpu.memory_space<vmem>> -> memref<128xi32, #tpu.memory_space<vmem>>
      %dma_start3A_472 = arith.constant 0 : i32
      %dma_start3A_473 = arith.constant 0 : i32
      %dma_start3A_474 = tpu.memref_slice %arg17[%dma_start3A_472, %dma_start3A_473] : memref<10240x128xf32, #tpu.memory_space<vmem_shared>> -> memref<10240x128xf32, #tpu.memory_space<vmem_shared>>
      tpu.enqueue_indirect_dma source(%arg11 : memref<128x128xf32, #tpu.memory_space<vmem>>) target(%dma_start3A_474 : memref<10240x128xf32, #tpu.memory_space<vmem_shared>>) offsets(%dma_start3A_471 : memref<128xi32, #tpu.memory_space<vmem>>) semaphore(%arg15 : memref<!tpu.dma_semaphore, #tpu.memory_space<semaphore_mem>>) {add = true}
    }
    %scan3A_11 = arith.constant 5 : i32
    %dma_wait3A = arith.constant 7 : i32
    %dma_wait3A_12 = arith.constant 0 : i32
    %dma_wait3A_13 = tpu.memref_slice %arg8[%dma_wait3A, %dma_wait3A_12] : memref<8x128xi32, #tpu.memory_space<vmem>> -> memref<1x128xi32, #tpu.memory_space<vmem>>
    %dma_wait3A_14 = tpu.memref_squeeze %dma_wait3A_13 : memref<1x128xi32, #tpu.memory_space<vmem>> -> memref<128xi32, #tpu.memory_space<vmem>>
    %dma_wait3A_15 = arith.constant 0 : i32
    %dma_wait3A_16 = arith.constant 0 : i32
    %dma_wait3A_17 = tpu.memref_slice %arg2[%dma_wait3A_15, %dma_wait3A_16] : memref<10240x128xf32, #tpu.memory_space<hbm>> -> memref<10240x128xf32, #tpu.memory_space<hbm>>
    tpu.wait_indirect_dma semaphore(%arg14 : memref<!tpu.dma_semaphore, #tpu.memory_space<semaphore_mem>>) src(%dma_wait3A_17 : memref<10240x128xf32, #tpu.memory_space<hbm>>) dst(%arg12 : memref<128x128xf32, #tpu.memory_space<vmem>>)
    %dma_start3A = arith.constant 7 : i32
    %dma_start3A_18 = arith.constant 0 : i32
    %dma_start3A_19 = tpu.memref_slice %arg10[%dma_start3A, %dma_start3A_18] : memref<8x128xi32, #tpu.memory_space<vmem>> -> memref<1x128xi32, #tpu.memory_space<vmem>>
    %dma_start3A_20 = tpu.memref_squeeze %dma_start3A_19 : memref<1x128xi32, #tpu.memory_space<vmem>> -> memref<128xi32, #tpu.memory_space<vmem>>
    %dma_start3A_21 = arith.constant 0 : i32
    %dma_start3A_22 = arith.constant 0 : i32
    %dma_start3A_23 = tpu.memref_slice %arg17[%dma_start3A_21, %dma_start3A_22] : memref<10240x128xf32, #tpu.memory_space<vmem_shared>> -> memref<10240x128xf32, #tpu.memory_space<vmem_shared>>
    tpu.enqueue_indirect_dma source(%arg12 : memref<128x128xf32, #tpu.memory_space<vmem>>) target(%dma_start3A_23 : memref<10240x128xf32, #tpu.memory_space<vmem_shared>>) offsets(%dma_start3A_20 : memref<128xi32, #tpu.memory_space<vmem>>) semaphore(%arg16 : memref<!tpu.dma_semaphore, #tpu.memory_space<semaphore_mem>>) {add = true}
    %dma_wait3A_24 = arith.constant 6 : i32
    %dma_wait3A_25 = arith.constant 0 : i32
    %dma_wait3A_26 = tpu.memref_slice %arg10[%dma_wait3A_24, %dma_wait3A_25] : memref<8x128xi32, #tpu.memory_space<vmem>> -> memref<1x128xi32, #tpu.memory_space<vmem>>
    %dma_wait3A_27 = tpu.memref_squeeze %dma_wait3A_26 : memref<1x128xi32, #tpu.memory_space<vmem>> -> memref<128xi32, #tpu.memory_space<vmem>>
    %dma_wait3A_28 = arith.constant 0 : i32
    %dma_wait3A_29 = arith.constant 0 : i32
    %dma_wait3A_30 = tpu.memref_slice %arg17[%dma_wait3A_28, %dma_wait3A_29] : memref<10240x128xf32, #tpu.memory_space<vmem_shared>> -> memref<10240x128xf32, #tpu.memory_space<vmem_shared>>
    tpu.wait_indirect_dma semaphore(%arg15 : memref<!tpu.dma_semaphore, #tpu.memory_space<semaphore_mem>>) src(%arg11 : memref<128x128xf32, #tpu.memory_space<vmem>>) dst(%dma_wait3A_30 : memref<10240x128xf32, #tpu.memory_space<vmem_shared>>)
    %dma_wait3A_31 = arith.constant 7 : i32
    %dma_wait3A_32 = arith.constant 0 : i32
    %dma_wait3A_33 = tpu.memref_slice %arg10[%dma_wait3A_31, %dma_wait3A_32] : memref<8x128xi32, #tpu.memory_space<vmem>> -> memref<1x128xi32, #tpu.memory_space<vmem>>
    %dma_wait3A_34 = tpu.memref_squeeze %dma_wait3A_33 : memref<1x128xi32, #tpu.memory_space<vmem>> -> memref<128xi32, #tpu.memory_space<vmem>>
    %dma_wait3A_35 = arith.constant 0 : i32
    %dma_wait3A_36 = arith.constant 0 : i32
    %dma_wait3A_37 = tpu.memref_slice %arg17[%dma_wait3A_35, %dma_wait3A_36] : memref<10240x128xf32, #tpu.memory_space<vmem_shared>> -> memref<10240x128xf32, #tpu.memory_space<vmem_shared>>
    tpu.wait_indirect_dma semaphore(%arg16 : memref<!tpu.dma_semaphore, #tpu.memory_space<semaphore_mem>>) src(%arg12 : memref<128x128xf32, #tpu.memory_space<vmem>>) dst(%dma_wait3A_37 : memref<10240x128xf32, #tpu.memory_space<vmem_shared>>)
    %barrier3A_38 = arith.constant 0 : index
    tpu.barrier barrier_id(%barrier3A_38)
    %mul3A_39 = arith.constant 640 : i32
    %mul3A_40 = arith.muli %arg1, %mul3A_39 : i32
    %mul3A_41 = arith.constant 640 : i32
    %mul3A_42 = arith.muli %arg1, %mul3A_41 : i32
    "tpu.region"() ({
      %run_scoped3A = tpu.sem_alloc : memref<!tpu.dma_semaphore, #tpu.memory_space<semaphore_mem>>
      %dma_start3A_43 = arith.constant 0 : i32
      %dma_start3A_44 = tpu.memref_slice %arg6[%arg0, %mul3A_42, %dma_start3A_43] : memref<2x10240x128xf32, #tpu.memory_space<hbm>> -> memref<1x640x128xf32, #tpu.memory_space<hbm>>
      %dma_start3A_45 = tpu.memref_squeeze %dma_start3A_44 : memref<1x640x128xf32, #tpu.memory_space<hbm>> -> memref<640x128xf32, #tpu.memory_space<hbm>>
      %dma_start3A_46 = arith.constant 0 : i32
      %dma_start3A_47 = tpu.memref_slice %arg17[%mul3A_40, %dma_start3A_46] : memref<10240x128xf32, #tpu.memory_space<vmem_shared>> -> memref<640x128xf32, #tpu.memory_space<vmem_shared>>
      tpu.enqueue_dma source(%dma_start3A_47 : memref<640x128xf32, #tpu.memory_space<vmem_shared>>) target(%dma_start3A_45 : memref<640x128xf32, #tpu.memory_space<hbm>>) target_semaphore(%run_scoped3A : memref<!tpu.dma_semaphore, #tpu.memory_space<semaphore_mem>>)
      %dma_wait3A_48 = arith.constant 0 : i32
      %dma_wait3A_49 = tpu.memref_slice %arg6[%arg0, %mul3A_42, %dma_wait3A_48] : memref<2x10240x128xf32, #tpu.memory_space<hbm>> -> memref<1x640x128xf32, #tpu.memory_space<hbm>>
      %dma_wait3A_50 = tpu.memref_squeeze %dma_wait3A_49 : memref<1x640x128xf32, #tpu.memory_space<hbm>> -> memref<640x128xf32, #tpu.memory_space<hbm>>
      %dma_wait3A_51 = arith.constant 0 : i32
      %dma_wait3A_52 = tpu.memref_slice %arg17[%mul3A_40, %dma_wait3A_51] : memref<10240x128xf32, #tpu.memory_space<vmem_shared>> -> memref<640x128xf32, #tpu.memory_space<vmem_shared>>
      tpu.wait_dma2 semaphore(%run_scoped3A : memref<!tpu.dma_semaphore, #tpu.memory_space<semaphore_mem>>) src(%dma_wait3A_52 : memref<640x128xf32, #tpu.memory_space<vmem_shared>>) dst(%dma_wait3A_50 : memref<640x128xf32, #tpu.memory_space<hbm>>)
      tpu.yield
    }) : () -> ()
    return
  }
}

module attributes {stable_mosaic.version = 14 : i64} {
  func.func @_tc1_body(%arg0: memref<10240x128xf32, #tpu.memory_space<vmem>>, %arg1: memref<10240x1xf32, #tpu.memory_space<vmem>>, %arg2: memref<10240x128xf32, #tpu.memory_space<vmem>>) attributes {dimension_semantics = [], scalar_prefetch = 0 : i64, scratch_operands = 0 : i64, tpu.core_type = #tpu.core_type<tc>} {
    %get3A = arith.constant 0 : index
    %get3A_0 = arith.constant 0 : index
    %get3A_1 = vector.load %arg1[%get3A, %get3A_0] : memref<10240x1xf32, #tpu.memory_space<vmem>>, vector<10240x1xf32>
    %max3A = arith.constant 1.000000e+00 : f32
    %max3A_2 = vector.broadcast %max3A : f32 to vector<10240x1xf32>
    %max3A_3 = arith.maximumf %get3A_1, %max3A_2 : vector<10240x1xf32>
    %rsqrt3A = math.rsqrt %max3A_3 : vector<10240x1xf32>
    %get3A_4 = arith.constant 0 : index
    %get3A_5 = arith.constant 0 : index
    %get3A_6 = vector.load %arg0[%get3A_4, %get3A_5] : memref<10240x128xf32, #tpu.memory_space<vmem>>, vector<10240x128xf32>
    %mul3A = vector.broadcast %rsqrt3A : vector<10240x1xf32> to vector<10240x128xf32>
    %mul3A_7 = arith.mulf %get3A_6, %mul3A : vector<10240x128xf32>
    %swap3A = arith.constant 0 : index
    %swap3A_8 = arith.constant 0 : index
    %swap3A_9 = vector.load %arg2[%swap3A, %swap3A_8] : memref<10240x128xf32, #tpu.memory_space<vmem>>, vector<10240x128xf32>
    tpu.vector_store %arg2[%swap3A, %swap3A_8], %mul3A_7 {strides = array<i32>} : memref<10240x128xf32, #tpu.memory_space<vmem>>, vector<10240x128xf32>,
    return
  }
}

module attributes {stable_mosaic.version = 14 : i64} {
  func.func @_tc2_body(%arg0: memref<2x10240x128xf32, #tpu.memory_space<vmem>>, %arg1: memref<10240x1xf32, #tpu.memory_space<vmem>>, %arg2: memref<128x128xf32, #tpu.memory_space<vmem>>, %arg3: memref<128x128xf32, #tpu.memory_space<vmem>>, %arg4: memref<1x128xf32, #tpu.memory_space<vmem>>, %arg5: memref<1x128xf32, #tpu.memory_space<vmem>>, %arg6: memref<10240x128xf32, #tpu.memory_space<vmem>>, %arg7: memref<10240x128xf32, #tpu.memory_space<vmem>>, %arg8: memref<1x1xf32, #tpu.memory_space<vmem>>) attributes {dimension_semantics = [], scalar_prefetch = 0 : i64, scratch_operands = 0 : i64, tpu.core_type = #tpu.core_type<tc>} {
    %get3A = arith.constant 0 : index
    %get3A_0 = arith.constant 0 : index
    %get3A_1 = vector.load %arg1[%get3A, %get3A_0] : memref<10240x1xf32, #tpu.memory_space<vmem>>, vector<10240x1xf32>
    %max3A = arith.constant 1.000000e+00 : f32
    %max3A_2 = vector.broadcast %max3A : f32 to vector<10240x1xf32>
    %max3A_3 = arith.maximumf %get3A_1, %max3A_2 : vector<10240x1xf32>
    %rsqrt3A = math.rsqrt %max3A_3 : vector<10240x1xf32>
    %get3A_4 = arith.constant 0 : index
    %get3A_5 = arith.constant 0 : index
    %get3A_6 = arith.constant 0 : index
    %get3A_7 = vector.load %arg0[%get3A_4, %get3A_5, %get3A_6] : memref<2x10240x128xf32, #tpu.memory_space<vmem>>, vector<1x10240x128xf32>
    %get3A_8 = vector.shape_cast %get3A_7 : vector<1x10240x128xf32> to vector<10240x128xf32>
    %get3A_9 = arith.constant 1 : index
    %get3A_10 = arith.constant 0 : index
    %get3A_11 = arith.constant 0 : index
    %get3A_12 = vector.load %arg0[%get3A_9, %get3A_10, %get3A_11] : memref<2x10240x128xf32, #tpu.memory_space<vmem>>, vector<1x10240x128xf32>
    %get3A_13 = vector.shape_cast %get3A_12 : vector<1x10240x128xf32> to vector<10240x128xf32>
    %add3A = arith.addf %get3A_8, %get3A_13 : vector<10240x128xf32>
    %mul3A = vector.broadcast %rsqrt3A : vector<10240x1xf32> to vector<10240x128xf32>
    %mul3A_14 = arith.mulf %add3A, %mul3A : vector<10240x128xf32>
    %get3A_15 = arith.constant 0 : index
    %get3A_16 = arith.constant 0 : index
    %get3A_17 = vector.load %arg2[%get3A_15, %get3A_16] : memref<128x128xf32, #tpu.memory_space<vmem>>, vector<128x128xf32>
    %get3A_18 = arith.constant 0 : index
    %get3A_19 = arith.constant 0 : index
    %get3A_20 = vector.load %arg3[%get3A_18, %get3A_19] : memref<128x128xf32, #tpu.memory_space<vmem>>, vector<128x128xf32>
    %exp3A = math.exp %get3A_20 : vector<128x128xf32>
    %add3A_21 = arith.constant 1.000000e+00 : f32
    %add3A_22 = vector.broadcast %add3A_21 : f32 to vector<128x128xf32>
    %add3A_23 = arith.addf %add3A_22, %exp3A : vector<128x128xf32>
    %log3A = math.log %add3A_23 : vector<128x128xf32>
    %get3A_24 = arith.constant 0 : index
    %get3A_25 = arith.constant 0 : index
    %get3A_26 = vector.load %arg5[%get3A_24, %get3A_25] : memref<1x128xf32, #tpu.memory_space<vmem>>, vector<1x128xf32>
    %exp3A_27 = math.exp %get3A_26 : vector<1x128xf32>
    %add3A_28 = arith.constant 1.000000e+00 : f32
    %add3A_29 = vector.broadcast %add3A_28 : f32 to vector<1x128xf32>
    %add3A_30 = arith.addf %add3A_29, %exp3A_27 : vector<1x128xf32>
    %log3A_31 = math.log %add3A_30 : vector<1x128xf32>
    %dot_general3A = arith.constant dense<0.000000e+00> : vector<10240x128xf32>
    %dot_general3A_32 = tpu.matmul %mul3A_14, %get3A_17, %dot_general3A {dimension_numbers = #tpu.dot_dimension_numbers<[1], [1], [0], [0], [0, 0, 1, 0], [], []>, precision = #tpu.contract_precision<fp32>, transpose_lhs_hint = false} : vector<10240x128xf32>, vector<128x128xf32>, vector<10240x128xf32> -> vector<10240x128xf32>
    %get3A_33 = arith.constant 0 : index
    %get3A_34 = arith.constant 0 : index
    %get3A_35 = vector.load %arg4[%get3A_33, %get3A_34] : memref<1x128xf32, #tpu.memory_space<vmem>>, vector<1x128xf32>
    %add3A_36 = vector.broadcast %get3A_35 : vector<1x128xf32> to vector<10240x128xf32>
    %add3A_37 = arith.addf %dot_general3A_32, %add3A_36 : vector<10240x128xf32>
    %mul3A_38 = arith.mulf %mul3A_14, %mul3A_14 : vector<10240x128xf32>
    %mul3A_39 = arith.mulf %log3A, %log3A : vector<128x128xf32>
    %dot_general3A_40 = arith.constant dense<0.000000e+00> : vector<10240x128xf32>
    %dot_general3A_41 = tpu.matmul %mul3A_38, %mul3A_39, %dot_general3A_40 {dimension_numbers = #tpu.dot_dimension_numbers<[1], [1], [0], [0], [0, 0, 1, 0], [], []>, precision = #tpu.contract_precision<fp32>, transpose_lhs_hint = false} : vector<10240x128xf32>, vector<128x128xf32>, vector<10240x128xf32> -> vector<10240x128xf32>
    %add3A_42 = arith.constant 1.000000e-16 : f32
    %add3A_43 = vector.broadcast %add3A_42 : f32 to vector<10240x128xf32>
    %add3A_44 = arith.addf %add3A_43, %dot_general3A_41 : vector<10240x128xf32>
    %mul3A_45 = arith.mulf %log3A_31, %log3A_31 : vector<1x128xf32>
    %add3A_46 = vector.broadcast %mul3A_45 : vector<1x128xf32> to vector<10240x128xf32>
    %add3A_47 = arith.addf %add3A_44, %add3A_46 : vector<10240x128xf32>
    %sqrt3A = math.sqrt %add3A_47 : vector<10240x128xf32>
    %get3A_48 = arith.constant 0 : index
    %get3A_49 = arith.constant 0 : index
    %get3A_50 = vector.load %arg6[%get3A_48, %get3A_49] : memref<10240x128xf32, #tpu.memory_space<vmem>>, vector<10240x128xf32>
    %mul3A_51 = arith.mulf %sqrt3A, %get3A_50 : vector<10240x128xf32>
    %add3A_52 = arith.addf %add3A_37, %mul3A_51 : vector<10240x128xf32>
    %swap3A = arith.constant 0 : index
    %swap3A_53 = arith.constant 0 : index
    %swap3A_54 = vector.load %arg7[%swap3A, %swap3A_53] : memref<10240x128xf32, #tpu.memory_space<vmem>>, vector<10240x128xf32>
    tpu.vector_store %arg7[%swap3A, %swap3A_53], %add3A_52 {strides = array<i32>} : memref<10240x128xf32, #tpu.memory_space<vmem>>, vector<10240x128xf32>,
    %div3A = arith.constant 1.000000e-01 : f32
    %div3A_55 = vector.broadcast %div3A : f32 to vector<128x128xf32>
    %div3A_56 = arith.divf %div3A_55, %log3A : vector<128x128xf32>
    %log3A_57 = math.log %div3A_56 : vector<128x128xf32>
    %mul3A_58 = arith.constant 2.000000e+00 : f32
    %mul3A_59 = vector.broadcast %mul3A_58 : f32 to vector<128x128xf32>
    %mul3A_60 = arith.mulf %mul3A_59, %log3A_57 : vector<128x128xf32>
    %sub3A = arith.constant 1.000000e+00 : f32
    %sub3A_61 = vector.broadcast %sub3A : f32 to vector<128x128xf32>
    %sub3A_62 = arith.subf %mul3A_60, %sub3A_61 : vector<128x128xf32>
    %mul3A_63 = arith.constant 1.000000e+01 : f32
    %mul3A_64 = vector.broadcast %mul3A_63 : f32 to vector<128x128xf32>
    %mul3A_65 = arith.mulf %log3A, %mul3A_64 : vector<128x128xf32>
    %integer_pow3A = arith.mulf %mul3A_65, %mul3A_65 : vector<128x128xf32>
    %add3A_66 = arith.addf %sub3A_62, %integer_pow3A : vector<128x128xf32>
    %mul3A_67 = arith.constant 1.000000e+01 : f32
    %mul3A_68 = vector.broadcast %mul3A_67 : f32 to vector<128x128xf32>
    %mul3A_69 = arith.mulf %get3A_17, %mul3A_68 : vector<128x128xf32>
    %integer_pow3A_70 = arith.mulf %mul3A_69, %mul3A_69 : vector<128x128xf32>
    %add3A_71 = arith.addf %add3A_66, %integer_pow3A_70 : vector<128x128xf32>
    %mul3A_72 = arith.constant 5.000000e-01 : f32
    %mul3A_73 = vector.broadcast %mul3A_72 : f32 to vector<128x128xf32>
    %mul3A_74 = arith.mulf %mul3A_73, %add3A_71 : vector<128x128xf32>
    %div3A_75 = arith.constant 1.000000e-01 : f32
    %div3A_76 = vector.broadcast %div3A_75 : f32 to vector<1x128xf32>
    %div3A_77 = arith.divf %div3A_76, %log3A_31 : vector<1x128xf32>
    %log3A_78 = math.log %div3A_77 : vector<1x128xf32>
    %mul3A_79 = arith.constant 2.000000e+00 : f32
    %mul3A_80 = vector.broadcast %mul3A_79 : f32 to vector<1x128xf32>
    %mul3A_81 = arith.mulf %mul3A_80, %log3A_78 : vector<1x128xf32>
    %sub3A_82 = arith.constant 1.000000e+00 : f32
    %sub3A_83 = vector.broadcast %sub3A_82 : f32 to vector<1x128xf32>
    %sub3A_84 = arith.subf %mul3A_81, %sub3A_83 : vector<1x128xf32>
    %mul3A_85 = arith.constant 1.000000e+01 : f32
    %mul3A_86 = vector.broadcast %mul3A_85 : f32 to vector<1x128xf32>
    %mul3A_87 = arith.mulf %log3A_31, %mul3A_86 : vector<1x128xf32>
    %integer_pow3A_88 = arith.mulf %mul3A_87, %mul3A_87 : vector<1x128xf32>
    %add3A_89 = arith.addf %sub3A_84, %integer_pow3A_88 : vector<1x128xf32>
    %get3A_90 = arith.constant 0 : index
    %get3A_91 = arith.constant 0 : index
    %get3A_92 = vector.load %arg4[%get3A_90, %get3A_91] : memref<1x128xf32, #tpu.memory_space<vmem>>, vector<1x128xf32>
    %mul3A_93 = arith.constant 1.000000e+01 : f32
    %mul3A_94 = vector.broadcast %mul3A_93 : f32 to vector<1x128xf32>
    %mul3A_95 = arith.mulf %get3A_92, %mul3A_94 : vector<1x128xf32>
    %integer_pow3A_96 = arith.mulf %mul3A_95, %mul3A_95 : vector<1x128xf32>
    %add3A_97 = arith.addf %add3A_89, %integer_pow3A_96 : vector<1x128xf32>
    %mul3A_98 = arith.constant 5.000000e-01 : f32
    %mul3A_99 = vector.broadcast %mul3A_98 : f32 to vector<1x128xf32>
    %mul3A_100 = arith.mulf %mul3A_99, %add3A_97 : vector<1x128xf32>
    %reduce_sum3A = vector.shape_cast %mul3A_74 : vector<128x128xf32> to vector<1x128x128xf32>
    %reduce_sum3A_101 = arith.constant dense<0.000000e+00> : vector<1xf32>
    %reduce_sum3A_102 = vector.multi_reduction <add>, %reduce_sum3A, %reduce_sum3A_101 [1, 2] : vector<1x128x128xf32> to vector<1xf32>
    %reduce_sum3A_103 = vector.shape_cast %reduce_sum3A_102 : vector<1xf32> to vector<1x1x1xf32>
    %reduce_sum3A_104 = vector.extract %reduce_sum3A_103[0, 0, 0] : f32 from vector<1x1x1xf32>
    %reduce_sum3A_105 = vector.shape_cast %mul3A_100 : vector<1x128xf32> to vector<1x1x128xf32>
    %reduce_sum3A_106 = arith.constant dense<0.000000e+00> : vector<1xf32>
    %reduce_sum3A_107 = vector.multi_reduction <add>, %reduce_sum3A_105, %reduce_sum3A_106 [1, 2] : vector<1x1x128xf32> to vector<1xf32>
    %reduce_sum3A_108 = vector.shape_cast %reduce_sum3A_107 : vector<1xf32> to vector<1x1x1xf32>
    %reduce_sum3A_109 = vector.extract %reduce_sum3A_108[0, 0, 0] : f32 from vector<1x1x1xf32>
    %add3A_110 = arith.addf %reduce_sum3A_104, %reduce_sum3A_109 : f32
    %reshape3A = vector.broadcast %add3A_110 : f32 to vector<1x1xf32>
    %swap3A_111 = arith.constant 0 : index
    %swap3A_112 = arith.constant 0 : index
    %swap3A_113 = vector.load %arg8[%swap3A_111, %swap3A_112] : memref<1x1xf32, #tpu.memory_space<vmem>>, vector<1x1xf32>
    tpu.vector_store %arg8[%swap3A_111, %swap3A_112], %reshape3A {strides = array<i32>} : memref<1x1xf32, #tpu.memory_space<vmem>>, vector<1x1xf32>,
    return
  }
}

</mosaic_0001>

<sc_bundles>
// kernel: kernel.6.cloned.1.call-start
scs
__scs_entry_jumppad:
0x0: {  	(pc) =	sbr.rel $0x88, $3  }
0x1: {  	(tag) =	ssettag $0x0;
	lr =	simm.s32 $0x1  }
0x2: {  	[smem:$0x3F9B] =	sst lr;
	_ =	strace $0xD0000000  }
0x3: {  	_ = 	snop  }
0x4: {  	_ = 	snop  }
0x5: {  	_ = 	snop  }
0x6: {  	_ = 	snop  }
0x7: {  	_ = 	snop  }
__scs_overlays_trampoline_lowered:
0x8: {  	[smem:$0x3FAA] =	sst s0  }
0x9: {  	[smem:$0x3FAB] =	sst s1  }
0xa: {  	[smem:$0x3FAC] =	sst s2  }
0xb: {  	[smem:$0x3FAD] =	sst s3  }
0xc: {  	[smem:$0x3FAE] =	sst s4  }
0xd: {  	[smem:$0x3FAF] =	sst s5  }
0xe: {  	[smem:$0x3FB0] =	sst s6  }
0xf: {  	[smem:$0x3FB1] =	sst s7  }
0x10: {  	[smem:$0x3FB2] =	sst s8  }
0x11: {  	[smem:$0x3FB3] =	sst s9;
	s0 =	simm.s32 @!p0 $0x0  }
0x12: {  	s1 =	sld [smem:$0x3F99];
	s0 =	simm.s32 @p0 $0x1  }
0x13: {  	[smem:$0x3FB4] =	sst s0;
	s0 =	simm.s32 @!p1 $0x0  }
0x14: {  	s2 =	sld [smem:$0x3F98];
	s0 =	simm.s32 @p1 $0x1  }
0x15: {  	[smem:$0x3FB5] =	sst s0;
	s0 =	simm.s32 @!p2 $0x0  }
0x16: {  	s3 =	sld [smem:$0x3FDB];
	s0 =	simm.s32 @p2 $0x1  }
0x17: {  	s4 =	simm.s32 $0x1BF5;
	[smem:$0x3FB7] =	sst s0  }
0x18: {  	s0 =	sld [smem:$0x3F9A];
	_ =	swait.ge [sflag:s4], $0x0  }
0x19: {  	s7 =	sld [smem:$0x3F9B]  }
0x1a: {  	s8 =	sadd.s32 $0xFFFFE003, lr  }
0x1b: {  	s9 =	sadd.s32 $0xFFFFFEF7, lr;
	s5 =	simm.s32 $0xFFFFFFFF;
	p2 =	slt.u32 s8, $0xFFFFF086  }
0x1c: {  	p1 =	slt.u32 s9, $0xF7A;
	s5 =	simm.s32 @!p2 $0x0  }
0x1d: {  	s5 =	simm.s32 @p1 $0x1;
	p0 =	seq.s32 s7, s2  }
0x1e: {  	s7 =	smul.u32 @!p0 $0xF7A, s2;
	p2 =	seq.s32 @!p0 s5, $0x0  }
0x1f: {  	s9 =	smul.u32 $0xF7A, s1;
	s8 =	simm.s32 @!p0 $0x1BF5;
	p2 =	por !p2, p0  }
0x20: {  	[sflag:s8] =	ssyncset.s32 @!p0 $0xFFFFF086;
	s6 =	sadd.s32 @!p0 s3, s7;
	s7 =	simm.s32 @!p0 $0x108  }
0x21: {  	s3 =	sadd.s32 s3, s9;
	s6 =	sadd.s32 @!p0 $0x88, s6;
	s7 =	simm.s32 @p2 $0x1082  }
0x22: {  	[simem:s7], [sflag:s8] =	dma.local @!p0 [hbm:s6], $0xF7A  }
0x23: {  	s9 =	sor.u32 $0xD0000000, s2;
	s6 =	simm.s32 $0x108;
	_ =	swait.ge @!p0 [sflag:s8], $0x0  }
0x24: {  	s3 =	sadd.s32 $0x88, s3;
	s6 =	simm.s32 @!p1 $0x1082;
	[sflag:s4] =	ssyncset.s32 $0xFFFFF086  }
0x25: {  	[simem:s6], [sflag:s4] =	dma.local [hbm:s3], $0xF7A  }
0x26: {  	[smem:$0x3F9B] =	sst s1;
	(tag) =	ssettag s2;
	_ =	strace s9  }
0x27: {  	s1 =	sld [smem:$0x3FAB]  }
0x28: {  	s2 =	sld [smem:$0x3FAC]  }
0x29: {  	s4 =	sld [smem:$0x3FAE]  }
0x2a: {  	p0 =	seq.s32 s5, $0x0;
	s5 =	sld [smem:$0x3FAF]  }
0x2b: {  	s6 =	sld [smem:$0x3FB0]  }
0x2c: {  	s7 =	sld [smem:$0x3FB1]  }
0x2d: {  	s3 =	simm.s32 $0x108;
	s8 =	sld [smem:$0x3FB2]  }
0x2e: {  	s3 =	simm.s32 @!p0 $0x1082;
	s9 =	sld [smem:$0x3FB3]  }
0x2f: {  	lr =	sadd.s32 s0, s3;
	s0 =	sld [smem:$0x3FAA]  }
0x30: {  	s3 =	sld [smem:$0x3FAD]  }
0x31: {  	[smem:$0x3FB6] =	sst s10  }
0x32: {  	s10 =	sld [smem:$0x3FB4];
	_ =	sdelay $0x3  }
0x33: {  	p0 =	seq.s32 s10, $0x1;
	s10 =	sld [smem:$0x3FB6];
	_ =	sdelay $0x3  }
0x34: {  	[smem:$0x3FB6] =	sst s10  }
0x35: {  	s10 =	sld [smem:$0x3FB5];
	_ =	sdelay $0x3  }
0x36: {  	p1 =	seq.s32 s10, $0x1;
	s10 =	sld [smem:$0x3FB6];
	_ =	sdelay $0x3  }
0x37: {  	[smem:$0x3FB6] =	sst s10  }
0x38: {  	s10 =	sld [smem:$0x3FB7]  }
0x39: {  	_ = 	snop;
	(pc) =	sbr.ind lr, $3  }
0x3a: {  	_ = 	snop  }
0x3b: {  	_ = 	snop  }
0x3c: {  	p2 =	seq.s32 s10, $0x1;
	s10 =	sld [smem:$0x3FB6]  }
0x3d: {  	_ =	shalt  }
0x3e: {  	_ =	shalt  }
0x3f: {  	_ =	shalt  }
0x40: {  	_ =	shalt  }
0x41: {  	_ =	shalt  }
0x42: {  	_ =	shalt  }
0x43: {  	_ =	shalt  }
0x44: {  	_ =	shalt  }
0x45: {  	_ =	shalt  }
0x46: {  	_ =	shalt  }
0x47: {  	_ =	shalt  }
0x48: {  	_ =	shalt  }
0x49: {  	_ =	shalt  }
0x4a: {  	_ =	shalt  }
0x4b: {  	_ =	shalt  }
0x4c: {  	_ =	shalt  }
0x4d: {  	_ =	shalt  }
0x4e: {  	_ =	shalt  }
0x4f: {  	_ =	shalt  }
0x50: {  	_ =	shalt  }
0x51: {  	_ =	shalt  }
0x52: {  	_ =	shalt  }
0x53: {  	_ =	shalt  }
0x54: {  	_ =	shalt  }
0x55: {  	_ =	shalt  }
0x56: {  	_ =	shalt  }
0x57: {  	_ =	shalt  }
0x58: {  	_ =	shalt  }
0x59: {  	_ =	shalt  }
0x5a: {  	_ =	shalt  }
0x5b: {  	_ =	shalt  }
0x5c: {  	_ =	shalt  }
0x5d: {  	_ =	shalt  }
0x5e: {  	_ =	shalt  }
0x5f: {  	_ =	shalt  }
0x60: {  	_ =	shalt  }
0x61: {  	_ =	shalt  }
0x62: {  	_ =	shalt  }
0x63: {  	_ =	shalt  }
0x64: {  	_ =	shalt  }
0x65: {  	_ =	shalt  }
0x66: {  	_ =	shalt  }
0x67: {  	_ =	shalt  }
0x68: {  	_ =	shalt  }
0x69: {  	_ =	shalt  }
0x6a: {  	_ =	shalt  }
0x6b: {  	_ =	shalt  }
0x6c: {  	_ =	shalt  }
0x6d: {  	_ =	shalt  }
0x6e: {  	_ =	shalt  }
0x6f: {  	_ =	shalt  }
0x70: {  	_ =	shalt  }
0x71: {  	_ =	shalt  }
0x72: {  	_ =	shalt  }
0x73: {  	_ =	shalt  }
0x74: {  	_ =	shalt  }
0x75: {  	_ =	shalt  }
0x76: {  	_ =	shalt  }
0x77: {  	_ =	shalt  }
0x78: {  	_ =	shalt  }
0x79: {  	_ =	shalt  }
0x7a: {  	_ =	shalt  }
0x7b: {  	_ =	shalt  }
0x7c: {  	_ =	shalt  }
0x7d: {  	_ =	shalt  }
0x7e: {  	_ =	shalt  }
0x7f: {  	_ =	shalt  }
0x80: {  	_ =	shalt  }
0x81: {  	_ =	shalt  }
0x82: {  	_ =	shalt  }
0x83: {  	_ =	shalt  }
0x84: {  	_ =	shalt  }
0x85: {  	_ =	shalt  }
0x86: {  	_ =	shalt  }
0x87: {  	_ =	shalt  }
.Lfunc_end0:
.L_simem_size_0:
called_computation_lowered:
.L_overlay_start_0:
0x88: {  	s2 =	sld [smem:$0x3FD9]  }
0x89: {  	s3 =	sld [smem:$0x3FFE];
	_ =	sdelay $0x1  }
0x8a: {  	s1 =	srdreg.scid  }
0x8b: {  	s0 =	sand.u32 $0x1, s1  }
0x8c: {  	s16 =	sshll.u32 s0, $0xA;
	s2 =	sadd.s32 s3, s2  }
0x8d: {  	s2 =	sadd.s32 s2, s16  }
0x8e: {  	[smem:$0x3FC2] =	sst s2  }
0x8f: {  	_ = 	snop  }
0x90: {  	(tm) =	ssettm $0x1  }
0x91: {  	s17 =	sld [smem:$0x3FFB];
	_ =	sdelay $0x3  }
0x92: {  	_ =	strace s17  }
0x93: {  	s2 =	sld [smem:$0x3FFC];
	_ =	sdelay $0x3  }
0x94: {  	_ =	strace s2  }
0x95: {  	s2 =	sld [smem:$0x3FFD];
	_ =	sdelay $0x3  }
0x96: {  	_ =	strace s2  }
0x97: {  	_ =	strace $0x8FFFFFFF  }
0x98: {  	s18 =	sld [smem:$0x3FDB];
	_ =	sdelay $0x1  }
0x99: {  	s19 =	simm.s32 $_scs_section_size  }
0x9a: {  	s4 =	simm.s32 $_size__tile_overlayer_lowered;
	s5 =	simm.s32 $_tile_overlayer_lowered  }
0x9b: {  	s22 =	simm.s32 $0x1BFF;
	s21 =	sshll.u32 s5, $0x1;
	s2 =	sadd.s32 s19, s18  }
0x9c: {  	s6 =	simm.s32 $0x0;
	s20 =	sshll.u32 s4, $0x1;
	s4 =	sadd.s32 s21, s2  }
0x9d: {  	[timem:s6], [sflag:s22] =	dma.local [hbm:s4], s20  }
0x9e: {  	_ =	swait.ge [sflag:s22], s20  }
0x9f: {  	s3 =	ssub.s32 $0x0, s20;
	[sflag:s22] =	ssyncset.done $0x0  }
0xa0: {  	[sflag:s22] =	ssyncadd.s32 s3;
	_ =	sdelay $0x1  }
0xa1: {  	s23 =	simm.s32 $0x1B8B  }
0xa2: {  	_ =	swait.ge [sflag:s23], $0x1  }
0xa3: {  	[sflag:s23] =	ssyncset.done $0x0  }
0xa4: {  	s25 =	simm.s32 $0x1B8E;
	s24 =	sld [smem:$0x3FFE];
	[sflag:s23] =	ssyncadd.s32 $0xFFFFFFFF  }
0xa5: {  	s26 =	simm.s32 $execute0_lowered;
	[smem:$0x3FD2] =	sst s25  }
0xa6: {  	s4 =	sshll.u32 s26, $0x1;
	_ =	strace $0x80000046;
	[dreg:$0x1] =	wrdreg $0xFFFFFFFF  }
0xa7: {  	s28 =	simm.s32 $_size_execute0_lowered;
	s2 =	sadd.s32 s2, s4;
	[dreg:$0x0] =	wrdreg $0x0  }
0xa8: {  	s4 =	sshll.u32 s28, $0x1;
	[dreg:$0x2] =	wrdreg s2  }
0xa9: {  	[dreg:$0x3] =	wrdreg s4  }
0xaa: {  	[dreg:$0x4] =	wrdreg $0xC0  }
0xab: {  	_ =	task [dreg:s6], $0x5FFFF  }
0xac: {  	[dreg:$0x1] =	wrdreg $0xFFFFFFFF  }
0xad: {  	[dreg:$0x0] =	wrdreg $0x60  }
0xae: {  	[dreg:$0x2] =	wrdreg s24  }
0xaf: {  	[dreg:$0x3] =	wrdreg $0x8800  }
0xb0: {  	[dreg:$0x4] =	wrdreg $0x9  }
0xb1: {  	_ =	task.clear_ibuf [dreg:s6], $0x5FFFF;
	_ =	strace $0x90000046  }
0xb2: {  	s29 =	simm.s32 $0x9;
	_ =	strace $0x80000048  }
0xb3: {  	_ =	swait.ge [sflag:s29], $0x1  }
0xb4: {  	[sflag:s29] =	ssyncadd.s32 $0xFFFFFFFF  }
0xb5: {  	_ =	strace $0x90000048  }
0xb6: {  	_ =	sfence  }
0xb7: {  	s30 =	sld [smem:$0x0];
	_ =	sdelay $0x2  }
0xb8: {  	s31 =	sshll.u32 s1, $0xD;
	s1 =	sshrl.u32 s1, $0x2  }
0xb9: {  	s3 =	sand.u32 $0x4000, s31;
	s1 =	sadd.s32 s1, s30  }
0xba: {  	s0 =	sor.u32 s3, s0;
	s1 =	sshll.u32 s1, $0x11  }
0xbb: {  	s0 =	sor.u32 s1, s0  }
0xbc: {  	s0 =	sadd.s32 $0x8F2B, s0  }
0xbd: {  	[sflag:s0] =	ssyncadd.remote.s32 $0x1  }
0xbe: {  	_ =	sfence.sel $0xFFFF  }
0xbf: {  	[dreg:$0x0] =	wrdreg $0xFFFFFFFF;
	(pc) =	sbr.abs _section_cstart, $3  }
0xc0: {  	[dreg:$0x1] =	wrdreg $0xFFFFFFFF  }
0xc1: {  	_ =	task.clear_ibuf [dreg:s6], $0x2FFFF;
	_ =	strace $0x9FFFFFFF  }
0xc2: {  	(tm) =	ssettm $0x7FFFFFFF  }
0xc3: {  	_ =	shalt  }
tec
execute0_lowered:
.L_overlay_start_1:
0x0: {  	(tag) =	ssettag $0x1  }
0x1: {  	s4 =	rddreg [dreg:$0x0]  }
0x2: {  	s2 =	rddreg [dreg:$0x1];
	s3 =	simm.s32 $0x0;
	s1 =	stileid.u32  }
0x3: {  	s5 =	srdreg.scid;
	s29 =	simm.s32 $0x180;
	s30 =	simm.s32 $0x200  }
0x4: {  	s31 =	simm.s32 $0x280;
	s14 =	simm.s32 $0x300;
	s16 =	simm.s32 $0x380  }
0x5: {  	s15 =	simm.s32 $0x4;
	s17 =	simm.s32 $0x480;
	s18 =	simm.s32 $0x500  }
0x6: {  	s19 =	simm.s32 $0x580;
	s20 =	simm.s32 $0x600;
	s6 =	smul.u32 $0x280, s1  }
0x7: {  	s21 =	simm.s32 $0x680;
	[smem:$0x7FF] =	sst s3;
	s10 =	smul.u32 $0x14, s1  }
0x8: {  	s5 =	sand.u32 $0x1, s5;
	s8 =	sadd.s32 $0x1200, s4;
	s25 =	smul.u32 $0xA00, s1  }
0x9: {  	_ =	strace $0x80000047;
	s7 =	smul.u32 $0x2800, s5;
	[dreg:$0x5] =	wrdreg s29  }
0xa: {  	s28 =	sshll.u32 s1, $0x6;
	s12 =	smul.u32 $0xA, s5;
	[dreg:$0x6] =	wrdreg s30  }
0xb: {  	s11 =	ssub.s32 $0x2, s5;
	s26 =	smul.u32 $0x500, s5;
	[dreg:$0x7] =	wrdreg s31  }
0xc: {  	s5 =	sor.u32 $0x1C05, s28;
	[dreg:$0x8] =	wrdreg s14;
	s14 =	simm.s32 $0x3  }
0xd: {  	[dreg:$0x9] =	wrdreg s16;
	s16 =	simm.s32 $0x400;
	s9 =	sshrl.u32 s6, $0x3  }
0xe: {  	s13 =	sshrl.u32 s11, $0x1;
	s23 =	sadd.s32 s6, s2;
	s7 =	sadd.s32 s6, s7  }
0xf: {  	s9 =	sadd.s32 s9, s4;
	s11 =	ssub.s32 s11, s13;
	s22 =	sadd.s32 s12, s10  }
0x10: {  	s10 =	simm.s32 $0x80;
	s12 =	simm.s32 $0x1;
	s13 =	simm.s32 $0x2  }
0x11: {  	s7 =	sshrl.u32 s7, $0x3;
	s24 =	sshll.u32 s22, $0x7;
	s22 =	simm.s32 $0x700  }
0x12: {  	s7 =	sadd.s32 s7, s4;
	s4 =	sadd.s32 $0xB200, s9;
	s6 =	sadd.s32 s24, s8  }
0x13: {  	s8 =	sadd.s32 s25, s8;
	s9 =	simm.s32 $0x5;
	s6 =	sadd.s32 $0x80, s6  }
0x14: {  	s24 =	simm.s32 $0x0;
	s8 =	sadd.s32 s26, s8;
	[dreg:$0x3] =	wrdreg s6  }
0x15: {  	s6 =	sadd.s32 $0xB800, s7;
	s7 =	smax.u32 s11, $0x1;
	[dreg:$0x4] =	wrdreg s8  }
0x16: {  	v0 =	vimm.f32 $1.000000000e+00;
	s8 =	sshrl.u32 s23, $0x3;
	s11 =	simm.s32 $0x800;
	s23 =	simm.s32 $0x780  }
.LBB2_1:
0x17: {  	[spmem:s8], [sflag:s5] =	dma.local [hbm:s4], $0x50  }
0x18: {  	_ =	swait.ge [sflag:s9], $0x50  }
0x19: {  	[sflag:s9] =	ssyncset.done $0x0  }
0x1a: {  	[sflag:s9] =	ssyncadd.s32 $0xFFFFFFB0  }
0x1b: {  	[tilespmem:$0x800] =	vst v0  }
0x1c: {  	[tilespmem:$0x810] =	vst v0  }
0x1d: {  	[tilespmem:$0x820] =	vst v0  }
0x1e: {  	[tilespmem:$0x830] =	vst v0  }
0x1f: {  	[tilespmem:$0x840] =	vst v0  }
0x20: {  	[tilespmem:$0x850] =	vst v0  }
0x21: {  	[tilespmem:$0x860] =	vst v0  }
0x22: {  	[tilespmem:$0x870] =	vst v0  }
0x23: {  	[bflag:$0x0] =	sbarrier.arrive $0xFFFF  }
0x24: {  	s25 =	rddreg [dreg:$0x4]  }
0x25: {  	s25 =	sadd.s32 $0x0, s25  }
0x26: {  	[tilespmem:s3], [sflag:$0x5] =	stream.linear.gather [hbm4b:s25+s3], $0x400, $0x38;
	[tilespmem:$0xB00] =	vst v63  }
0x27: {  	p0 =	por $0x1, $0x1;
	_ =	swait.ge [sflag:s9], $0x400  }
0x28: {  	s26 =	simm.s32 @p0 $0x0;
	[sflag:s9] =	ssyncset.done $0x0  }
0x29: {  	s28 =	simm.s32 @p0 $0x800;
	s25 =	simm.s32 @p0 $0x80;
	[sflag:s9] =	ssyncadd.s32 $0xFFFFFC00  }
0x2a: {  	[spmem:s2] =	stream.indirect.scatter.add.f32 @p0 [tilespmem:s28], [sflag:$0x1], $0x1, s26, s25, $0xb8;
	[tilespmem:$0xB00] =	vst v63  }
0x2b: {  	_ = 	snop  }
0x2c: {  	[spmem:s2] =	stream.indirect.scatter.add.f32 @p0 [tilespmem:s28], [sflag:$0x2], $0x1, s25, s25, $0xb8;
	[tilespmem:$0xB00] =	vst v63  }
0x2d: {  	s29 =	simm.s32 @!p0 $0x1;
	s26 =	simm.s32 @p0 $0x100  }
0x2e: {  	[spmem:s2] =	stream.indirect.scatter.add.f32 @p0 [tilespmem:s28], [sflag:$0x3], $0x1, s26, s25, $0xb8;
	[tilespmem:$0xB00] =	vst v63  }
0x2f: {  	_ =	swait.ge @!p0 [sflag:s29], $0x80  }
0x30: {  	s25 =	simm.s32 @!p0 $0x800;
	s26 =	simm.s32 @!p0 $0x80;
	[sflag:s29] =	ssyncset.done @!p0 $0x0  }
0x31: {  	s28 =	simm.s32 @!p0 $0x0;
	[sflag:s29] =	ssyncadd.s32 @!p0 $0xFFFFFF80;
	s29 =	simm.s32 @!p0 $0x2  }
0x32: {  	[spmem:s2] =	stream.indirect.scatter.add.f32 @!p0 [tilespmem:s25], [sflag:$0x1], $0x1, s28, s26, $0xb8;
	[tilespmem:$0xB00] =	vst v63  }
0x33: {  	_ =	swait.ge @!p0 [sflag:s29], $0x80  }
0x34: {  	[sflag:s29] =	ssyncset.done @!p0 $0x0  }
0x35: {  	s28 =	simm.s32 @!p0 $0x3;
	[sflag:s29] =	ssyncadd.s32 @!p0 $0xFFFFFF80  }
0x36: {  	[spmem:s2] =	stream.indirect.scatter.add.f32 @!p0 [tilespmem:s25], [sflag:$0x2], $0x1, s26, s26, $0xb8;
	[tilespmem:$0xB00] =	vst v63  }
0x37: {  	_ =	swait.ge @!p0 [sflag:s28], $0x80  }
0x38: {  	[sflag:s28] =	ssyncset.done @!p0 $0x0  }
0x39: {  	s29 =	simm.s32 @!p0 $0x100;
	[sflag:s28] =	ssyncadd.s32 @!p0 $0xFFFFFF80;
	s28 =	simm.s32 @!p0 $0x4  }
0x3a: {  	[spmem:s2] =	stream.indirect.scatter.add.f32 @!p0 [tilespmem:s25], [sflag:$0x3], $0x1, s29, s26, $0xb8;
	[tilespmem:$0xB00] =	vst v63  }
0x3b: {  	_ =	swait.ge @!p0 [sflag:s28], $0x80  }
0x3c: {  	[sflag:s28] =	ssyncset.done @!p0 $0x0  }
0x3d: {  	s30 =	rddreg [dreg:$0x5];
	[sflag:s28] =	ssyncadd.s32 @!p0 $0xFFFFFF80  }
0x3e: {  	[spmem:s2] =	stream.indirect.scatter.add.f32 [tilespmem:s11], [sflag:$0x4], $0x1, s30, s10, $0xb8;
	[tilespmem:$0xB00] =	vst v63  }
0x3f: {  	_ =	swait.ge [sflag:s12], $0x80  }
0x40: {  	[sflag:s12] =	ssyncset.done $0x0  }
0x41: {  	s31 =	rddreg [dreg:$0x6];
	[sflag:s12] =	ssyncadd.s32 $0xFFFFFF80  }
0x42: {  	[spmem:s2] =	stream.indirect.scatter.add.f32 [tilespmem:s11], [sflag:$0x1], $0x1, s31, s10, $0xb8;
	[tilespmem:$0xB00] =	vst v63  }
0x43: {  	_ =	swait.ge [sflag:s13], $0x80  }
0x44: {  	[sflag:s13] =	ssyncset.done $0x0  }
0x45: {  	s0 =	rddreg [dreg:$0x7];
	[sflag:s13] =	ssyncadd.s32 $0xFFFFFF80  }
0x46: {  	[spmem:s2] =	stream.indirect.scatter.add.f32 [tilespmem:s11], [sflag:$0x2], $0x1, s0, s10, $0xb8;
	[tilespmem:$0xB00] =	vst v63  }
0x47: {  	_ =	swait.ge [sflag:s14], $0x80  }
0x48: {  	[sflag:s14] =	ssyncset.done $0x0  }
0x49: {  	s26 =	rddreg [dreg:$0x8];
	[sflag:s14] =	ssyncadd.s32 $0xFFFFFF80  }
0x4a: {  	[spmem:s2] =	stream.indirect.scatter.add.f32 [tilespmem:s11], [sflag:$0x3], $0x1, s26, s10, $0xb8;
	[tilespmem:$0xB00] =	vst v63  }
0x4b: {  	_ =	swait.ge [sflag:s15], $0x80  }
0x4c: {  	s28 =	rddreg [dreg:$0x9];
	[sflag:s15] =	ssyncset.done $0x0  }
0x4d: {  	s30 =	rddreg [dreg:$0x3];
	[sflag:s15] =	ssyncadd.s32 $0xFFFFFF80  }
0x4e: {  	[spmem:s2] =	stream.indirect.scatter.add.f32 [tilespmem:s11], [sflag:$0x4], $0x1, s28, s10, $0xb8;
	[tilespmem:$0xB00] =	vst v63  }
0x4f: {  	s31 =	sadd.s32 $0x0, s30  }
0x50: {  	[tilespmem:s16], [sflag:$0x5] =	stream.linear.gather [hbm4b:s31+s3], $0x400, $0x38;
	[tilespmem:$0xB00] =	vst v63  }
0x51: {  	_ =	swait.ge [sflag:s9], $0x400  }
0x52: {  	[sflag:s9] =	ssyncset.done $0x0  }
0x53: {  	[sflag:s9] =	ssyncadd.s32 $0xFFFFFC00  }
0x54: {  	_ =	swait.ge [sflag:s12], $0x80  }
0x55: {  	[sflag:s12] =	ssyncset.done $0x0  }
0x56: {  	[sflag:s12] =	ssyncadd.s32 $0xFFFFFF80  }
0x57: {  	[spmem:s2] =	stream.indirect.scatter.add.f32 [tilespmem:s11], [sflag:$0x1], $0x1, s16, s10, $0xb8;
	[tilespmem:$0xB00] =	vst v63  }
0x58: {  	_ =	swait.ge [sflag:s13], $0x80  }
0x59: {  	[sflag:s13] =	ssyncset.done $0x0  }
0x5a: {  	[sflag:s13] =	ssyncadd.s32 $0xFFFFFF80  }
0x5b: {  	[spmem:s2] =	stream.indirect.scatter.add.f32 [tilespmem:s11], [sflag:$0x2], $0x1, s17, s10, $0xb8;
	[tilespmem:$0xB00] =	vst v63  }
0x5c: {  	_ =	swait.ge [sflag:s14], $0x80  }
0x5d: {  	[sflag:s14] =	ssyncset.done $0x0  }
0x5e: {  	[sflag:s14] =	ssyncadd.s32 $0xFFFFFF80  }
0x5f: {  	[spmem:s2] =	stream.indirect.scatter.add.f32 [tilespmem:s11], [sflag:$0x3], $0x1, s18, s10, $0xb8;
	[tilespmem:$0xB00] =	vst v63  }
0x60: {  	_ =	swait.ge [sflag:s15], $0x80  }
0x61: {  	[sflag:s15] =	ssyncset.done $0x0  }
0x62: {  	[sflag:s15] =	ssyncadd.s32 $0xFFFFFF80  }
0x63: {  	[spmem:s2] =	stream.indirect.scatter.add.f32 [tilespmem:s11], [sflag:$0x4], $0x1, s19, s10, $0xb8;
	[tilespmem:$0xB00] =	vst v63  }
0x64: {  	_ =	swait.ge [sflag:s12], $0x80  }
0x65: {  	[sflag:s12] =	ssyncset.done $0x0  }
0x66: {  	[sflag:s12] =	ssyncadd.s32 $0xFFFFFF80  }
0x67: {  	[spmem:s2] =	stream.indirect.scatter.add.f32 [tilespmem:s11], [sflag:$0x1], $0x1, s20, s10, $0xb8;
	[tilespmem:$0xB00] =	vst v63  }
0x68: {  	_ =	swait.ge [sflag:s13], $0x80  }
0x69: {  	[sflag:s13] =	ssyncset.done $0x0  }
0x6a: {  	[sflag:s13] =	ssyncadd.s32 $0xFFFFFF80  }
0x6b: {  	[spmem:s2] =	stream.indirect.scatter.add.f32 [tilespmem:s11], [sflag:$0x2], $0x1, s21, s10, $0xb8;
	[tilespmem:$0xB00] =	vst v63  }
0x6c: {  	_ =	swait.ge [sflag:s14], $0x80  }
0x6d: {  	[sflag:s14] =	ssyncset.done $0x0  }
0x6e: {  	[sflag:s14] =	ssyncadd.s32 $0xFFFFFF80  }
0x6f: {  	[spmem:s2] =	stream.indirect.scatter.add.f32 [tilespmem:s11], [sflag:$0x3], $0x1, s22, s10, $0xb8;
	[tilespmem:$0xB00] =	vst v63  }
0x70: {  	s25 =	simm.s32 $0x100;
	_ =	swait.ge [sflag:s15], $0x80  }
0x71: {  	s26 =	simm.s32 $0x200;
	s29 =	rddreg [dreg:$0x4];
	[sflag:s15] =	ssyncset.done $0x0  }
.LBB2_2:
0x72: {  	[sflag:s15] =	ssyncadd.s32 $0xFFFFFF80  }
0x73: {  	[spmem:s2] =	stream.indirect.scatter.add.f32 [tilespmem:s11], [sflag:$0x4], $0x1, s23, s10, $0xb8;
	[tilespmem:$0xB00] =	vst v63  }
0x74: {  	s29 =	sadd.s32 s25, s29  }
0x75: {  	[tilespmem:s3], [sflag:$0x5] =	stream.linear.gather [hbm4b:s29+s3], $0x400, $0x38;
	[tilespmem:$0xB00] =	vst v63  }
0x76: {  	p1 =	seq.s32 s25, $0x0;
	_ =	swait.ge [sflag:s9], $0x400  }
0x77: {  	s30 =	simm.s32 @p1 $0x0;
	[sflag:s9] =	ssyncset.done $0x0  }
0x78: {  	s31 =	simm.s32 @p1 $0x800;
	s29 =	simm.s32 @p1 $0x80;
	[sflag:s9] =	ssyncadd.s32 $0xFFFFFC00  }
0x79: {  	[spmem:s2] =	stream.indirect.scatter.add.f32 @p1 [tilespmem:s31], [sflag:$0x1], $0x1, s30, s29, $0xb8;
	[tilespmem:$0xB00] =	vst v63  }
0x7a: {  	_ = 	snop  }
0x7b: {  	[spmem:s2] =	stream.indirect.scatter.add.f32 @p1 [tilespmem:s31], [sflag:$0x2], $0x1, s29, s29, $0xb8;
	[tilespmem:$0xB00] =	vst v63  }
0x7c: {  	s0 =	simm.s32 @!p1 $0x1;
	s30 =	simm.s32 @p1 $0x100  }
0x7d: {  	[spmem:s2] =	stream.indirect.scatter.add.f32 @p1 [tilespmem:s31], [sflag:$0x3], $0x1, s30, s29, $0xb8;
	[tilespmem:$0xB00] =	vst v63  }
0x7e: {  	_ =	swait.ge @!p1 [sflag:s0], $0x80  }
0x7f: {  	s29 =	simm.s32 @!p1 $0x800;
	s30 =	simm.s32 @!p1 $0x80;
	[sflag:s0] =	ssyncset.done @!p1 $0x0  }
0x80: {  	s31 =	simm.s32 @!p1 $0x0;
	[sflag:s0] =	ssyncadd.s32 @!p1 $0xFFFFFF80;
	s0 =	simm.s32 @!p1 $0x2  }
0x81: {  	[spmem:s2] =	stream.indirect.scatter.add.f32 @!p1 [tilespmem:s29], [sflag:$0x1], $0x1, s31, s30, $0xb8;
	[tilespmem:$0xB00] =	vst v63  }
0x82: {  	_ =	swait.ge @!p1 [sflag:s0], $0x80  }
0x83: {  	[sflag:s0] =	ssyncset.done @!p1 $0x0  }
0x84: {  	[sflag:s0] =	ssyncadd.s32 @!p1 $0xFFFFFF80;
	s0 =	simm.s32 @!p1 $0x3  }
0x85: {  	[spmem:s2] =	stream.indirect.scatter.add.f32 @!p1 [tilespmem:s29], [sflag:$0x2], $0x1, s30, s30, $0xb8;
	[tilespmem:$0xB00] =	vst v63  }
0x86: {  	_ =	swait.ge @!p1 [sflag:s0], $0x80  }
0x87: {  	[sflag:s0] =	ssyncset.done @!p1 $0x0  }
0x88: {  	s31 =	simm.s32 @!p1 $0x100;
	[sflag:s0] =	ssyncadd.s32 @!p1 $0xFFFFFF80;
	s0 =	simm.s32 @!p1 $0x4  }
0x89: {  	[spmem:s2] =	stream.indirect.scatter.add.f32 @!p1 [tilespmem:s29], [sflag:$0x3], $0x1, s31, s30, $0xb8;
	[tilespmem:$0xB00] =	vst v63  }
0x8a: {  	_ =	swait.ge @!p1 [sflag:s0], $0x80  }
0x8b: {  	[sflag:s0] =	ssyncset.done @!p1 $0x0  }
0x8c: {  	s29 =	rddreg [dreg:$0x5];
	[sflag:s0] =	ssyncadd.s32 @!p1 $0xFFFFFF80  }
0x8d: {  	[spmem:s2] =	stream.indirect.scatter.add.f32 [tilespmem:s11], [sflag:$0x4], $0x1, s29, s10, $0xb8;
	[tilespmem:$0xB00] =	vst v63  }
0x8e: {  	_ =	swait.ge [sflag:s12], $0x80  }
0x8f: {  	[sflag:s12] =	ssyncset.done $0x0  }
0x90: {  	s31 =	rddreg [dreg:$0x6];
	[sflag:s12] =	ssyncadd.s32 $0xFFFFFF80  }
0x91: {  	[spmem:s2] =	stream.indirect.scatter.add.f32 [tilespmem:s11], [sflag:$0x1], $0x1, s31, s10, $0xb8;
	[tilespmem:$0xB00] =	vst v63  }
0x92: {  	_ =	swait.ge [sflag:s13], $0x80  }
0x93: {  	[sflag:s13] =	ssyncset.done $0x0  }
0x94: {  	s30 =	rddreg [dreg:$0x7];
	[sflag:s13] =	ssyncadd.s32 $0xFFFFFF80  }
0x95: {  	[spmem:s2] =	stream.indirect.scatter.add.f32 [tilespmem:s11], [sflag:$0x2], $0x1, s30, s10, $0xb8;
	[tilespmem:$0xB00] =	vst v63  }
0x96: {  	_ =	swait.ge [sflag:s14], $0x80  }
0x97: {  	[sflag:s14] =	ssyncset.done $0x0  }
0x98: {  	s31 =	rddreg [dreg:$0x8];
	[sflag:s14] =	ssyncadd.s32 $0xFFFFFF80  }
0x99: {  	[spmem:s2] =	stream.indirect.scatter.add.f32 [tilespmem:s11], [sflag:$0x3], $0x1, s31, s10, $0xb8;
	[tilespmem:$0xB00] =	vst v63  }
0x9a: {  	_ =	swait.ge [sflag:s15], $0x80  }
0x9b: {  	[sflag:s15] =	ssyncset.done $0x0;
	s30 =	rddreg [dreg:$0x9]  }
0x9c: {  	s29 =	rddreg [dreg:$0x3];
	[sflag:s15] =	ssyncadd.s32 $0xFFFFFF80  }
0x9d: {  	[spmem:s2] =	stream.indirect.scatter.add.f32 [tilespmem:s11], [sflag:$0x4], $0x1, s30, s10, $0xb8;
	[tilespmem:$0xB00] =	vst v63  }
0x9e: {  	s31 =	sadd.s32 s25, s29  }
0x9f: {  	[tilespmem:s16], [sflag:$0x5] =	stream.linear.gather [hbm4b:s31+s3], $0x400, $0x38;
	[tilespmem:$0xB00] =	vst v63  }
0xa0: {  	_ =	swait.ge [sflag:s9], $0x400  }
0xa1: {  	[sflag:s9] =	ssyncset.done $0x0  }
0xa2: {  	[sflag:s9] =	ssyncadd.s32 $0xFFFFFC00  }
0xa3: {  	_ =	swait.ge [sflag:s12], $0x80  }
0xa4: {  	[sflag:s12] =	ssyncset.done $0x0  }
0xa5: {  	[sflag:s12] =	ssyncadd.s32 $0xFFFFFF80  }
0xa6: {  	[spmem:s2] =	stream.indirect.scatter.add.f32 [tilespmem:s11], [sflag:$0x1], $0x1, s16, s10, $0xb8;
	[tilespmem:$0xB00] =	vst v63  }
0xa7: {  	_ =	swait.ge [sflag:s13], $0x80  }
0xa8: {  	[sflag:s13] =	ssyncset.done $0x0  }
0xa9: {  	[sflag:s13] =	ssyncadd.s32 $0xFFFFFF80  }
0xaa: {  	[spmem:s2] =	stream.indirect.scatter.add.f32 [tilespmem:s11], [sflag:$0x2], $0x1, s17, s10, $0xb8;
	[tilespmem:$0xB00] =	vst v63  }
0xab: {  	_ =	swait.ge [sflag:s14], $0x80  }
0xac: {  	[sflag:s14] =	ssyncset.done $0x0  }
0xad: {  	[sflag:s14] =	ssyncadd.s32 $0xFFFFFF80  }
0xae: {  	[spmem:s2] =	stream.indirect.scatter.add.f32 [tilespmem:s11], [sflag:$0x3], $0x1, s18, s10, $0xb8;
	[tilespmem:$0xB00] =	vst v63  }
0xaf: {  	_ =	swait.ge [sflag:s15], $0x80  }
0xb0: {  	[sflag:s15] =	ssyncset.done $0x0  }
0xb1: {  	[sflag:s15] =	ssyncadd.s32 $0xFFFFFF80  }
0xb2: {  	[spmem:s2] =	stream.indirect.scatter.add.f32 [tilespmem:s11], [sflag:$0x4], $0x1, s19, s10, $0xb8;
	[tilespmem:$0xB00] =	vst v63  }
0xb3: {  	_ =	swait.ge [sflag:s12], $0x80  }
0xb4: {  	[sflag:s12] =	ssyncset.done $0x0  }
0xb5: {  	[sflag:s12] =	ssyncadd.s32 $0xFFFFFF80  }
0xb6: {  	[spmem:s2] =	stream.indirect.scatter.add.f32 [tilespmem:s11], [sflag:$0x1], $0x1, s20, s10, $0xb8;
	[tilespmem:$0xB00] =	vst v63  }
0xb7: {  	_ =	swait.ge [sflag:s13], $0x80  }
0xb8: {  	[sflag:s13] =	ssyncset.done $0x0  }
0xb9: {  	s28 =	smov.u32 s26;
	s26 =	sadd.s32 $0x100, s26;
	[sflag:s13] =	ssyncadd.s32 $0xFFFFFF80  }
0xba: {  	[spmem:s2] =	stream.indirect.scatter.add.f32 [tilespmem:s11], [sflag:$0x2], $0x1, s21, s10, $0xb8;
	[tilespmem:$0xB00] =	vst v63  }
0xbb: {  	p0 =	sne.s32 s26, $0x500;
	_ =	swait.ge [sflag:s14], $0x80  }
.Ltmp0:
0xbc: {  	[sflag:s14] =	ssyncset.done $0x0;
	(pc) =	sbr.rel @p0 .LBB2_2-.Ltmp0, $4  }
0xbd: {  	[sflag:s14] =	ssyncadd.s32 $0xFFFFFF80  }
0xbe: {  	[spmem:s2] =	stream.indirect.scatter.add.f32 [tilespmem:s11], [sflag:$0x3], $0x1, s22, s10, $0xb8;
	[tilespmem:$0xB00] =	vst v63  }
0xbf: {  	_ =	swait.ge [sflag:s15], $0x80  }
0xc0: {  	s25 =	smov.u32 s28;
	s29 =	rddreg [dreg:$0x4];
	[sflag:s15] =	ssyncset.done $0x0  }
0xc1: {  	[sflag:s15] =	ssyncadd.s32 $0xFFFFFF80  }
0xc2: {  	[spmem:s2] =	stream.indirect.scatter.add.f32 [tilespmem:s11], [sflag:$0x4], $0x1, s23, s10, $0xb8;
	[tilespmem:$0xB00] =	vst v63  }
0xc3: {  	s0 =	sadd.s32 s25, s29  }
0xc4: {  	[tilespmem:s3], [sflag:$0x5] =	stream.linear.gather [hbm4b:s0+s3], $0x400, $0x38;
	[tilespmem:$0xB00] =	vst v63  }
0xc5: {  	p0 =	seq.s32 s25, $0x0;
	_ =	swait.ge [sflag:s9], $0x400  }
0xc6: {  	s26 =	simm.s32 @p0 $0x0;
	[sflag:s9] =	ssyncset.done $0x0  }
0xc7: {  	s28 =	simm.s32 @p0 $0x800;
	s0 =	simm.s32 @p0 $0x80;
	[sflag:s9] =	ssyncadd.s32 $0xFFFFFC00  }
0xc8: {  	[spmem:s2] =	stream.indirect.scatter.add.f32 @p0 [tilespmem:s28], [sflag:$0x1], $0x1, s26, s0, $0xb8;
	[tilespmem:$0xB00] =	vst v63  }
0xc9: {  	_ = 	snop  }
0xca: {  	[spmem:s2] =	stream.indirect.scatter.add.f32 @p0 [tilespmem:s28], [sflag:$0x2], $0x1, s0, s0, $0xb8;
	[tilespmem:$0xB00] =	vst v63  }
0xcb: {  	s26 =	simm.s32 @p0 $0x100  }
0xcc: {  	[spmem:s2] =	stream.indirect.scatter.add.f32 @p0 [tilespmem:s28], [sflag:$0x3], $0x1, s26, s0, $0xb8;
	[tilespmem:$0xB00] =	vst v63  }
0xcd: {  	s0 =	simm.s32 @!p0 $0x1  }
0xce: {  	_ =	swait.ge @!p0 [sflag:s0], $0x80  }
0xcf: {  	s26 =	simm.s32 @!p0 $0x800;
	[sflag:s0] =	ssyncset.done @!p0 $0x0  }
0xd0: {  	s28 =	simm.s32 @!p0 $0x80;
	[sflag:s0] =	ssyncadd.s32 @!p0 $0xFFFFFF80;
	s0 =	simm.s32 @!p0 $0x0  }
0xd1: {  	[spmem:s2] =	stream.indirect.scatter.add.f32 @!p0 [tilespmem:s26], [sflag:$0x1], $0x1, s0, s28, $0xb8;
	[tilespmem:$0xB00] =	vst v63  }
0xd2: {  	s0 =	simm.s32 @!p0 $0x2  }
0xd3: {  	_ =	swait.ge @!p0 [sflag:s0], $0x80  }
0xd4: {  	[sflag:s0] =	ssyncset.done @!p0 $0x0  }
0xd5: {  	[sflag:s0] =	ssyncadd.s32 @!p0 $0xFFFFFF80;
	s0 =	simm.s32 @!p0 $0x3  }
0xd6: {  	[spmem:s2] =	stream.indirect.scatter.add.f32 @!p0 [tilespmem:s26], [sflag:$0x2], $0x1, s28, s28, $0xb8;
	[tilespmem:$0xB00] =	vst v63  }
0xd7: {  	_ =	swait.ge @!p0 [sflag:s0], $0x80  }
0xd8: {  	[sflag:s0] =	ssyncset.done @!p0 $0x0  }
0xd9: {  	[sflag:s0] =	ssyncadd.s32 @!p0 $0xFFFFFF80;
	s0 =	simm.s32 @!p0 $0x100  }
0xda: {  	[spmem:s2] =	stream.indirect.scatter.add.f32 @!p0 [tilespmem:s26], [sflag:$0x3], $0x1, s0, s28, $0xb8;
	[tilespmem:$0xB00] =	vst v63  }
0xdb: {  	s0 =	simm.s32 @!p0 $0x4  }
0xdc: {  	_ =	swait.ge @!p0 [sflag:s0], $0x80  }
0xdd: {  	[sflag:s0] =	ssyncset.done @!p0 $0x0  }
0xde: {  	s30 =	rddreg [dreg:$0x5];
	[sflag:s0] =	ssyncadd.s32 @!p0 $0xFFFFFF80  }
0xdf: {  	[spmem:s2] =	stream.indirect.scatter.add.f32 [tilespmem:s11], [sflag:$0x4], $0x1, s30, s10, $0xb8;
	[tilespmem:$0xB00] =	vst v63  }
0xe0: {  	_ =	swait.ge [sflag:s12], $0x80  }
0xe1: {  	[sflag:s12] =	ssyncset.done $0x0  }
0xe2: {  	s31 =	rddreg [dreg:$0x6];
	[sflag:s12] =	ssyncadd.s32 $0xFFFFFF80  }
0xe3: {  	[spmem:s2] =	stream.indirect.scatter.add.f32 [tilespmem:s11], [sflag:$0x1], $0x1, s31, s10, $0xb8;
	[tilespmem:$0xB00] =	vst v63  }
0xe4: {  	_ =	swait.ge [sflag:s13], $0x80  }
0xe5: {  	[sflag:s13] =	ssyncset.done $0x0  }
0xe6: {  	s26 =	rddreg [dreg:$0x7];
	[sflag:s13] =	ssyncadd.s32 $0xFFFFFF80  }
0xe7: {  	[spmem:s2] =	stream.indirect.scatter.add.f32 [tilespmem:s11], [sflag:$0x2], $0x1, s26, s10, $0xb8;
	[tilespmem:$0xB00] =	vst v63  }
0xe8: {  	_ =	swait.ge [sflag:s14], $0x80  }
0xe9: {  	[sflag:s14] =	ssyncset.done $0x0  }
0xea: {  	s28 =	rddreg [dreg:$0x8];
	[sflag:s14] =	ssyncadd.s32 $0xFFFFFF80  }
0xeb: {  	[spmem:s2] =	stream.indirect.scatter.add.f32 [tilespmem:s11], [sflag:$0x3], $0x1, s28, s10, $0xb8;
	[tilespmem:$0xB00] =	vst v63  }
0xec: {  	_ =	swait.ge [sflag:s15], $0x80  }
0xed: {  	s29 =	rddreg [dreg:$0x9];
	[sflag:s15] =	ssyncset.done $0x0  }
0xee: {  	s30 =	rddreg [dreg:$0x3];
	[sflag:s15] =	ssyncadd.s32 $0xFFFFFF80  }
0xef: {  	[spmem:s2] =	stream.indirect.scatter.add.f32 [tilespmem:s11], [sflag:$0x4], $0x1, s29, s10, $0xb8;
	[tilespmem:$0xB00] =	vst v63  }
0xf0: {  	s31 =	sadd.s32 s25, s30  }
0xf1: {  	[tilespmem:s16], [sflag:$0x5] =	stream.linear.gather [hbm4b:s31+s3], $0x400, $0x38;
	[tilespmem:$0xB00] =	vst v63  }
0xf2: {  	_ =	swait.ge [sflag:s9], $0x400  }
0xf3: {  	[sflag:s9] =	ssyncset.done $0x0  }
0xf4: {  	[sflag:s9] =	ssyncadd.s32 $0xFFFFFC00  }
0xf5: {  	_ =	swait.ge [sflag:s12], $0x80  }
0xf6: {  	[sflag:s12] =	ssyncset.done $0x0  }
0xf7: {  	[sflag:s12] =	ssyncadd.s32 $0xFFFFFF80  }
0xf8: {  	[spmem:s2] =	stream.indirect.scatter.add.f32 [tilespmem:s11], [sflag:$0x1], $0x1, s16, s10, $0xb8;
	[tilespmem:$0xB00] =	vst v63  }
0xf9: {  	_ =	swait.ge [sflag:s13], $0x80  }
0xfa: {  	[sflag:s13] =	ssyncset.done $0x0  }
0xfb: {  	[sflag:s13] =	ssyncadd.s32 $0xFFFFFF80  }
0xfc: {  	[spmem:s2] =	stream.indirect.scatter.add.f32 [tilespmem:s11], [sflag:$0x2], $0x1, s17, s10, $0xb8;
	[tilespmem:$0xB00] =	vst v63  }
0xfd: {  	_ =	swait.ge [sflag:s14], $0x80  }
0xfe: {  	[sflag:s14] =	ssyncset.done $0x0  }
0xff: {  	[sflag:s14] =	ssyncadd.s32 $0xFFFFFF80  }
0x100: {  	[spmem:s2] =	stream.indirect.scatter.add.f32 [tilespmem:s11], [sflag:$0x3], $0x1, s18, s10, $0xb8;
	[tilespmem:$0xB00] =	vst v63  }
0x101: {  	_ =	swait.ge [sflag:s15], $0x80  }
0x102: {  	[sflag:s15] =	ssyncset.done $0x0  }
0x103: {  	[sflag:s15] =	ssyncadd.s32 $0xFFFFFF80  }
0x104: {  	[spmem:s2] =	stream.indirect.scatter.add.f32 [tilespmem:s11], [sflag:$0x4], $0x1, s19, s10, $0xb8;
	[tilespmem:$0xB00] =	vst v63  }
0x105: {  	_ =	swait.ge [sflag:s12], $0x80  }
0x106: {  	[sflag:s12] =	ssyncset.done $0x0  }
0x107: {  	[sflag:s12] =	ssyncadd.s32 $0xFFFFFF80  }
0x108: {  	[spmem:s2] =	stream.indirect.scatter.add.f32 [tilespmem:s11], [sflag:$0x1], $0x1, s20, s10, $0xb8;
	[tilespmem:$0xB00] =	vst v63  }
0x109: {  	_ =	swait.ge [sflag:s13], $0x80  }
0x10a: {  	[sflag:s13] =	ssyncset.done $0x0  }
0x10b: {  	[sflag:s13] =	ssyncadd.s32 $0xFFFFFF80  }
0x10c: {  	[spmem:s2] =	stream.indirect.scatter.add.f32 [tilespmem:s11], [sflag:$0x2], $0x1, s21, s10, $0xb8;
	[tilespmem:$0xB00] =	vst v63  }
0x10d: {  	_ =	swait.ge [sflag:s14], $0x80  }
0x10e: {  	[sflag:s14] =	ssyncset.done $0x0  }
0x10f: {  	[sflag:s14] =	ssyncadd.s32 $0xFFFFFF80  }
0x110: {  	[spmem:s2] =	stream.indirect.scatter.add.f32 [tilespmem:s11], [sflag:$0x3], $0x1, s22, s10, $0xb8;
	[tilespmem:$0xB00] =	vst v63  }
0x111: {  	_ =	swait.ge [sflag:s15], $0x80  }
0x112: {  	[sflag:s15] =	ssyncset.done $0x0  }
0x113: {  	[sflag:s15] =	ssyncadd.s32 $0xFFFFFF80  }
0x114: {  	[spmem:s2] =	stream.indirect.scatter.add.f32 [tilespmem:s11], [sflag:$0x4], $0x1, s23, s10, $0xb8;
	[tilespmem:$0xB00] =	vst v63  }
0x115: {  	_ =	swait.ge [sflag:s12], $0x80  }
0x116: {  	[sflag:s12] =	ssyncset.done $0x0  }
0x117: {  	[sflag:s12] =	ssyncadd.s32 $0xFFFFFF80  }
0x118: {  	_ =	swait.ge [sflag:s13], $0x80  }
0x119: {  	[sflag:s13] =	ssyncset.done $0x0  }
0x11a: {  	[sflag:s13] =	ssyncadd.s32 $0xFFFFFF80  }
0x11b: {  	_ =	swait.ge [sflag:s14], $0x80  }
0x11c: {  	[sflag:s14] =	ssyncset.done $0x0  }
0x11d: {  	[sflag:s14] =	ssyncadd.s32 $0xFFFFFF80  }
0x11e: {  	_ =	swait.ge [sflag:s15], $0x80  }
0x11f: {  	s24 =	sadd.s32 $0x1, s24;
	[sflag:s15] =	ssyncset.done $0x0  }
0x120: {  	p0 =	sne.s32 s24, s7;
	[sflag:s15] =	ssyncadd.s32 $0xFFFFFF80  }
.Ltmp1:
0x121: {  	[bflag:$0x0] =	sbarrier.arrive $0xFFFF;
	(pc) =	sbr.rel @p0 .LBB2_1-.Ltmp1, $4  }
0x122: {  	[hbm:s6], [sflag:s5] =	dma.local [spmem:s8], $0x50  }
0x123: {  	_ =	swait.ge [sflag:s9], $0x50  }
0x124: {  	[sflag:s9] =	ssyncset.done $0x0  }
0x125: {  	[sflag:s9] =	ssyncadd.s32 $0xFFFFFFB0  }
0x126: {  	_ =	sfence.sel $0x180000  }
0x127: {  	[bflag:$0x0] =	sbarrier.arrive $0xFFFF  }
0x128: {  	_ =	strace $0x90000047  }
0x129: {  	[bflag:$0x2] =	sbarrier.arrive $0xFFFF  }
0x12a: {  	p0 =	sne.s32 s1, $0x0;
	s0 =	rddreg [dreg:$0x2]  }
0x12b: {  	s0 =	sadd.s32 @!p0 $0x100000, s0  }
0x12c: {  	[sflag:s0] =	ssyncadd.tile.s32 @!p0 $0x1;
	_ =	shalt  }
.Lfunc_end2:
_tile_overlayer_lowered:
.L_overlay_start_2:
0x12d: {  	(tag) =	ssettag $0x2  }
0x12e: {  	s0 =	rddreg [dreg:$0x0];
	s2 =	stileid.u32  }
0x12f: {  	s1 =	rddreg [dreg:$0x1];
	p0 =	sne.s32 s2, $0x0  }
0x130: {  	s3 =	rddreg [dreg:$0x2];
	[bflag:$0x3] =	sbarrier.arrive $0xFFFF;
	s2 =	simm.s32 @!p0 $0x1C05  }
0x131: {  	[timem:s3], [sflag:s2] =	dma.local @!p0 [hbm:s0], s1  }
0x132: {  	s0 =	simm.s32 @!p0 $0x5  }
0x133: {  	_ =	swait.ge @!p0 [sflag:s0], s1  }
0x134: {  	s1 =	ssub.s32 @!p0 $0x0, s1;
	[sflag:s0] =	ssyncset.done @!p0 $0x0  }
0x135: {  	[sflag:s0] =	ssyncadd.s32 @!p0 s1  }
0x136: {  	[bflag:$0x3] =	sbarrier.arrive $0xFFFF  }
0x137: {  	_ =	shalt  }

// kernel: kernel.9.cloned.1.call-start
scs
__scs_entry_jumppad:
0x0: {  	(pc) =	sbr.rel $0x88, $3  }
0x1: {  	(tag) =	ssettag $0x0;
	lr =	simm.s32 $0x1  }
0x2: {  	[smem:$0x3F9B] =	sst lr;
	_ =	strace $0xD0000000  }
0x3: {  	_ = 	snop  }
0x4: {  	_ = 	snop  }
0x5: {  	_ = 	snop  }
0x6: {  	_ = 	snop  }
0x7: {  	_ = 	snop  }
__scs_overlays_trampoline_lowered:
0x8: {  	[smem:$0x3FAA] =	sst s0  }
0x9: {  	[smem:$0x3FAB] =	sst s1  }
0xa: {  	[smem:$0x3FAC] =	sst s2  }
0xb: {  	[smem:$0x3FAD] =	sst s3  }
0xc: {  	[smem:$0x3FAE] =	sst s4  }
0xd: {  	[smem:$0x3FAF] =	sst s5  }
0xe: {  	[smem:$0x3FB0] =	sst s6  }
0xf: {  	[smem:$0x3FB1] =	sst s7  }
0x10: {  	[smem:$0x3FB2] =	sst s8  }
0x11: {  	[smem:$0x3FB3] =	sst s9;
	s0 =	simm.s32 @!p0 $0x0  }
0x12: {  	s1 =	sld [smem:$0x3F99];
	s0 =	simm.s32 @p0 $0x1  }
0x13: {  	[smem:$0x3FB4] =	sst s0;
	s0 =	simm.s32 @!p1 $0x0  }
0x14: {  	s2 =	sld [smem:$0x3F98];
	s0 =	simm.s32 @p1 $0x1  }
0x15: {  	[smem:$0x3FB5] =	sst s0;
	s0 =	simm.s32 @!p2 $0x0  }
0x16: {  	s3 =	sld [smem:$0x3FDB];
	s0 =	simm.s32 @p2 $0x1  }
0x17: {  	s4 =	simm.s32 $0x1BF5;
	[smem:$0x3FB7] =	sst s0  }
0x18: {  	s0 =	sld [smem:$0x3F9A];
	_ =	swait.ge [sflag:s4], $0x0  }
0x19: {  	s7 =	sld [smem:$0x3F9B]  }
0x1a: {  	s8 =	sadd.s32 $0xFFFFE003, lr  }
0x1b: {  	s9 =	sadd.s32 $0xFFFFFEF7, lr;
	s5 =	simm.s32 $0xFFFFFFFF;
	p2 =	slt.u32 s8, $0xFFFFF086  }
0x1c: {  	p1 =	slt.u32 s9, $0xF7A;
	s5 =	simm.s32 @!p2 $0x0  }
0x1d: {  	s5 =	simm.s32 @p1 $0x1;
	p0 =	seq.s32 s7, s2  }
0x1e: {  	s7 =	smul.u32 @!p0 $0xF7A, s2;
	p2 =	seq.s32 @!p0 s5, $0x0  }
0x1f: {  	s9 =	smul.u32 $0xF7A, s1;
	s8 =	simm.s32 @!p0 $0x1BF5;
	p2 =	por !p2, p0  }
0x20: {  	[sflag:s8] =	ssyncset.s32 @!p0 $0xFFFFF086;
	s6 =	sadd.s32 @!p0 s3, s7;
	s7 =	simm.s32 @!p0 $0x108  }
0x21: {  	s3 =	sadd.s32 s3, s9;
	s6 =	sadd.s32 @!p0 $0x88, s6;
	s7 =	simm.s32 @p2 $0x1082  }
0x22: {  	[simem:s7], [sflag:s8] =	dma.local @!p0 [hbm:s6], $0xF7A  }
0x23: {  	s9 =	sor.u32 $0xD0000000, s2;
	s6 =	simm.s32 $0x108;
	_ =	swait.ge @!p0 [sflag:s8], $0x0  }
0x24: {  	s3 =	sadd.s32 $0x88, s3;
	s6 =	simm.s32 @!p1 $0x1082;
	[sflag:s4] =	ssyncset.s32 $0xFFFFF086  }
0x25: {  	[simem:s6], [sflag:s4] =	dma.local [hbm:s3], $0xF7A  }
0x26: {  	[smem:$0x3F9B] =	sst s1;
	(tag) =	ssettag s2;
	_ =	strace s9  }
0x27: {  	s1 =	sld [smem:$0x3FAB]  }
0x28: {  	s2 =	sld [smem:$0x3FAC]  }
0x29: {  	s4 =	sld [smem:$0x3FAE]  }
0x2a: {  	p0 =	seq.s32 s5, $0x0;
	s5 =	sld [smem:$0x3FAF]  }
0x2b: {  	s6 =	sld [smem:$0x3FB0]  }
0x2c: {  	s7 =	sld [smem:$0x3FB1]  }
0x2d: {  	s3 =	simm.s32 $0x108;
	s8 =	sld [smem:$0x3FB2]  }
0x2e: {  	s3 =	simm.s32 @!p0 $0x1082;
	s9 =	sld [smem:$0x3FB3]  }
0x2f: {  	lr =	sadd.s32 s0, s3;
	s0 =	sld [smem:$0x3FAA]  }
0x30: {  	s3 =	sld [smem:$0x3FAD]  }
0x31: {  	[smem:$0x3FB6] =	sst s10  }
0x32: {  	s10 =	sld [smem:$0x3FB4];
	_ =	sdelay $0x3  }
0x33: {  	p0 =	seq.s32 s10, $0x1;
	s10 =	sld [smem:$0x3FB6];
	_ =	sdelay $0x3  }
0x34: {  	[smem:$0x3FB6] =	sst s10  }
0x35: {  	s10 =	sld [smem:$0x3FB5];
	_ =	sdelay $0x3  }
0x36: {  	p1 =	seq.s32 s10, $0x1;
	s10 =	sld [smem:$0x3FB6];
	_ =	sdelay $0x3  }
0x37: {  	[smem:$0x3FB6] =	sst s10  }
0x38: {  	s10 =	sld [smem:$0x3FB7]  }
0x39: {  	_ = 	snop;
	(pc) =	sbr.ind lr, $3  }
0x3a: {  	_ = 	snop  }
0x3b: {  	_ = 	snop  }
0x3c: {  	p2 =	seq.s32 s10, $0x1;
	s10 =	sld [smem:$0x3FB6]  }
0x3d: {  	_ =	shalt  }
0x3e: {  	_ =	shalt  }
0x3f: {  	_ =	shalt  }
0x40: {  	_ =	shalt  }
0x41: {  	_ =	shalt  }
0x42: {  	_ =	shalt  }
0x43: {  	_ =	shalt  }
0x44: {  	_ =	shalt  }
0x45: {  	_ =	shalt  }
0x46: {  	_ =	shalt  }
0x47: {  	_ =	shalt  }
0x48: {  	_ =	shalt  }
0x49: {  	_ =	shalt  }
0x4a: {  	_ =	shalt  }
0x4b: {  	_ =	shalt  }
0x4c: {  	_ =	shalt  }
0x4d: {  	_ =	shalt  }
0x4e: {  	_ =	shalt  }
0x4f: {  	_ =	shalt  }
0x50: {  	_ =	shalt  }
0x51: {  	_ =	shalt  }
0x52: {  	_ =	shalt  }
0x53: {  	_ =	shalt  }
0x54: {  	_ =	shalt  }
0x55: {  	_ =	shalt  }
0x56: {  	_ =	shalt  }
0x57: {  	_ =	shalt  }
0x58: {  	_ =	shalt  }
0x59: {  	_ =	shalt  }
0x5a: {  	_ =	shalt  }
0x5b: {  	_ =	shalt  }
0x5c: {  	_ =	shalt  }
0x5d: {  	_ =	shalt  }
0x5e: {  	_ =	shalt  }
0x5f: {  	_ =	shalt  }
0x60: {  	_ =	shalt  }
0x61: {  	_ =	shalt  }
0x62: {  	_ =	shalt  }
0x63: {  	_ =	shalt  }
0x64: {  	_ =	shalt  }
0x65: {  	_ =	shalt  }
0x66: {  	_ =	shalt  }
0x67: {  	_ =	shalt  }
0x68: {  	_ =	shalt  }
0x69: {  	_ =	shalt  }
0x6a: {  	_ =	shalt  }
0x6b: {  	_ =	shalt  }
0x6c: {  	_ =	shalt  }
0x6d: {  	_ =	shalt  }
0x6e: {  	_ =	shalt  }
0x6f: {  	_ =	shalt  }
0x70: {  	_ =	shalt  }
0x71: {  	_ =	shalt  }
0x72: {  	_ =	shalt  }
0x73: {  	_ =	shalt  }
0x74: {  	_ =	shalt  }
0x75: {  	_ =	shalt  }
0x76: {  	_ =	shalt  }
0x77: {  	_ =	shalt  }
0x78: {  	_ =	shalt  }
0x79: {  	_ =	shalt  }
0x7a: {  	_ =	shalt  }
0x7b: {  	_ =	shalt  }
0x7c: {  	_ =	shalt  }
0x7d: {  	_ =	shalt  }
0x7e: {  	_ =	shalt  }
0x7f: {  	_ =	shalt  }
0x80: {  	_ =	shalt  }
0x81: {  	_ =	shalt  }
0x82: {  	_ =	shalt  }
0x83: {  	_ =	shalt  }
0x84: {  	_ =	shalt  }
0x85: {  	_ =	shalt  }
0x86: {  	_ =	shalt  }
0x87: {  	_ =	shalt  }
.Lfunc_end0:
.L_simem_size_0:
called_computation.1_lowered:
.L_overlay_start_0:
0x88: {  	s2 =	sld [smem:$0x3FD9]  }
0x89: {  	s3 =	sld [smem:$0x3FFE];
	_ =	sdelay $0x1  }
0x8a: {  	s1 =	srdreg.scid  }
0x8b: {  	s0 =	sand.u32 $0x1, s1  }
0x8c: {  	s14 =	sshll.u32 s0, $0xA;
	s2 =	sadd.s32 s3, s2  }
0x8d: {  	s2 =	sadd.s32 s2, s14  }
0x8e: {  	[smem:$0x3FC2] =	sst s2  }
0x8f: {  	_ = 	snop  }
0x90: {  	s2 =	sld [smem:$0x3FD0];
	_ =	sdelay $0x2  }
0x91: {  	s15 =	simm.s32 $0xA;
	s4 =	simm.s32 $0x10  }
0x92: {  	[smem:s4], [sflag:s15] =	dma.local [hbm:s2], $0x1  }
0x93: {  	_ =	swait.eq [sflag:s15], $0x1  }
0x94: {  	[sflag:s15] =	ssyncset.done $0x0  }
0x95: {  	[sflag:s15] =	ssyncadd.s32 $0xFFFFFFFF  }
0x96: {  	s16 =	sld [smem:$0x10];
	(tm) =	ssettm $0x1  }
0x97: {  	s17 =	sld [smem:$0x3FFB];
	_ =	sdelay $0x3  }
0x98: {  	_ =	strace s17  }
0x99: {  	s3 =	sld [smem:$0x3FFC];
	_ =	sdelay $0x3  }
0x9a: {  	_ =	strace s3  }
0x9b: {  	s3 =	sld [smem:$0x3FFD];
	_ =	sdelay $0x3  }
0x9c: {  	_ =	strace s3  }
0x9d: {  	_ =	strace $0x8FFFFFFF  }
0x9e: {  	s18 =	sld [smem:$0x3FDB];
	_ =	sdelay $0x1  }
0x9f: {  	s19 =	simm.s32 $_scs_section_size  }
0xa0: {  	s5 =	simm.s32 $_size__tile_overlayer_lowered;
	s6 =	simm.s32 $_tile_overlayer_lowered  }
0xa1: {  	s22 =	simm.s32 $0x1BFF;
	s21 =	sshll.u32 s6, $0x1;
	s3 =	sadd.s32 s19, s18  }
0xa2: {  	s7 =	simm.s32 $0x0;
	s20 =	sshll.u32 s5, $0x1;
	s5 =	sadd.s32 s21, s3  }
0xa3: {  	[timem:s7], [sflag:s22] =	dma.local [hbm:s5], s20  }
0xa4: {  	_ =	swait.ge [sflag:s22], s20  }
0xa5: {  	s4 =	ssub.s32 $0x0, s20;
	[sflag:s22] =	ssyncset.done $0x0  }
0xa6: {  	[sflag:s22] =	ssyncadd.s32 s4;
	_ =	sdelay $0x1  }
0xa7: {  	s23 =	simm.s32 $0x1B8B  }
0xa8: {  	_ =	swait.ge [sflag:s23], $0x1  }
0xa9: {  	[sflag:s23] =	ssyncset.done $0x0  }
0xaa: {  	s25 =	simm.s32 $0x1B8E;
	s24 =	sld [smem:$0x3FFE];
	[sflag:s23] =	ssyncadd.s32 $0xFFFFFFFF  }
0xab: {  	s26 =	simm.s32 $execute0_lowered;
	[smem:$0x3FD2] =	sst s25  }
0xac: {  	s5 =	sshll.u32 s26, $0x1;
	_ =	strace $0x80000049;
	[dreg:$0x1] =	wrdreg $0xFFFFFFFF  }
0xad: {  	s28 =	simm.s32 $_size_execute0_lowered;
	s3 =	sadd.s32 s3, s5;
	[dreg:$0x0] =	wrdreg $0x0  }
0xae: {  	s5 =	sshll.u32 s28, $0x1;
	[dreg:$0x2] =	wrdreg s3  }
0xaf: {  	[dreg:$0x3] =	wrdreg s5  }
0xb0: {  	[dreg:$0x4] =	wrdreg $0xC0  }
0xb1: {  	_ =	task [dreg:s7], $0x5FFFF  }
0xb2: {  	[dreg:$0x1] =	wrdreg $0xFFFFFFFF  }
0xb3: {  	[dreg:$0x0] =	wrdreg $0x60  }
0xb4: {  	[dreg:$0x2] =	wrdreg s24  }
0xb5: {  	[dreg:$0x3] =	wrdreg s16  }
0xb6: {  	[dreg:$0x4] =	wrdreg $0x90000  }
0xb7: {  	[dreg:$0x5] =	wrdreg $0x9  }
0xb8: {  	_ =	task.clear_ibuf [dreg:s7], $0x6FFFF;
	_ =	strace $0x90000049  }
0xb9: {  	s29 =	simm.s32 $0x9;
	_ =	strace $0x8000004B  }
0xba: {  	_ =	swait.ge [sflag:s29], $0x1  }
0xbb: {  	[sflag:s29] =	ssyncadd.s32 $0xFFFFFFFF  }
0xbc: {  	_ =	strace $0x9000004B  }
0xbd: {  	_ =	sfence  }
0xbe: {  	s30 =	sld [smem:$0x0];
	_ =	sdelay $0x2  }
0xbf: {  	s31 =	sshll.u32 s1, $0xD;
	s1 =	sshrl.u32 s1, $0x2  }
0xc0: {  	s3 =	sand.u32 $0x4000, s31;
	s1 =	sadd.s32 s1, s30  }
0xc1: {  	s0 =	sor.u32 s3, s0;
	s1 =	sshll.u32 s1, $0x11  }
0xc2: {  	s0 =	sor.u32 s1, s0  }
0xc3: {  	s0 =	sadd.s32 $0x8F2B, s0  }
0xc4: {  	[sflag:s0] =	ssyncadd.remote.s32 $0x1  }
0xc5: {  	_ =	sfence.sel $0xFFFF  }
0xc6: {  	[dreg:$0x0] =	wrdreg $0xFFFFFFFF;
	(pc) =	sbr.abs _section_cstart, $3  }
0xc7: {  	[dreg:$0x1] =	wrdreg $0xFFFFFFFF  }
0xc8: {  	_ =	task.clear_ibuf [dreg:s7], $0x2FFFF;
	_ =	strace $0x9FFFFFFF  }
0xc9: {  	(tm) =	ssettm $0x7FFFFFFF  }
tec
execute0_lowered:
.L_overlay_start_1:
0x0: {  	(tag) =	ssettag $0x1  }
0x1: {  	s5 =	rddreg [dreg:$0x0]  }
0x2: {  	s6 =	rddreg [dreg:$0x1]  }
0x3: {  	s2 =	rddreg [dreg:$0x2];
	s0 =	stileid.u32;
	s3 =	simm.s32 $0x0  }
0x4: {  	s4 =	srdreg.scid;
	s15 =	simm.s32 $0x180;
	[smem:$0x7FF] =	sst s3  }
0x5: {  	s16 =	simm.s32 $0x900;
	_ =	strace $0x8000004A;
	[dreg:$0xa] =	wrdreg s15  }
0x6: {  	s18 =	simm.s32 $0x200;
	s19 =	simm.s32 $0x980;
	[dreg:$0xb] =	wrdreg s16  }
0x7: {  	s20 =	simm.s32 $0x280;
	s22 =	simm.s32 $0xA00;
	[dreg:$0xc] =	wrdreg s18  }
0x8: {  	s23 =	simm.s32 $0x300;
	s24 =	simm.s32 $0xA80;
	[dreg:$0xd] =	wrdreg s19  }
0x9: {  	s25 =	simm.s32 $0x380;
	s7 =	smul.u32 $0x14000, s0;
	[dreg:$0xe] =	wrdreg s20  }
0xa: {  	s26 =	simm.s32 $0xB00;
	s9 =	smul.u32 $0x14, s0;
	[dreg:$0xf] =	wrdreg s22  }
0xb: {  	s8 =	sand.u32 $0x1, s4;
	s30 =	smul.u32 $0xA00, s0;
	[dreg:$0x10] =	wrdreg s23  }
0xc: {  	s4 =	sadd.s32 $0x33200, s5;
	s10 =	smul.u32 $0xA, s8;
	[dreg:$0x11] =	wrdreg s24  }
0xd: {  	s12 =	sadd.s32 $0x1200, s5;
	s11 =	smul.u32 $0x140000, s8;
	[dreg:$0x12] =	wrdreg s25  }
0xe: {  	s21 =	sshll.u32 s0, $0x6;
	s14 =	smul.u32 $0x500, s8;
	[dreg:$0x13] =	wrdreg s26  }
0xf: {  	s15 =	simm.s32 $0xC80;
	s16 =	simm.s32 $0x580;
	s18 =	simm.s32 $0x600  }
0x10: {  	s19 =	simm.s32 $0xD80;
	s20 =	simm.s32 $0x680;
	s22 =	simm.s32 $0x780  }
0x11: {  	s23 =	simm.s32 $0xF00;
	s24 =	simm.s32 $0xF80;
	[dreg:$0x17] =	wrdreg s15  }
0x12: {  	s25 =	simm.s32 $0x0;
	s13 =	sshrl.u32 s7, $0x3;
	[dreg:$0x18] =	wrdreg s16  }
0x13: {  	s31 =	sadd.s32 s30, s12;
	s15 =	simm.s32 $0x1000;
	[dreg:$0x1a] =	wrdreg s18  }
0x14: {  	s16 =	simm.s32 $0x3;
	s18 =	simm.s32 $0x4;
	[dreg:$0x1b] =	wrdreg s19  }
0x15: {  	s19 =	simm.s32 $0x400;
	[dreg:$0x1c] =	wrdreg s20;
	s20 =	simm.s32 $0xC00  }
0x16: {  	s9 =	sadd.s32 s10, s9;
	s28 =	sadd.s32 s13, s5;
	s7 =	sadd.s32 s7, s11  }
0x17: {  	s1 =	sadd.s32 s14, s31;
	s13 =	simm.s32 $0x880;
	s10 =	simm.s32 $0x5  }
0x18: {  	s31 =	simm.s32 $0x700;
	s9 =	sshll.u32 s9, $0x7;
	[dreg:$0x6] =	wrdreg s1  }
0x19: {  	s7 =	sshrl.u32 s7, $0x3;
	[dreg:$0x9] =	wrdreg s13;
	s13 =	simm.s32 $0x5000  }
0x1a: {  	[dreg:$0x1e] =	wrdreg s31;
	s29 =	sadd.s32 s9, s6;
	s9 =	sadd.s32 s9, s12  }
0x1b: {  	s6 =	sadd.s32 s30, s6;
	s7 =	sadd.s32 s7, s5;
	s12 =	simm.s32 $0x100  }
0x1c: {  	s5 =	sadd.s32 $0x5B200, s28;
	s28 =	simm.s32 $0xB80;
	[dreg:$0x8] =	wrdreg s12  }
0x1d: {  	s30 =	simm.s32 $0x500;
	s11 =	sadd.s32 $0x80, s29;
	[dreg:$0x14] =	wrdreg s28  }
0x1e: {  	s9 =	sadd.s32 $0x80, s9;
	s7 =	sadd.s32 $0x83200, s7;
	[dreg:$0x16] =	wrdreg s30  }
0x1f: {  	s29 =	simm.s32 $0x480;
	s12 =	simm.s32 $0x80;
	[dreg:$0x4] =	wrdreg s11  }
0x20: {  	[dreg:$0x5] =	wrdreg s9;
	s9 =	sadd.s32 s14, s6;
	s11 =	ssub.s32 $0x2, s8  }
0x21: {  	s14 =	smul.u32 $0x50000, s0;
	s6 =	sor.u32 $0x1C05, s21;
	[dreg:$0x15] =	wrdreg s29  }
0x22: {  	s21 =	simm.s32 $0xE00;
	[dreg:$0x7] =	wrdreg s9;
	s8 =	sshrl.u32 s11, $0x1  }
0x23: {  	[dreg:$0x1d] =	wrdreg s21;
	s21 =	simm.s32 $0xE80;
	s8 =	ssub.s32 s11, s8  }
0x24: {  	s17 =	sshrl.u32 s14, $0x2;
	s11 =	simm.s32 $0x800;
	s14 =	simm.s32 $0x1  }
0x25: {  	s9 =	sadd.s32 s17, s2;
	s8 =	smax.u32 s8, $0x1;
	s17 =	simm.s32 $0xD00  }
0x26: {  	s9 =	sshrl.u32 s9, $0x3;
	[dreg:$0x19] =	wrdreg s17;
	s17 =	simm.s32 $0x2  }
.LBB2_1:
0x27: {  	[spmem:s9], [sflag:s6] =	dma.local [hbm:s5], $0x2800  }
0x28: {  	_ =	swait.ge [sflag:s10], $0x2800  }
0x29: {  	[sflag:s10] =	ssyncset.done $0x0  }
0x2a: {  	[sflag:s10] =	ssyncadd.s32 $0xFFFFD800  }
0x2b: {  	[bflag:$0x0] =	sbarrier.arrive $0xFFFF  }
0x2c: {  	s26 =	rddreg [dreg:$0x7]  }
0x2d: {  	s26 =	sadd.s32 $0x0, s26  }
0x2e: {  	[tilespmem:s3], [sflag:$0x5] =	stream.linear.gather [hbm4b:s26+s3], $0x400, $0x38;
	[tilespmem:$0x1D000] =	vst v63  }
0x2f: {  	_ =	swait.ge [sflag:s10], $0x400  }
0x30: {  	s29 =	rddreg [dreg:$0x6];
	[sflag:s10] =	ssyncset.done $0x0  }
0x31: {  	[sflag:s10] =	ssyncadd.s32 $0xFFFFFC00;
	s26 =	sadd.s32 $0x0, s29  }
0x32: {  	[tilespmem:s11], [sflag:$0x5] =	stream.linear.gather [hbm4b:s26+s3], $0x400, $0x38;
	[tilespmem:$0x1D000] =	vst v63  }
0x33: {  	p0 =	por $0x1, $0x1;
	_ =	swait.ge [sflag:s10], $0x400  }
0x34: {  	s28 =	simm.s32 @p0 $0x0;
	s30 =	simm.s32 @!p0 $0x3;
	[sflag:s10] =	ssyncset.done $0x0  }
0x35: {  	s29 =	simm.s32 @p0 $0x1000;
	s26 =	simm.s32 @p0 $0x80;
	[sflag:s10] =	ssyncadd.s32 $0xFFFFFC00  }
0x36: {  	[tilespmem:s29], [sflag:$0x1] =	stream.indirect.gather @p0 [hbm4b:s4+s26], $0x80, s28, s26, $0xb8;
	[tilespmem:$0x1D000] =	vst v63  }
0x37: {  	_ =	swait.ge @!p0 [sflag:s30], $0x4000  }
0x38: {  	s26 =	simm.s32 @!p0 $0x1000;
	s28 =	simm.s32 @!p0 $0x80;
	[sflag:s30] =	ssyncset.done @!p0 $0x0  }
0x39: {  	s29 =	simm.s32 @!p0 $0x0;
	[sflag:s30] =	ssyncadd.s32 @!p0 $0xFFFFC000;
	s30 =	simm.s32 @!p0 $0x2  }
0x3a: {  	[tilespmem:s26], [sflag:$0x1] =	stream.indirect.gather @!p0 [hbm4b:s4+s28], $0x80, s29, s28, $0xb8;
	[tilespmem:$0x1D000] =	vst v63  }
0x3b: {  	_ =	swait.ge @!p0 [sflag:s30], $0x4000  }
0x3c: {  	s26 =	simm.s32 @!p0 $0xF80;
	[sflag:s30] =	ssyncset.done @!p0 $0x0  }
0x3d: {  	s29 =	simm.s32 @!p0 $0x5000;
	[sflag:s30] =	ssyncadd.s32 @!p0 $0xFFFFC000;
	s30 =	simm.s32 @!p0 $0x4  }
0x3e: {  	[spmem:s2] =	stream.indirect.scatter.add.f32 @!p0 [tilespmem:s29], [sflag:$0x4], $0x80, s26, s28, $0xb8;
	[tilespmem:$0x1D000] =	vst v63  }
0x3f: {  	_ =	swait.ge @!p0 [sflag:s30], $0x4000  }
0x40: {  	[sflag:s30] =	ssyncset.done @!p0 $0x0  }
0x41: {  	[sflag:s30] =	ssyncadd.s32 @!p0 $0xFFFFC000  }
0x42: {  	[tilespmem:s13], [sflag:$0x2] =	stream.indirect.gather [hbm4b:s4+s12], $0x80, s12, s12, $0xb8;
	[tilespmem:$0x1D000] =	vst v63  }
0x43: {  	_ =	swait.ge [sflag:s14], $0x4000  }
0x44: {  	[sflag:s14] =	ssyncset.done $0x0  }
0x45: {  	[sflag:s14] =	ssyncadd.s32 $0xFFFFC000  }
0x46: {  	[spmem:s2] =	stream.indirect.scatter.add.f32 [tilespmem:s15], [sflag:$0x3], $0x80, s11, s12, $0xb8;
	[tilespmem:$0x1D000] =	vst v63  }
0x47: {  	_ =	swait.ge [sflag:s16], $0x4000  }
0x48: {  	[sflag:s16] =	ssyncset.done $0x0  }
0x49: {  	s31 =	rddreg [dreg:$0x8];
	[sflag:s16] =	ssyncadd.s32 $0xFFFFC000  }
0x4a: {  	[tilespmem:s15], [sflag:$0x1] =	stream.indirect.gather [hbm4b:s4+s12], $0x80, s31, s12, $0xb8;
	[tilespmem:$0x1D000] =	vst v63  }
0x4b: {  	_ =	swait.ge [sflag:s17], $0x4000  }
0x4c: {  	[sflag:s17] =	ssyncset.done $0x0  }
0x4d: {  	s0 =	rddreg [dreg:$0x9];
	[sflag:s17] =	ssyncadd.s32 $0xFFFFC000  }
0x4e: {  	[spmem:s2] =	stream.indirect.scatter.add.f32 [tilespmem:s13], [sflag:$0x4], $0x80, s0, s12, $0xb8;
	[tilespmem:$0x1D000] =	vst v63  }
0x4f: {  	_ =	swait.ge [sflag:s18], $0x4000  }
0x50: {  	[sflag:s18] =	ssyncset.done $0x0  }
0x51: {  	s1 =	rddreg [dreg:$0xa];
	[sflag:s18] =	ssyncadd.s32 $0xFFFFC000  }
0x52: {  	[tilespmem:s13], [sflag:$0x2] =	stream.indirect.gather [hbm4b:s4+s12], $0x80, s1, s12, $0xb8;
	[tilespmem:$0x1D000] =	vst v63  }
0x53: {  	_ =	swait.ge [sflag:s14], $0x4000  }
0x54: {  	[sflag:s14] =	ssyncset.done $0x0  }
0x55: {  	s29 =	rddreg [dreg:$0xb];
	[sflag:s14] =	ssyncadd.s32 $0xFFFFC000  }
0x56: {  	[spmem:s2] =	stream.indirect.scatter.add.f32 [tilespmem:s15], [sflag:$0x3], $0x80, s29, s12, $0xb8;
	[tilespmem:$0x1D000] =	vst v63  }
0x57: {  	_ =	swait.ge [sflag:s16], $0x4000  }
0x58: {  	[sflag:s16] =	ssyncset.done $0x0  }
0x59: {  	s31 =	rddreg [dreg:$0xc];
	[sflag:s16] =	ssyncadd.s32 $0xFFFFC000  }
0x5a: {  	[tilespmem:s15], [sflag:$0x1] =	stream.indirect.gather [hbm4b:s4+s12], $0x80, s31, s12, $0xb8;
	[tilespmem:$0x1D000] =	vst v63  }
0x5b: {  	_ =	swait.ge [sflag:s17], $0x4000  }
0x5c: {  	[sflag:s17] =	ssyncset.done $0x0  }
0x5d: {  	s0 =	rddreg [dreg:$0xd];
	[sflag:s17] =	ssyncadd.s32 $0xFFFFC000  }
0x5e: {  	[spmem:s2] =	stream.indirect.scatter.add.f32 [tilespmem:s13], [sflag:$0x4], $0x80, s0, s12, $0xb8;
	[tilespmem:$0x1D000] =	vst v63  }
0x5f: {  	_ =	swait.ge [sflag:s18], $0x4000  }
0x60: {  	[sflag:s18] =	ssyncset.done $0x0  }
0x61: {  	s1 =	rddreg [dreg:$0xe];
	[sflag:s18] =	ssyncadd.s32 $0xFFFFC000  }
0x62: {  	[tilespmem:s13], [sflag:$0x2] =	stream.indirect.gather [hbm4b:s4+s12], $0x80, s1, s12, $0xb8;
	[tilespmem:$0x1D000] =	vst v63  }
0x63: {  	_ =	swait.ge [sflag:s14], $0x4000  }
0x64: {  	[sflag:s14] =	ssyncset.done $0x0  }
0x65: {  	s29 =	rddreg [dreg:$0xf];
	[sflag:s14] =	ssyncadd.s32 $0xFFFFC000  }
0x66: {  	[spmem:s2] =	stream.indirect.scatter.add.f32 [tilespmem:s15], [sflag:$0x3], $0x80, s29, s12, $0xb8;
	[tilespmem:$0x1D000] =	vst v63  }
0x67: {  	_ =	swait.ge [sflag:s16], $0x4000  }
0x68: {  	[sflag:s16] =	ssyncset.done $0x0  }
0x69: {  	s31 =	rddreg [dreg:$0x10];
	[sflag:s16] =	ssyncadd.s32 $0xFFFFC000  }
0x6a: {  	[tilespmem:s15], [sflag:$0x1] =	stream.indirect.gather [hbm4b:s4+s12], $0x80, s31, s12, $0xb8;
	[tilespmem:$0x1D000] =	vst v63  }
0x6b: {  	_ =	swait.ge [sflag:s17], $0x4000  }
0x6c: {  	[sflag:s17] =	ssyncset.done $0x0  }
0x6d: {  	s0 =	rddreg [dreg:$0x11];
	[sflag:s17] =	ssyncadd.s32 $0xFFFFC000  }
0x6e: {  	[spmem:s2] =	stream.indirect.scatter.add.f32 [tilespmem:s13], [sflag:$0x4], $0x80, s0, s12, $0xb8;
	[tilespmem:$0x1D000] =	vst v63  }
0x6f: {  	_ =	swait.ge [sflag:s18], $0x4000  }
0x70: {  	[sflag:s18] =	ssyncset.done $0x0  }
0x71: {  	s1 =	rddreg [dreg:$0x12];
	[sflag:s18] =	ssyncadd.s32 $0xFFFFC000  }
0x72: {  	[tilespmem:s13], [sflag:$0x2] =	stream.indirect.gather [hbm4b:s4+s12], $0x80, s1, s12, $0xb8;
	[tilespmem:$0x1D000] =	vst v63  }
0x73: {  	_ =	swait.ge [sflag:s14], $0x4000  }
0x74: {  	s29 =	rddreg [dreg:$0x13];
	[sflag:s14] =	ssyncset.done $0x0  }
0x75: {  	s28 =	rddreg [dreg:$0x4];
	[sflag:s14] =	ssyncadd.s32 $0xFFFFC000  }
0x76: {  	[spmem:s2] =	stream.indirect.scatter.add.f32 [tilespmem:s15], [sflag:$0x3], $0x80, s29, s12, $0xb8;
	[tilespmem:$0x1D000] =	vst v63  }
0x77: {  	s31 =	sadd.s32 $0x0, s28  }
0x78: {  	[tilespmem:s19], [sflag:$0x5] =	stream.linear.gather [hbm4b:s31+s3], $0x400, $0x38;
	[tilespmem:$0x1D000] =	vst v63  }
0x79: {  	_ =	swait.ge [sflag:s10], $0x400  }
0x7a: {  	s0 =	rddreg [dreg:$0x5];
	[sflag:s10] =	ssyncset.done $0x0  }
0x7b: {  	[sflag:s10] =	ssyncadd.s32 $0xFFFFFC00;
	s26 =	sadd.s32 $0x0, s0  }
0x7c: {  	[tilespmem:s20], [sflag:$0x5] =	stream.linear.gather [hbm4b:s26+s3], $0x400, $0x38;
	[tilespmem:$0x1D000] =	vst v63  }
0x7d: {  	_ =	swait.ge [sflag:s10], $0x400  }
0x7e: {  	[sflag:s10] =	ssyncset.done $0x0  }
0x7f: {  	[sflag:s10] =	ssyncadd.s32 $0xFFFFFC00  }
0x80: {  	_ =	swait.ge [sflag:s16], $0x4000  }
0x81: {  	[sflag:s16] =	ssyncset.done $0x0  }
0x82: {  	[sflag:s16] =	ssyncadd.s32 $0xFFFFC000  }
0x83: {  	[tilespmem:s15], [sflag:$0x1] =	stream.indirect.gather [hbm4b:s4+s12], $0x80, s19, s12, $0xb8;
	[tilespmem:$0x1D000] =	vst v63  }
0x84: {  	_ =	swait.ge [sflag:s17], $0x4000  }
0x85: {  	[sflag:s17] =	ssyncset.done $0x0  }
0x86: {  	s1 =	rddreg [dreg:$0x14];
	[sflag:s17] =	ssyncadd.s32 $0xFFFFC000  }
0x87: {  	[spmem:s2] =	stream.indirect.scatter.add.f32 [tilespmem:s13], [sflag:$0x4], $0x80, s1, s12, $0xb8;
	[tilespmem:$0x1D000] =	vst v63  }
0x88: {  	_ =	swait.ge [sflag:s18], $0x4000  }
0x89: {  	[sflag:s18] =	ssyncset.done $0x0  }
0x8a: {  	s29 =	rddreg [dreg:$0x15];
	[sflag:s18] =	ssyncadd.s32 $0xFFFFC000  }
0x8b: {  	[tilespmem:s13], [sflag:$0x2] =	stream.indirect.gather [hbm4b:s4+s12], $0x80, s29, s12, $0xb8;
	[tilespmem:$0x1D000] =	vst v63  }
0x8c: {  	_ =	swait.ge [sflag:s14], $0x4000  }
0x8d: {  	[sflag:s14] =	ssyncset.done $0x0  }
0x8e: {  	[sflag:s14] =	ssyncadd.s32 $0xFFFFC000  }
0x8f: {  	[spmem:s2] =	stream.indirect.scatter.add.f32 [tilespmem:s15], [sflag:$0x3], $0x80, s20, s12, $0xb8;
	[tilespmem:$0x1D000] =	vst v63  }
0x90: {  	_ =	swait.ge [sflag:s16], $0x4000  }
0x91: {  	[sflag:s16] =	ssyncset.done $0x0  }
0x92: {  	s31 =	rddreg [dreg:$0x16];
	[sflag:s16] =	ssyncadd.s32 $0xFFFFC000  }
0x93: {  	[tilespmem:s15], [sflag:$0x1] =	stream.indirect.gather [hbm4b:s4+s12], $0x80, s31, s12, $0xb8;
	[tilespmem:$0x1D000] =	vst v63  }
0x94: {  	_ =	swait.ge [sflag:s17], $0x4000  }
0x95: {  	[sflag:s17] =	ssyncset.done $0x0  }
0x96: {  	s0 =	rddreg [dreg:$0x17];
	[sflag:s17] =	ssyncadd.s32 $0xFFFFC000  }
0x97: {  	[spmem:s2] =	stream.indirect.scatter.add.f32 [tilespmem:s13], [sflag:$0x4], $0x80, s0, s12, $0xb8;
	[tilespmem:$0x1D000] =	vst v63  }
0x98: {  	_ =	swait.ge [sflag:s18], $0x4000  }
0x99: {  	[sflag:s18] =	ssyncset.done $0x0  }
0x9a: {  	s1 =	rddreg [dreg:$0x18];
	[sflag:s18] =	ssyncadd.s32 $0xFFFFC000  }
0x9b: {  	[tilespmem:s13], [sflag:$0x2] =	stream.indirect.gather [hbm4b:s4+s12], $0x80, s1, s12, $0xb8;
	[tilespmem:$0x1D000] =	vst v63  }
0x9c: {  	_ =	swait.ge [sflag:s14], $0x4000  }
0x9d: {  	[sflag:s14] =	ssyncset.done $0x0  }
0x9e: {  	s29 =	rddreg [dreg:$0x19];
	[sflag:s14] =	ssyncadd.s32 $0xFFFFC000  }
0x9f: {  	[spmem:s2] =	stream.indirect.scatter.add.f32 [tilespmem:s15], [sflag:$0x3], $0x80, s29, s12, $0xb8;
	[tilespmem:$0x1D000] =	vst v63  }
0xa0: {  	_ =	swait.ge [sflag:s16], $0x4000  }
0xa1: {  	[sflag:s16] =	ssyncset.done $0x0  }
0xa2: {  	s31 =	rddreg [dreg:$0x1a];
	[sflag:s16] =	ssyncadd.s32 $0xFFFFC000  }
0xa3: {  	[tilespmem:s15], [sflag:$0x1] =	stream.indirect.gather [hbm4b:s4+s12], $0x80, s31, s12, $0xb8;
	[tilespmem:$0x1D000] =	vst v63  }
0xa4: {  	_ =	swait.ge [sflag:s17], $0x4000  }
0xa5: {  	[sflag:s17] =	ssyncset.done $0x0  }
0xa6: {  	s0 =	rddreg [dreg:$0x1b];
	[sflag:s17] =	ssyncadd.s32 $0xFFFFC000  }
0xa7: {  	[spmem:s2] =	stream.indirect.scatter.add.f32 [tilespmem:s13], [sflag:$0x4], $0x80, s0, s12, $0xb8;
	[tilespmem:$0x1D000] =	vst v63  }
0xa8: {  	_ =	swait.ge [sflag:s18], $0x4000  }
0xa9: {  	[sflag:s18] =	ssyncset.done $0x0  }
0xaa: {  	s1 =	rddreg [dreg:$0x1c];
	[sflag:s18] =	ssyncadd.s32 $0xFFFFC000  }
0xab: {  	[tilespmem:s13], [sflag:$0x2] =	stream.indirect.gather [hbm4b:s4+s12], $0x80, s1, s12, $0xb8;
	[tilespmem:$0x1D000] =	vst v63  }
0xac: {  	_ =	swait.ge [sflag:s14], $0x4000  }
0xad: {  	[sflag:s14] =	ssyncset.done $0x0  }
0xae: {  	s29 =	rddreg [dreg:$0x1d];
	[sflag:s14] =	ssyncadd.s32 $0xFFFFC000  }
0xaf: {  	[spmem:s2] =	stream.indirect.scatter.add.f32 [tilespmem:s15], [sflag:$0x3], $0x80, s29, s12, $0xb8;
	[tilespmem:$0x1D000] =	vst v63  }
0xb0: {  	_ =	swait.ge [sflag:s16], $0x4000  }
0xb1: {  	[sflag:s16] =	ssyncset.done $0x0  }
0xb2: {  	s31 =	rddreg [dreg:$0x1e];
	[sflag:s16] =	ssyncadd.s32 $0xFFFFC000  }
0xb3: {  	[tilespmem:s15], [sflag:$0x1] =	stream.indirect.gather [hbm4b:s4+s12], $0x80, s31, s12, $0xb8;
	[tilespmem:$0x1D000] =	vst v63  }
0xb4: {  	_ =	swait.ge [sflag:s17], $0x4000  }
0xb5: {  	[sflag:s17] =	ssyncset.done $0x0  }
0xb6: {  	[sflag:s17] =	ssyncadd.s32 $0xFFFFC000  }
0xb7: {  	[spmem:s2] =	stream.indirect.scatter.add.f32 [tilespmem:s13], [sflag:$0x4], $0x80, s21, s12, $0xb8;
	[tilespmem:$0x1D000] =	vst v63  }
0xb8: {  	_ =	swait.ge [sflag:s18], $0x4000  }
0xb9: {  	[sflag:s18] =	ssyncset.done $0x0  }
0xba: {  	[sflag:s18] =	ssyncadd.s32 $0xFFFFC000  }
0xbb: {  	[tilespmem:s13], [sflag:$0x2] =	stream.indirect.gather [hbm4b:s4+s12], $0x80, s22, s12, $0xb8;
	[tilespmem:$0x1D000] =	vst v63  }
0xbc: {  	s28 =	simm.s32 $0x200;
	_ =	swait.ge [sflag:s14], $0x4000  }
0xbd: {  	s26 =	simm.s32 $0x100;
	s30 =	rddreg [dreg:$0x7];
	[sflag:s14] =	ssyncset.done $0x0  }
.LBB2_2:
0xbe: {  	[sflag:s14] =	ssyncadd.s32 $0xFFFFC000  }
0xbf: {  	[spmem:s2] =	stream.indirect.scatter.add.f32 [tilespmem:s15], [sflag:$0x3], $0x80, s23, s12, $0xb8;
	[tilespmem:$0x1D000] =	vst v63  }
0xc0: {  	s30 =	sadd.s32 s26, s30  }
0xc1: {  	[tilespmem:s3], [sflag:$0x5] =	stream.linear.gather [hbm4b:s30+s3], $0x400, $0x38;
	[tilespmem:$0x1D000] =	vst v63  }
0xc2: {  	_ =	swait.ge [sflag:s10], $0x400  }
0xc3: {  	s30 =	rddreg [dreg:$0x6];
	[sflag:s10] =	ssyncset.done $0x0  }
0xc4: {  	[sflag:s10] =	ssyncadd.s32 $0xFFFFFC00;
	s30 =	sadd.s32 s26, s30  }
0xc5: {  	[tilespmem:s11], [sflag:$0x5] =	stream.linear.gather [hbm4b:s30+s3], $0x400, $0x38;
	[tilespmem:$0x1D000] =	vst v63  }
0xc6: {  	p1 =	seq.s32 s26, $0x0;
	_ =	swait.ge [sflag:s10], $0x400  }
0xc7: {  	s31 =	simm.s32 @p1 $0x0;
	s0 =	simm.s32 @p1 $0x1000;
	[sflag:s10] =	ssyncset.done $0x0  }
0xc8: {  	s1 =	simm.s32 @!p1 $0x3;
	s30 =	simm.s32 @p1 $0x80;
	[sflag:s10] =	ssyncadd.s32 $0xFFFFFC00  }
0xc9: {  	[tilespmem:s0], [sflag:$0x1] =	stream.indirect.gather @p1 [hbm4b:s4+s30], $0x80, s31, s30, $0xb8;
	[tilespmem:$0x1D000] =	vst v63  }
0xca: {  	_ =	swait.ge @!p1 [sflag:s1], $0x4000  }
0xcb: {  	s0 =	simm.s32 @!p1 $0x1000;
	s30 =	simm.s32 @!p1 $0x80;
	[sflag:s1] =	ssyncset.done @!p1 $0x0  }
0xcc: {  	s31 =	simm.s32 @!p1 $0x0;
	[sflag:s1] =	ssyncadd.s32 @!p1 $0xFFFFC000;
	s1 =	simm.s32 @!p1 $0x2  }
0xcd: {  	[tilespmem:s0], [sflag:$0x1] =	stream.indirect.gather @!p1 [hbm4b:s4+s30], $0x80, s31, s30, $0xb8;
	[tilespmem:$0x1D000] =	vst v63  }
0xce: {  	_ =	swait.ge @!p1 [sflag:s1], $0x4000  }
0xcf: {  	s0 =	simm.s32 @!p1 $0xF80;
	[sflag:s1] =	ssyncset.done @!p1 $0x0  }
0xd0: {  	s31 =	simm.s32 @!p1 $0x5000;
	[sflag:s1] =	ssyncadd.s32 @!p1 $0xFFFFC000;
	s1 =	simm.s32 @!p1 $0x4  }
0xd1: {  	[spmem:s2] =	stream.indirect.scatter.add.f32 @!p1 [tilespmem:s31], [sflag:$0x4], $0x80, s0, s30, $0xb8;
	[tilespmem:$0x1D000] =	vst v63  }
0xd2: {  	_ =	swait.ge @!p1 [sflag:s1], $0x4000  }
0xd3: {  	[sflag:s1] =	ssyncset.done @!p1 $0x0  }
0xd4: {  	[sflag:s1] =	ssyncadd.s32 @!p1 $0xFFFFC000  }
0xd5: {  	[tilespmem:s13], [sflag:$0x2] =	stream.indirect.gather [hbm4b:s4+s12], $0x80, s12, s12, $0xb8;
	[tilespmem:$0x1D000] =	vst v63  }
0xd6: {  	_ =	swait.ge [sflag:s14], $0x4000  }
0xd7: {  	[sflag:s14] =	ssyncset.done $0x0  }
0xd8: {  	[sflag:s14] =	ssyncadd.s32 $0xFFFFC000  }
0xd9: {  	[spmem:s2] =	stream.indirect.scatter.add.f32 [tilespmem:s15], [sflag:$0x3], $0x80, s11, s12, $0xb8;
	[tilespmem:$0x1D000] =	vst v63  }
0xda: {  	_ =	swait.ge [sflag:s16], $0x4000  }
0xdb: {  	[sflag:s16] =	ssyncset.done $0x0  }
0xdc: {  	s31 =	rddreg [dreg:$0x8];
	[sflag:s16] =	ssyncadd.s32 $0xFFFFC000  }
0xdd: {  	[tilespmem:s15], [sflag:$0x1] =	stream.indirect.gather [hbm4b:s4+s12], $0x80, s31, s12, $0xb8;
	[tilespmem:$0x1D000] =	vst v63  }
0xde: {  	_ =	swait.ge [sflag:s17], $0x4000  }
0xdf: {  	[sflag:s17] =	ssyncset.done $0x0  }
0xe0: {  	s1 =	rddreg [dreg:$0x9];
	[sflag:s17] =	ssyncadd.s32 $0xFFFFC000  }
0xe1: {  	[spmem:s2] =	stream.indirect.scatter.add.f32 [tilespmem:s13], [sflag:$0x4], $0x80, s1, s12, $0xb8;
	[tilespmem:$0x1D000] =	vst v63  }
0xe2: {  	_ =	swait.ge [sflag:s18], $0x4000  }
0xe3: {  	[sflag:s18] =	ssyncset.done $0x0  }
0xe4: {  	s31 =	rddreg [dreg:$0xa];
	[sflag:s18] =	ssyncadd.s32 $0xFFFFC000  }
0xe5: {  	[tilespmem:s13], [sflag:$0x2] =	stream.indirect.gather [hbm4b:s4+s12], $0x80, s31, s12, $0xb8;
	[tilespmem:$0x1D000] =	vst v63  }
0xe6: {  	_ =	swait.ge [sflag:s14], $0x4000  }
0xe7: {  	[sflag:s14] =	ssyncset.done $0x0  }
0xe8: {  	s1 =	rddreg [dreg:$0xb];
	[sflag:s14] =	ssyncadd.s32 $0xFFFFC000  }
0xe9: {  	[spmem:s2] =	stream.indirect.scatter.add.f32 [tilespmem:s15], [sflag:$0x3], $0x80, s1, s12, $0xb8;
	[tilespmem:$0x1D000] =	vst v63  }
0xea: {  	_ =	swait.ge [sflag:s16], $0x4000  }
0xeb: {  	[sflag:s16] =	ssyncset.done $0x0  }
0xec: {  	s31 =	rddreg [dreg:$0xc];
	[sflag:s16] =	ssyncadd.s32 $0xFFFFC000  }
0xed: {  	[tilespmem:s15], [sflag:$0x1] =	stream.indirect.gather [hbm4b:s4+s12], $0x80, s31, s12, $0xb8;
	[tilespmem:$0x1D000] =	vst v63  }
0xee: {  	_ =	swait.ge [sflag:s17], $0x4000  }
0xef: {  	[sflag:s17] =	ssyncset.done $0x0  }
0xf0: {  	s1 =	rddreg [dreg:$0xd];
	[sflag:s17] =	ssyncadd.s32 $0xFFFFC000  }
0xf1: {  	[spmem:s2] =	stream.indirect.scatter.add.f32 [tilespmem:s13], [sflag:$0x4], $0x80, s1, s12, $0xb8;
	[tilespmem:$0x1D000] =	vst v63  }
0xf2: {  	_ =	swait.ge [sflag:s18], $0x4000  }
0xf3: {  	[sflag:s18] =	ssyncset.done $0x0  }
0xf4: {  	s31 =	rddreg [dreg:$0xe];
	[sflag:s18] =	ssyncadd.s32 $0xFFFFC000  }
0xf5: {  	[tilespmem:s13], [sflag:$0x2] =	stream.indirect.gather [hbm4b:s4+s12], $0x80, s31, s12, $0xb8;
	[tilespmem:$0x1D000] =	vst v63  }
0xf6: {  	_ =	swait.ge [sflag:s14], $0x4000  }
0xf7: {  	[sflag:s14] =	ssyncset.done $0x0  }
0xf8: {  	s1 =	rddreg [dreg:$0xf];
	[sflag:s14] =	ssyncadd.s32 $0xFFFFC000  }
0xf9: {  	[spmem:s2] =	stream.indirect.scatter.add.f32 [tilespmem:s15], [sflag:$0x3], $0x80, s1, s12, $0xb8;
	[tilespmem:$0x1D000] =	vst v63  }
0xfa: {  	_ =	swait.ge [sflag:s16], $0x4000  }
0xfb: {  	[sflag:s16] =	ssyncset.done $0x0  }
0xfc: {  	s31 =	rddreg [dreg:$0x10];
	[sflag:s16] =	ssyncadd.s32 $0xFFFFC000  }
0xfd: {  	[tilespmem:s15], [sflag:$0x1] =	stream.indirect.gather [hbm4b:s4+s12], $0x80, s31, s12, $0xb8;
	[tilespmem:$0x1D000] =	vst v63  }
0xfe: {  	_ =	swait.ge [sflag:s17], $0x4000  }
0xff: {  	[sflag:s17] =	ssyncset.done $0x0  }
0x100: {  	s1 =	rddreg [dreg:$0x11];
	[sflag:s17] =	ssyncadd.s32 $0xFFFFC000  }
0x101: {  	[spmem:s2] =	stream.indirect.scatter.add.f32 [tilespmem:s13], [sflag:$0x4], $0x80, s1, s12, $0xb8;
	[tilespmem:$0x1D000] =	vst v63  }
0x102: {  	_ =	swait.ge [sflag:s18], $0x4000  }
0x103: {  	[sflag:s18] =	ssyncset.done $0x0  }
0x104: {  	s31 =	rddreg [dreg:$0x12];
	[sflag:s18] =	ssyncadd.s32 $0xFFFFC000  }
0x105: {  	[tilespmem:s13], [sflag:$0x2] =	stream.indirect.gather [hbm4b:s4+s12], $0x80, s31, s12, $0xb8;
	[tilespmem:$0x1D000] =	vst v63  }
0x106: {  	_ =	swait.ge [sflag:s14], $0x4000  }
0x107: {  	[sflag:s14] =	ssyncset.done $0x0;
	s1 =	rddreg [dreg:$0x13]  }
0x108: {  	s31 =	rddreg [dreg:$0x4];
	[sflag:s14] =	ssyncadd.s32 $0xFFFFC000  }
0x109: {  	[spmem:s2] =	stream.indirect.scatter.add.f32 [tilespmem:s15], [sflag:$0x3], $0x80, s1, s12, $0xb8;
	[tilespmem:$0x1D000] =	vst v63  }
0x10a: {  	s31 =	sadd.s32 s26, s31  }
0x10b: {  	[tilespmem:s19], [sflag:$0x5] =	stream.linear.gather [hbm4b:s31+s3], $0x400, $0x38;
	[tilespmem:$0x1D000] =	vst v63  }
0x10c: {  	_ =	swait.ge [sflag:s10], $0x400  }
0x10d: {  	s1 =	rddreg [dreg:$0x5];
	[sflag:s10] =	ssyncset.done $0x0  }
0x10e: {  	[sflag:s10] =	ssyncadd.s32 $0xFFFFFC00;
	s0 =	sadd.s32 s26, s1  }
0x10f: {  	[tilespmem:s20], [sflag:$0x5] =	stream.linear.gather [hbm4b:s0+s3], $0x400, $0x38;
	[tilespmem:$0x1D000] =	vst v63  }
0x110: {  	_ =	swait.ge [sflag:s10], $0x400  }
0x111: {  	[sflag:s10] =	ssyncset.done $0x0  }
0x112: {  	[sflag:s10] =	ssyncadd.s32 $0xFFFFFC00  }
0x113: {  	_ =	swait.ge [sflag:s16], $0x4000  }
0x114: {  	[sflag:s16] =	ssyncset.done $0x0  }
0x115: {  	[sflag:s16] =	ssyncadd.s32 $0xFFFFC000  }
0x116: {  	[tilespmem:s15], [sflag:$0x1] =	stream.indirect.gather [hbm4b:s4+s12], $0x80, s19, s12, $0xb8;
	[tilespmem:$0x1D000] =	vst v63  }
0x117: {  	_ =	swait.ge [sflag:s17], $0x4000  }
0x118: {  	s29 =	smov.u32 s28;
	[sflag:s17] =	ssyncset.done $0x0  }
0x119: {  	s26 =	smov.u32 s29;
	s29 =	rddreg [dreg:$0x14];
	[sflag:s17] =	ssyncadd.s32 $0xFFFFC000  }
0x11a: {  	[spmem:s2] =	stream.indirect.scatter.add.f32 [tilespmem:s13], [sflag:$0x4], $0x80, s29, s12, $0xb8;
	[tilespmem:$0x1D000] =	vst v63  }
0x11b: {  	_ =	swait.ge [sflag:s18], $0x4000  }
0x11c: {  	[sflag:s18] =	ssyncset.done $0x0  }
0x11d: {  	s31 =	rddreg [dreg:$0x15];
	[sflag:s18] =	ssyncadd.s32 $0xFFFFC000  }
0x11e: {  	[tilespmem:s13], [sflag:$0x2] =	stream.indirect.gather [hbm4b:s4+s12], $0x80, s31, s12, $0xb8;
	[tilespmem:$0x1D000] =	vst v63  }
0x11f: {  	_ =	swait.ge [sflag:s14], $0x4000  }
0x120: {  	[sflag:s14] =	ssyncset.done $0x0  }
0x121: {  	[sflag:s14] =	ssyncadd.s32 $0xFFFFC000  }
0x122: {  	[spmem:s2] =	stream.indirect.scatter.add.f32 [tilespmem:s15], [sflag:$0x3], $0x80, s20, s12, $0xb8;
	[tilespmem:$0x1D000] =	vst v63  }
0x123: {  	_ =	swait.ge [sflag:s16], $0x4000  }
0x124: {  	[sflag:s16] =	ssyncset.done $0x0  }
0x125: {  	s1 =	rddreg [dreg:$0x16];
	[sflag:s16] =	ssyncadd.s32 $0xFFFFC000  }
0x126: {  	[tilespmem:s15], [sflag:$0x1] =	stream.indirect.gather [hbm4b:s4+s12], $0x80, s1, s12, $0xb8;
	[tilespmem:$0x1D000] =	vst v63  }
0x127: {  	_ =	swait.ge [sflag:s17], $0x4000  }
0x128: {  	[sflag:s17] =	ssyncset.done $0x0  }
0x129: {  	s29 =	rddreg [dreg:$0x17];
	[sflag:s17] =	ssyncadd.s32 $0xFFFFC000  }
0x12a: {  	[spmem:s2] =	stream.indirect.scatter.add.f32 [tilespmem:s13], [sflag:$0x4], $0x80, s29, s12, $0xb8;
	[tilespmem:$0x1D000] =	vst v63  }
0x12b: {  	_ =	swait.ge [sflag:s18], $0x4000  }
0x12c: {  	[sflag:s18] =	ssyncset.done $0x0  }
0x12d: {  	s31 =	rddreg [dreg:$0x18];
	[sflag:s18] =	ssyncadd.s32 $0xFFFFC000  }
0x12e: {  	[tilespmem:s13], [sflag:$0x2] =	stream.indirect.gather [hbm4b:s4+s12], $0x80, s31, s12, $0xb8;
	[tilespmem:$0x1D000] =	vst v63  }
0x12f: {  	_ =	swait.ge [sflag:s14], $0x4000  }
0x130: {  	[sflag:s14] =	ssyncset.done $0x0  }
0x131: {  	s1 =	rddreg [dreg:$0x19];
	[sflag:s14] =	ssyncadd.s32 $0xFFFFC000  }
0x132: {  	[spmem:s2] =	stream.indirect.scatter.add.f32 [tilespmem:s15], [sflag:$0x3], $0x80, s1, s12, $0xb8;
	[tilespmem:$0x1D000] =	vst v63  }
0x133: {  	_ =	swait.ge [sflag:s16], $0x4000  }
0x134: {  	[sflag:s16] =	ssyncset.done $0x0  }
0x135: {  	s29 =	rddreg [dreg:$0x1a];
	[sflag:s16] =	ssyncadd.s32 $0xFFFFC000  }
0x136: {  	[tilespmem:s15], [sflag:$0x1] =	stream.indirect.gather [hbm4b:s4+s12], $0x80, s29, s12, $0xb8;
	[tilespmem:$0x1D000] =	vst v63  }
0x137: {  	_ =	swait.ge [sflag:s17], $0x4000  }
0x138: {  	[sflag:s17] =	ssyncset.done $0x0  }
0x139: {  	s31 =	rddreg [dreg:$0x1b];
	[sflag:s17] =	ssyncadd.s32 $0xFFFFC000  }
0x13a: {  	[spmem:s2] =	stream.indirect.scatter.add.f32 [tilespmem:s13], [sflag:$0x4], $0x80, s31, s12, $0xb8;
	[tilespmem:$0x1D000] =	vst v63  }
0x13b: {  	_ =	swait.ge [sflag:s18], $0x4000  }
0x13c: {  	[sflag:s18] =	ssyncset.done $0x0  }
0x13d: {  	s1 =	rddreg [dreg:$0x1c];
	[sflag:s18] =	ssyncadd.s32 $0xFFFFC000  }
0x13e: {  	[tilespmem:s13], [sflag:$0x2] =	stream.indirect.gather [hbm4b:s4+s12], $0x80, s1, s12, $0xb8;
	[tilespmem:$0x1D000] =	vst v63  }
0x13f: {  	_ =	swait.ge [sflag:s14], $0x4000  }
0x140: {  	[sflag:s14] =	ssyncset.done $0x0  }
0x141: {  	s29 =	rddreg [dreg:$0x1d];
	[sflag:s14] =	ssyncadd.s32 $0xFFFFC000  }
0x142: {  	[spmem:s2] =	stream.indirect.scatter.add.f32 [tilespmem:s15], [sflag:$0x3], $0x80, s29, s12, $0xb8;
	[tilespmem:$0x1D000] =	vst v63  }
0x143: {  	_ =	swait.ge [sflag:s16], $0x4000  }
0x144: {  	[sflag:s16] =	ssyncset.done $0x0  }
0x145: {  	s31 =	rddreg [dreg:$0x1e];
	[sflag:s16] =	ssyncadd.s32 $0xFFFFC000  }
0x146: {  	[tilespmem:s15], [sflag:$0x1] =	stream.indirect.gather [hbm4b:s4+s12], $0x80, s31, s12, $0xb8;
	[tilespmem:$0x1D000] =	vst v63  }
0x147: {  	_ =	swait.ge [sflag:s17], $0x4000  }
0x148: {  	[sflag:s17] =	ssyncset.done $0x0  }
0x149: {  	s28 =	sadd.s32 $0x100, s28;
	[sflag:s17] =	ssyncadd.s32 $0xFFFFC000  }
0x14a: {  	[spmem:s2] =	stream.indirect.scatter.add.f32 [tilespmem:s13], [sflag:$0x4], $0x80, s21, s12, $0xb8;
	[tilespmem:$0x1D000] =	vst v63  }
0x14b: {  	p0 =	sne.s32 s28, $0x500;
	_ =	swait.ge [sflag:s18], $0x4000  }
.Ltmp0:
0x14c: {  	[sflag:s18] =	ssyncset.done $0x0;
	(pc) =	sbr.rel @p0 .LBB2_2-.Ltmp0, $4  }
0x14d: {  	[sflag:s18] =	ssyncadd.s32 $0xFFFFC000  }
0x14e: {  	[tilespmem:s13], [sflag:$0x2] =	stream.indirect.gather [hbm4b:s4+s12], $0x80, s22, s12, $0xb8;
	[tilespmem:$0x1D000] =	vst v63  }
0x14f: {  	_ =	swait.ge [sflag:s14], $0x4000  }
0x150: {  	s30 =	rddreg [dreg:$0x7];
	[sflag:s14] =	ssyncset.done $0x0  }
0x151: {  	[sflag:s14] =	ssyncadd.s32 $0xFFFFC000  }
0x152: {  	[spmem:s2] =	stream.indirect.scatter.add.f32 [tilespmem:s15], [sflag:$0x3], $0x80, s23, s12, $0xb8;
	[tilespmem:$0x1D000] =	vst v63  }
0x153: {  	s0 =	sadd.s32 s26, s30  }
0x154: {  	[tilespmem:s3], [sflag:$0x5] =	stream.linear.gather [hbm4b:s0+s3], $0x400, $0x38;
	[tilespmem:$0x1D000] =	vst v63  }
0x155: {  	_ =	swait.ge [sflag:s10], $0x400  }
0x156: {  	s1 =	rddreg [dreg:$0x6];
	[sflag:s10] =	ssyncset.done $0x0  }
0x157: {  	[sflag:s10] =	ssyncadd.s32 $0xFFFFFC00;
	s0 =	sadd.s32 s26, s1  }
0x158: {  	[tilespmem:s11], [sflag:$0x5] =	stream.linear.gather [hbm4b:s0+s3], $0x400, $0x38;
	[tilespmem:$0x1D000] =	vst v63  }
0x159: {  	p0 =	seq.s32 s26, $0x0;
	_ =	swait.ge [sflag:s10], $0x400  }
0x15a: {  	s28 =	simm.s32 @p0 $0x1000;
	[sflag:s10] =	ssyncset.done $0x0  }
0x15b: {  	s1 =	simm.s32 @p0 $0x0;
	s0 =	simm.s32 @p0 $0x80;
	[sflag:s10] =	ssyncadd.s32 $0xFFFFFC00  }
0x15c: {  	[tilespmem:s28], [sflag:$0x1] =	stream.indirect.gather @p0 [hbm4b:s4+s0], $0x80, s1, s0, $0xb8;
	[tilespmem:$0x1D000] =	vst v63  }
0x15d: {  	s0 =	simm.s32 @!p0 $0x3  }
0x15e: {  	_ =	swait.ge @!p0 [sflag:s0], $0x4000  }
0x15f: {  	s1 =	simm.s32 @!p0 $0x1000;
	[sflag:s0] =	ssyncset.done @!p0 $0x0  }
0x160: {  	s28 =	simm.s32 @!p0 $0x80;
	[sflag:s0] =	ssyncadd.s32 @!p0 $0xFFFFC000;
	s0 =	simm.s32 @!p0 $0x0  }
0x161: {  	[tilespmem:s1], [sflag:$0x1] =	stream.indirect.gather @!p0 [hbm4b:s4+s28], $0x80, s0, s28, $0xb8;
	[tilespmem:$0x1D000] =	vst v63  }
0x162: {  	s0 =	simm.s32 @!p0 $0x2  }
0x163: {  	_ =	swait.ge @!p0 [sflag:s0], $0x4000  }
0x164: {  	[sflag:s0] =	ssyncset.done @!p0 $0x0  }
0x165: {  	s1 =	simm.s32 @!p0 $0xF80;
	[sflag:s0] =	ssyncadd.s32 @!p0 $0xFFFFC000;
	s0 =	simm.s32 @!p0 $0x5000  }
0x166: {  	[spmem:s2] =	stream.indirect.scatter.add.f32 @!p0 [tilespmem:s0], [sflag:$0x4], $0x80, s1, s28, $0xb8;
	[tilespmem:$0x1D000] =	vst v63  }
0x167: {  	s0 =	simm.s32 @!p0 $0x4  }
0x168: {  	_ =	swait.ge @!p0 [sflag:s0], $0x4000  }
0x169: {  	[sflag:s0] =	ssyncset.done @!p0 $0x0  }
0x16a: {  	[sflag:s0] =	ssyncadd.s32 @!p0 $0xFFFFC000  }
0x16b: {  	[tilespmem:s13], [sflag:$0x2] =	stream.indirect.gather [hbm4b:s4+s12], $0x80, s12, s12, $0xb8;
	[tilespmem:$0x1D000] =	vst v63  }
0x16c: {  	_ =	swait.ge [sflag:s14], $0x4000  }
0x16d: {  	[sflag:s14] =	ssyncset.done $0x0  }
0x16e: {  	[sflag:s14] =	ssyncadd.s32 $0xFFFFC000  }
0x16f: {  	[spmem:s2] =	stream.indirect.scatter.add.f32 [tilespmem:s15], [sflag:$0x3], $0x80, s11, s12, $0xb8;
	[tilespmem:$0x1D000] =	vst v63  }
0x170: {  	_ =	swait.ge [sflag:s16], $0x4000  }
0x171: {  	[sflag:s16] =	ssyncset.done $0x0  }
0x172: {  	s28 =	rddreg [dreg:$0x8];
	[sflag:s16] =	ssyncadd.s32 $0xFFFFC000  }
0x173: {  	[tilespmem:s15], [sflag:$0x1] =	stream.indirect.gather [hbm4b:s4+s12], $0x80, s28, s12, $0xb8;
	[tilespmem:$0x1D000] =	vst v63  }
0x174: {  	_ =	swait.ge [sflag:s17], $0x4000  }
0x175: {  	[sflag:s17] =	ssyncset.done $0x0  }
0x176: {  	s29 =	rddreg [dreg:$0x9];
	[sflag:s17] =	ssyncadd.s32 $0xFFFFC000  }
0x177: {  	[spmem:s2] =	stream.indirect.scatter.add.f32 [tilespmem:s13], [sflag:$0x4], $0x80, s29, s12, $0xb8;
	[tilespmem:$0x1D000] =	vst v63  }
0x178: {  	_ =	swait.ge [sflag:s18], $0x4000  }
0x179: {  	[sflag:s18] =	ssyncset.done $0x0  }
0x17a: {  	s30 =	rddreg [dreg:$0xa];
	[sflag:s18] =	ssyncadd.s32 $0xFFFFC000  }
0x17b: {  	[tilespmem:s13], [sflag:$0x2] =	stream.indirect.gather [hbm4b:s4+s12], $0x80, s30, s12, $0xb8;
	[tilespmem:$0x1D000] =	vst v63  }
0x17c: {  	_ =	swait.ge [sflag:s14], $0x4000  }
0x17d: {  	[sflag:s14] =	ssyncset.done $0x0  }
0x17e: {  	s31 =	rddreg [dreg:$0xb];
	[sflag:s14] =	ssyncadd.s32 $0xFFFFC000  }
0x17f: {  	[spmem:s2] =	stream.indirect.scatter.add.f32 [tilespmem:s15], [sflag:$0x3], $0x80, s31, s12, $0xb8;
	[tilespmem:$0x1D000] =	vst v63  }
0x180: {  	_ =	swait.ge [sflag:s16], $0x4000  }
0x181: {  	[sflag:s16] =	ssyncset.done $0x0  }
0x182: {  	s1 =	rddreg [dreg:$0xc];
	[sflag:s16] =	ssyncadd.s32 $0xFFFFC000  }
0x183: {  	[tilespmem:s15], [sflag:$0x1] =	stream.indirect.gather [hbm4b:s4+s12], $0x80, s1, s12, $0xb8;
	[tilespmem:$0x1D000] =	vst v63  }
0x184: {  	_ =	swait.ge [sflag:s17], $0x4000  }
0x185: {  	[sflag:s17] =	ssyncset.done $0x0  }
0x186: {  	s28 =	rddreg [dreg:$0xd];
	[sflag:s17] =	ssyncadd.s32 $0xFFFFC000  }
0x187: {  	[spmem:s2] =	stream.indirect.scatter.add.f32 [tilespmem:s13], [sflag:$0x4], $0x80, s28, s12, $0xb8;
	[tilespmem:$0x1D000] =	vst v63  }
0x188: {  	_ =	swait.ge [sflag:s18], $0x4000  }
0x189: {  	[sflag:s18] =	ssyncset.done $0x0  }
0x18a: {  	s29 =	rddreg [dreg:$0xe];
	[sflag:s18] =	ssyncadd.s32 $0xFFFFC000  }
0x18b: {  	[tilespmem:s13], [sflag:$0x2] =	stream.indirect.gather [hbm4b:s4+s12], $0x80, s29, s12, $0xb8;
	[tilespmem:$0x1D000] =	vst v63  }
0x18c: {  	_ =	swait.ge [sflag:s14], $0x4000  }
0x18d: {  	[sflag:s14] =	ssyncset.done $0x0  }
0x18e: {  	s30 =	rddreg [dreg:$0xf];
	[sflag:s14] =	ssyncadd.s32 $0xFFFFC000  }
0x18f: {  	[spmem:s2] =	stream.indirect.scatter.add.f32 [tilespmem:s15], [sflag:$0x3], $0x80, s30, s12, $0xb8;
	[tilespmem:$0x1D000] =	vst v63  }
0x190: {  	_ =	swait.ge [sflag:s16], $0x4000  }
0x191: {  	[sflag:s16] =	ssyncset.done $0x0  }
0x192: {  	s31 =	rddreg [dreg:$0x10];
	[sflag:s16] =	ssyncadd.s32 $0xFFFFC000  }
0x193: {  	[tilespmem:s15], [sflag:$0x1] =	stream.indirect.gather [hbm4b:s4+s12], $0x80, s31, s12, $0xb8;
	[tilespmem:$0x1D000] =	vst v63  }
0x194: {  	_ =	swait.ge [sflag:s17], $0x4000  }
0x195: {  	[sflag:s17] =	ssyncset.done $0x0  }
0x196: {  	s1 =	rddreg [dreg:$0x11];
	[sflag:s17] =	ssyncadd.s32 $0xFFFFC000  }
0x197: {  	[spmem:s2] =	stream.indirect.scatter.add.f32 [tilespmem:s13], [sflag:$0x4], $0x80, s1, s12, $0xb8;
	[tilespmem:$0x1D000] =	vst v63  }
0x198: {  	_ =	swait.ge [sflag:s18], $0x4000  }
0x199: {  	[sflag:s18] =	ssyncset.done $0x0  }
0x19a: {  	s28 =	rddreg [dreg:$0x12];
	[sflag:s18] =	ssyncadd.s32 $0xFFFFC000  }
0x19b: {  	[tilespmem:s13], [sflag:$0x2] =	stream.indirect.gather [hbm4b:s4+s12], $0x80, s28, s12, $0xb8;
	[tilespmem:$0x1D000] =	vst v63  }
0x19c: {  	_ =	swait.ge [sflag:s14], $0x4000  }
0x19d: {  	s29 =	rddreg [dreg:$0x13];
	[sflag:s14] =	ssyncset.done $0x0  }
0x19e: {  	s30 =	rddreg [dreg:$0x4];
	[sflag:s14] =	ssyncadd.s32 $0xFFFFC000  }
0x19f: {  	[spmem:s2] =	stream.indirect.scatter.add.f32 [tilespmem:s15], [sflag:$0x3], $0x80, s29, s12, $0xb8;
	[tilespmem:$0x1D000] =	vst v63  }
0x1a0: {  	s31 =	sadd.s32 s26, s30  }
0x1a1: {  	[tilespmem:s19], [sflag:$0x5] =	stream.linear.gather [hbm4b:s31+s3], $0x400, $0x38;
	[tilespmem:$0x1D000] =	vst v63  }
0x1a2: {  	_ =	swait.ge [sflag:s10], $0x400  }
0x1a3: {  	s1 =	rddreg [dreg:$0x5];
	[sflag:s10] =	ssyncset.done $0x0  }
0x1a4: {  	s0 =	sadd.s32 s26, s1;
	[sflag:s10] =	ssyncadd.s32 $0xFFFFFC00  }
0x1a5: {  	[tilespmem:s20], [sflag:$0x5] =	stream.linear.gather [hbm4b:s0+s3], $0x400, $0x38;
	[tilespmem:$0x1D000] =	vst v63  }
0x1a6: {  	_ =	swait.ge [sflag:s10], $0x400  }
0x1a7: {  	[sflag:s10] =	ssyncset.done $0x0  }
0x1a8: {  	[sflag:s10] =	ssyncadd.s32 $0xFFFFFC00  }
0x1a9: {  	_ =	swait.ge [sflag:s16], $0x4000  }
0x1aa: {  	[sflag:s16] =	ssyncset.done $0x0  }
0x1ab: {  	[sflag:s16] =	ssyncadd.s32 $0xFFFFC000  }
0x1ac: {  	[tilespmem:s15], [sflag:$0x1] =	stream.indirect.gather [hbm4b:s4+s12], $0x80, s19, s12, $0xb8;
	[tilespmem:$0x1D000] =	vst v63  }
0x1ad: {  	_ =	swait.ge [sflag:s17], $0x4000  }
0x1ae: {  	[sflag:s17] =	ssyncset.done $0x0  }
0x1af: {  	s26 =	rddreg [dreg:$0x14];
	[sflag:s17] =	ssyncadd.s32 $0xFFFFC000  }
0x1b0: {  	[spmem:s2] =	stream.indirect.scatter.add.f32 [tilespmem:s13], [sflag:$0x4], $0x80, s26, s12, $0xb8;
	[tilespmem:$0x1D000] =	vst v63  }
0x1b1: {  	_ =	swait.ge [sflag:s18], $0x4000  }
0x1b2: {  	[sflag:s18] =	ssyncset.done $0x0  }
0x1b3: {  	s28 =	rddreg [dreg:$0x15];
	[sflag:s18] =	ssyncadd.s32 $0xFFFFC000  }
0x1b4: {  	[tilespmem:s13], [sflag:$0x2] =	stream.indirect.gather [hbm4b:s4+s12], $0x80, s28, s12, $0xb8;
	[tilespmem:$0x1D000] =	vst v63  }
0x1b5: {  	_ =	swait.ge [sflag:s14], $0x4000  }
0x1b6: {  	[sflag:s14] =	ssyncset.done $0x0  }
0x1b7: {  	[sflag:s14] =	ssyncadd.s32 $0xFFFFC000  }
0x1b8: {  	[spmem:s2] =	stream.indirect.scatter.add.f32 [tilespmem:s15], [sflag:$0x3], $0x80, s20, s12, $0xb8;
	[tilespmem:$0x1D000] =	vst v63  }
0x1b9: {  	_ =	swait.ge [sflag:s16], $0x4000  }
0x1ba: {  	[sflag:s16] =	ssyncset.done $0x0  }
0x1bb: {  	s29 =	rddreg [dreg:$0x16];
	[sflag:s16] =	ssyncadd.s32 $0xFFFFC000  }
0x1bc: {  	[tilespmem:s15], [sflag:$0x1] =	stream.indirect.gather [hbm4b:s4+s12], $0x80, s29, s12, $0xb8;
	[tilespmem:$0x1D000] =	vst v63  }
0x1bd: {  	_ =	swait.ge [sflag:s17], $0x4000  }
0x1be: {  	[sflag:s17] =	ssyncset.done $0x0  }
0x1bf: {  	s30 =	rddreg [dreg:$0x17];
	[sflag:s17] =	ssyncadd.s32 $0xFFFFC000  }
0x1c0: {  	[spmem:s2] =	stream.indirect.scatter.add.f32 [tilespmem:s13], [sflag:$0x4], $0x80, s30, s12, $0xb8;
	[tilespmem:$0x1D000] =	vst v63  }
0x1c1: {  	_ =	swait.ge [sflag:s18], $0x4000  }
0x1c2: {  	[sflag:s18] =	ssyncset.done $0x0  }
0x1c3: {  	s31 =	rddreg [dreg:$0x18];
	[sflag:s18] =	ssyncadd.s32 $0xFFFFC000  }
0x1c4: {  	[tilespmem:s13], [sflag:$0x2] =	stream.indirect.gather [hbm4b:s4+s12], $0x80, s31, s12, $0xb8;
	[tilespmem:$0x1D000] =	vst v63  }
0x1c5: {  	_ =	swait.ge [sflag:s14], $0x4000  }
0x1c6: {  	[sflag:s14] =	ssyncset.done $0x0  }
0x1c7: {  	s1 =	rddreg [dreg:$0x19];
	[sflag:s14] =	ssyncadd.s32 $0xFFFFC000  }
0x1c8: {  	[spmem:s2] =	stream.indirect.scatter.add.f32 [tilespmem:s15], [sflag:$0x3], $0x80, s1, s12, $0xb8;
	[tilespmem:$0x1D000] =	vst v63  }
0x1c9: {  	_ =	swait.ge [sflag:s16], $0x4000  }
0x1ca: {  	[sflag:s16] =	ssyncset.done $0x0  }
0x1cb: {  	s26 =	rddreg [dreg:$0x1a];
	[sflag:s16] =	ssyncadd.s32 $0xFFFFC000  }
0x1cc: {  	[tilespmem:s15], [sflag:$0x1] =	stream.indirect.gather [hbm4b:s4+s12], $0x80, s26, s12, $0xb8;
	[tilespmem:$0x1D000] =	vst v63  }
0x1cd: {  	_ =	swait.ge [sflag:s17], $0x4000  }
0x1ce: {  	[sflag:s17] =	ssyncset.done $0x0  }
0x1cf: {  	s28 =	rddreg [dreg:$0x1b];
	[sflag:s17] =	ssyncadd.s32 $0xFFFFC000  }
0x1d0: {  	[spmem:s2] =	stream.indirect.scatter.add.f32 [tilespmem:s13], [sflag:$0x4], $0x80, s28, s12, $0xb8;
	[tilespmem:$0x1D000] =	vst v63  }
0x1d1: {  	_ =	swait.ge [sflag:s18], $0x4000  }
0x1d2: {  	[sflag:s18] =	ssyncset.done $0x0  }
0x1d3: {  	s29 =	rddreg [dreg:$0x1c];
	[sflag:s18] =	ssyncadd.s32 $0xFFFFC000  }
0x1d4: {  	[tilespmem:s13], [sflag:$0x2] =	stream.indirect.gather [hbm4b:s4+s12], $0x80, s29, s12, $0xb8;
	[tilespmem:$0x1D000] =	vst v63  }
0x1d5: {  	_ =	swait.ge [sflag:s14], $0x4000  }
0x1d6: {  	[sflag:s14] =	ssyncset.done $0x0  }
0x1d7: {  	s30 =	rddreg [dreg:$0x1d];
	[sflag:s14] =	ssyncadd.s32 $0xFFFFC000  }
0x1d8: {  	[spmem:s2] =	stream.indirect.scatter.add.f32 [tilespmem:s15], [sflag:$0x3], $0x80, s30, s12, $0xb8;
	[tilespmem:$0x1D000] =	vst v63  }
0x1d9: {  	_ =	swait.ge [sflag:s16], $0x4000  }
0x1da: {  	[sflag:s16] =	ssyncset.done $0x0  }
0x1db: {  	s31 =	rddreg [dreg:$0x1e];
	[sflag:s16] =	ssyncadd.s32 $0xFFFFC000  }
0x1dc: {  	[tilespmem:s15], [sflag:$0x1] =	stream.indirect.gather [hbm4b:s4+s12], $0x80, s31, s12, $0xb8;
	[tilespmem:$0x1D000] =	vst v63  }
0x1dd: {  	_ =	swait.ge [sflag:s17], $0x4000  }
0x1de: {  	[sflag:s17] =	ssyncset.done $0x0  }
0x1df: {  	[sflag:s17] =	ssyncadd.s32 $0xFFFFC000  }
0x1e0: {  	[spmem:s2] =	stream.indirect.scatter.add.f32 [tilespmem:s13], [sflag:$0x4], $0x80, s21, s12, $0xb8;
	[tilespmem:$0x1D000] =	vst v63  }
0x1e1: {  	_ =	swait.ge [sflag:s18], $0x4000  }
0x1e2: {  	[sflag:s18] =	ssyncset.done $0x0  }
0x1e3: {  	[sflag:s18] =	ssyncadd.s32 $0xFFFFC000  }
0x1e4: {  	[tilespmem:s13], [sflag:$0x2] =	stream.indirect.gather [hbm4b:s4+s12], $0x80, s22, s12, $0xb8;
	[tilespmem:$0x1D000] =	vst v63  }
0x1e5: {  	_ =	swait.ge [sflag:s14], $0x4000  }
0x1e6: {  	[sflag:s14] =	ssyncset.done $0x0  }
0x1e7: {  	[sflag:s14] =	ssyncadd.s32 $0xFFFFC000  }
0x1e8: {  	[spmem:s2] =	stream.indirect.scatter.add.f32 [tilespmem:s15], [sflag:$0x3], $0x80, s23, s12, $0xb8;
	[tilespmem:$0x1D000] =	vst v63  }
0x1e9: {  	_ =	swait.ge [sflag:s17], $0x4000  }
0x1ea: {  	[sflag:s17] =	ssyncset.done $0x0  }
0x1eb: {  	[sflag:s17] =	ssyncadd.s32 $0xFFFFC000  }
0x1ec: {  	[spmem:s2] =	stream.indirect.scatter.add.f32 [tilespmem:s13], [sflag:$0x4], $0x80, s24, s12, $0xb8;
	[tilespmem:$0x1D000] =	vst v63  }
0x1ed: {  	_ =	swait.ge [sflag:s16], $0x4000  }
0x1ee: {  	[sflag:s16] =	ssyncset.done $0x0  }
0x1ef: {  	[sflag:s16] =	ssyncadd.s32 $0xFFFFC000  }
0x1f0: {  	_ =	swait.ge [sflag:s18], $0x4000  }
0x1f1: {  	s25 =	sadd.s32 $0x1, s25;
	[sflag:s18] =	ssyncset.done $0x0  }
0x1f2: {  	p0 =	sne.s32 s25, s8;
	[sflag:s18] =	ssyncadd.s32 $0xFFFFC000  }
.Ltmp1:
0x1f3: {  	[bflag:$0x0] =	sbarrier.arrive $0xFFFF;
	(pc) =	sbr.rel @p0 .LBB2_1-.Ltmp1, $4  }
0x1f4: {  	[hbm:s7], [sflag:s6] =	dma.local [spmem:s9], $0x2800  }
0x1f5: {  	_ =	swait.ge [sflag:s10], $0x2800  }
0x1f6: {  	[sflag:s10] =	ssyncset.done $0x0  }
0x1f7: {  	[sflag:s10] =	ssyncadd.s32 $0xFFFFD800  }
0x1f8: {  	_ =	sfence.sel $0x180000  }
0x1f9: {  	[bflag:$0x0] =	sbarrier.arrive $0xFFFF  }
0x1fa: {  	_ =	strace $0x9000004A  }
0x1fb: {  	s0 =	stileid.u32;
	[bflag:$0x2] =	sbarrier.arrive $0xFFFF  }
0x1fc: {  	p0 =	sne.s32 s0, $0x0;
	s0 =	rddreg [dreg:$0x3]  }
0x1fd: {  	s0 =	sadd.s32 @!p0 $0x100000, s0  }
0x1fe: {  	[sflag:s0] =	ssyncadd.tile.s32 @!p0 $0x1;
	_ =	shalt  }
.Lfunc_end2:
_tile_overlayer_lowered:
.L_overlay_start_2:
0x1ff: {  	(tag) =	ssettag $0x2  }
0x200: {  	s0 =	rddreg [dreg:$0x0];
	s2 =	stileid.u32  }
0x201: {  	s1 =	rddreg [dreg:$0x1];
	p0 =	sne.s32 s2, $0x0  }
0x202: {  	s3 =	rddreg [dreg:$0x2];
	[bflag:$0x3] =	sbarrier.arrive $0xFFFF;
	s2 =	simm.s32 @!p0 $0x1C05  }
0x203: {  	[timem:s3], [sflag:s2] =	dma.local @!p0 [hbm:s0], s1  }
0x204: {  	s0 =	simm.s32 @!p0 $0x5  }
0x205: {  	_ =	swait.ge @!p0 [sflag:s0], s1  }
0x206: {  	s1 =	ssub.s32 @!p0 $0x0, s1;
	[sflag:s0] =	ssyncset.done @!p0 $0x0  }
0x207: {  	[sflag:s0] =	ssyncadd.s32 @!p0 s1  }
0x208: {  	[bflag:$0x3] =	sbarrier.arrive $0xFFFF  }
0x209: {  	_ =	shalt  }

</sc_bundles>
